<compile_context>
chip_gen: v7x
topology: tpu7x:2x2x1
jax: 0.10.2.dev20260603
libtpu: 0.0.44.dev20260713+nightly
codegen_flags: <defaults>
</compile_context>

<pallas_src>
import jax
import jax.numpy as jnp
from jax import lax
from jax.experimental import pallas as pl
from jax.experimental.pallas import tpu as pltpu
from jax.experimental.pallas import tpu_sc as plsc

R = 262144
K = 512
C = 3
NC = 2
NS = 16
L = 16
NW = NC * NS
ROWS_PER_W = R // NW
CHUNK = 64
NCHUNK = ROWS_PER_W // CHUNK
GROUPS = CHUNK // L
BLOCKS = K // L


def _sc_body(w_hbm, pal_hbm, out_hbm, buf0, buf1, pal_v, out_v, sem0, sem1):
    cid = lax.axis_index("c")
    sid = lax.axis_index("s")
    wid = sid * NC + cid
    row0 = wid * ROWS_PER_W

    pltpu.sync_copy(pal_hbm, pal_v)

    def in_slice(t):
        return w_hbm.at[pl.ds((row0 + t * CHUNK) * K, CHUNK * K)]

    pltpu.async_copy(in_slice(0), buf0, sem0)
    pltpu.async_copy(in_slice(1), buf1, sem1)

    iota = lax.iota(jnp.int32, L)

    def process_chunk(t, buf):
        for g in range(GROUPS):
            base = (g * L + iota) * K
            m0 = jnp.full((L,), -jnp.inf, jnp.float32)
            b0 = jnp.zeros((L,), jnp.int32)

            def blk(_, carry):
                m, bidx, idx0 = carry
                for u in range(L):
                    idxu = idx0 + u
                    v = plsc.load_gather(buf, [idxu])
                    upd = v > m
                    m = jnp.maximum(m, v)
                    bidx = jnp.where(upd, idxu, bidx)
                return m, bidx, idx0 + L

            _, bidx, _ = lax.fori_loop(0, BLOCKS, blk, (m0, b0, base))
            col3 = jnp.bitwise_and(bidx, K - 1) * C
            ob = (t * CHUNK + g * L + iota) * C
            for c in range(C):
                ch = plsc.load_gather(pal_v, [col3 + c])
                plsc.store_scatter(out_v, [ob + c], ch)

    def pair(t2, carry):
        for b, (buf, sem) in enumerate(((buf0, sem0), (buf1, sem1))):
            t = t2 * 2 + b
            pltpu.make_async_copy(in_slice(t), buf, sem).wait()
            process_chunk(t, buf)

            @pl.when(t + 2 < NCHUNK)
            def _():
                pltpu.async_copy(in_slice(t + 2), buf, sem)

        return carry

    lax.fori_loop(0, NCHUNK // 2, pair, 0)

    pltpu.sync_copy(out_v, out_hbm.at[pl.ds(row0 * C, ROWS_PER_W * C)])


_sc_call = pl.kernel(
    _sc_body,
    out_type=jax.ShapeDtypeStruct((R * C,), jnp.float32),
    mesh=plsc.VectorSubcoreMesh(core_axis_name="c", subcore_axis_name="s"),
    compiler_params=pltpu.CompilerParams(needs_layout_passes=False),
    scratch_types=[
        pltpu.VMEM((CHUNK * K,), jnp.float32),
        pltpu.VMEM((CHUNK * K,), jnp.float32),
        pltpu.VMEM((K * C,), jnp.float32),
        pltpu.VMEM((ROWS_PER_W * C,), jnp.float32),
        pltpu.SemaphoreType.DMA,
        pltpu.SemaphoreType.DMA,
    ],
)


def kernel(raw_weights, palette):
    out = _sc_call(raw_weights.reshape(-1), palette.reshape(-1))
    return out.reshape(R, C)

# --- scband reference (transcript-rebuilt; emitter-appended) ---
"""Pipeline reference for scband-rfpalette-38199439130838 (READ-ONLY COPY).

The authoritative reference and input builder live on the scoring server;
editing this copy changes nothing except your own understanding.
"""

import jax, jax.numpy as jnp
import numpy as np


def setup_inputs(seed: int = 0) -> dict:
    key = jax.random.key(seed)
    k1, k2 = jax.random.split(key)
    raw_weights = jax.random.normal(k1, (262144, 512), dtype=jnp.float32)
    palette = jax.random.uniform(k2, (512, 3), dtype=jnp.float32, minval=0.0, maxval=1.0)
    return {"raw_weights": raw_weights, "palette": palette}


def reference(raw_weights, palette):
    color_indices = jnp.argmax(raw_weights, axis=1)
    final_color = jnp.take(palette, color_indices, axis=0)
    return final_color

if __name__ == "__main__":
    import jax
    _d = setup_inputs()
    print(jax.jit(kernel)(*tuple(_d.values())))

</pallas_src>

<mosaic_0001>
#map = affine_map<(d0, d1) -> (0)>
module attributes {stable_mosaic.version = 14 : i64} {
  func.func @_sc_body(%arg0: i32, %arg1: i32, %arg2: memref<134217728xf32, #tpu.memory_space<hbm>>, %arg3: memref<1536xf32, #tpu.memory_space<hbm>>, %arg4: memref<786432xf32, #tpu.memory_space<hbm>>, %arg5: memref<32768xf32, #tpu.memory_space<vmem>>, %arg6: memref<32768xf32, #tpu.memory_space<vmem>>, %arg7: memref<1536xf32, #tpu.memory_space<vmem>>, %arg8: memref<24576xf32, #tpu.memory_space<vmem>>, %arg9: memref<!tpu.dma_semaphore, #tpu.memory_space<semaphore_mem>>, %arg10: memref<!tpu.dma_semaphore, #tpu.memory_space<semaphore_mem>>) attributes {dimension_semantics = [#tpu.dimension_semantics<core_parallel>, #tpu.dimension_semantics<subcore_parallel>], iteration_bounds = array<i64: 2, 16>, scalar_prefetch = 0 : i64, scratch_operands = 6 : i64, tpu.core_type = #tpu.core_type<sc_vector_subcore>, window_params = [{transform_indices = #map}, {transform_indices = #map}, {transform_indices = #map}]} {
    %mul3A = arith.constant 2 : i32
    %mul3A_0 = arith.muli %arg1, %mul3A : i32
    %add3A = arith.addi %mul3A_0, %arg0 : i32
    %mul3A_1 = arith.constant 8192 : i32
    %mul3A_2 = arith.muli %add3A, %mul3A_1 : i32
    "tpu.region"() ({
      %run_scoped3A = tpu.sem_alloc : memref<!tpu.dma_semaphore, #tpu.memory_space<semaphore_mem>>
      tpu.enqueue_dma source(%arg3 : memref<1536xf32, #tpu.memory_space<hbm>>) target(%arg7 : memref<1536xf32, #tpu.memory_space<vmem>>) target_semaphore(%run_scoped3A : memref<!tpu.dma_semaphore, #tpu.memory_space<semaphore_mem>>)
      tpu.wait_dma2 semaphore(%run_scoped3A : memref<!tpu.dma_semaphore, #tpu.memory_space<semaphore_mem>>) src(%arg3 : memref<1536xf32, #tpu.memory_space<hbm>>) dst(%arg7 : memref<1536xf32, #tpu.memory_space<vmem>>)
      tpu.yield
    }) : () -> ()
    %add3A_3 = arith.constant 0 : i32
    %add3A_4 = arith.addi %mul3A_2, %add3A_3 : i32
    %mul3A_5 = arith.constant 512 : i32
    %mul3A_6 = arith.muli %add3A_4, %mul3A_5 : i32
    %dma_start3A = tpu.memref_slice %arg2[%mul3A_6] : memref<134217728xf32, #tpu.memory_space<hbm>> -> memref<32768xf32, #tpu.memory_space<hbm>>
    %dma_start3A_7 = tpu.memref_slice %arg2[%mul3A_6] : memref<134217728xf32, #tpu.memory_space<hbm>> -> memref<32768xf32, #tpu.memory_space<hbm>>
    tpu.enqueue_dma source(%dma_start3A_7 : memref<32768xf32, #tpu.memory_space<hbm>>) target(%arg5 : memref<32768xf32, #tpu.memory_space<vmem>>) target_semaphore(%arg9 : memref<!tpu.dma_semaphore, #tpu.memory_space<semaphore_mem>>)
    %add3A_8 = arith.constant 64 : i32
    %add3A_9 = arith.addi %mul3A_2, %add3A_8 : i32
    %mul3A_10 = arith.constant 512 : i32
    %mul3A_11 = arith.muli %add3A_9, %mul3A_10 : i32
    %dma_start3A_12 = tpu.memref_slice %arg2[%mul3A_11] : memref<134217728xf32, #tpu.memory_space<hbm>> -> memref<32768xf32, #tpu.memory_space<hbm>>
    %dma_start3A_13 = tpu.memref_slice %arg2[%mul3A_11] : memref<134217728xf32, #tpu.memory_space<hbm>> -> memref<32768xf32, #tpu.memory_space<hbm>>
    tpu.enqueue_dma source(%dma_start3A_13 : memref<32768xf32, #tpu.memory_space<hbm>>) target(%arg6 : memref<32768xf32, #tpu.memory_space<vmem>>) target_semaphore(%arg10 : memref<!tpu.dma_semaphore, #tpu.memory_space<semaphore_mem>>)
    %iota3A = tpu.iota {dimensions = array<i32: 0>} : vector<16xi32>
    %scan3A = arith.constant 0 : i32
    %scan3A_14 = arith.constant 0 : i32
    %scan3A_15 = arith.constant 64 : i32
    %scan3A_16 = arith.addi %scan3A_14, %scan3A_15 : i32
    %scan3A_17 = arith.constant 1 : i32
    scf.for %scan3A_21 = %scan3A_14 to %scan3A_16 step %scan3A_17  : i32 {
      %mul3A_22 = arith.constant 2 : i32
      %mul3A_23 = arith.muli %scan3A_21, %mul3A_22 : i32
      %add3A_24 = arith.constant 0 : i32
      %add3A_25 = arith.addi %mul3A_23, %add3A_24 : i32
      %mul3A_26 = arith.constant 64 : i32
      %mul3A_27 = arith.muli %add3A_25, %mul3A_26 : i32
      %add3A_28 = arith.addi %mul3A_2, %mul3A_27 : i32
      %mul3A_29 = arith.constant 512 : i32
      %mul3A_30 = arith.muli %add3A_28, %mul3A_29 : i32
      %dma_wait3A = tpu.memref_slice %arg2[%mul3A_30] : memref<134217728xf32, #tpu.memory_space<hbm>> -> memref<32768xf32, #tpu.memory_space<hbm>>
      %dma_wait3A_31 = tpu.memref_slice %arg2[%mul3A_30] : memref<134217728xf32, #tpu.memory_space<hbm>> -> memref<32768xf32, #tpu.memory_space<hbm>>
      tpu.wait_dma2 semaphore(%arg9 : memref<!tpu.dma_semaphore, #tpu.memory_space<semaphore_mem>>) src(%dma_wait3A_31 : memref<32768xf32, #tpu.memory_space<hbm>>) dst(%arg5 : memref<32768xf32, #tpu.memory_space<vmem>>)
      %add3A_32 = arith.constant 0 : i32
      %add3A_33 = vector.broadcast %add3A_32 : i32 to vector<16xi32>
      %add3A_34 = arith.addi %add3A_33, %iota3A : vector<16xi32>
      %mul3A_35 = arith.constant 512 : i32
      %mul3A_36 = vector.broadcast %mul3A_35 : i32 to vector<16xi32>
      %mul3A_37 = arith.muli %add3A_34, %mul3A_36 : vector<16xi32>
      %broadcast_in_dim3A = arith.constant 0xFF800000 : f32
      %broadcast_in_dim3A_38 = vector.broadcast %broadcast_in_dim3A : f32 to vector<16xf32>
      %broadcast_in_dim3A_39 = arith.constant 0 : i32
      %broadcast_in_dim3A_40 = vector.broadcast %broadcast_in_dim3A_39 : i32 to vector<16xi32>
      %scan3A_41 = arith.constant 0 : i32
      %scan3A_42 = arith.constant 32 : i32
      %scan3A_43 = arith.addi %scan3A_41, %scan3A_42 : i32
      %scan3A_44 = arith.constant 1 : i32
      %scan3A_45:3 = scf.for %scan3A_467 = %scan3A_41 to %scan3A_43 step %scan3A_44 iter_args(%scan3A_468 = %broadcast_in_dim3A_38, %scan3A_469 = %broadcast_in_dim3A_40, %scan3A_470 = %mul3A_37) -> (vector<16xf32>, vector<16xi32>, vector<16xi32>)  : i32 {
        %add3A_471 = arith.constant 0 : i32
        %add3A_472 = vector.broadcast %add3A_471 : i32 to vector<16xi32>
        %add3A_473 = arith.addi %scan3A_470, %add3A_472 : vector<16xi32>
        %gather3A_474 = tpu.vector_load_idx %arg5[%add3A_473] : memref<32768xf32, #tpu.memory_space<vmem>>[vector<16xi32>], vector<16xf32>,
        %gt3A = arith.cmpf ogt, %gather3A_474, %scan3A_468 : vector<16xf32>
        %max3A = arith.maximumf %scan3A_468, %gather3A_474 : vector<16xf32>
        %select_n3A = arith.select %gt3A, %add3A_473, %scan3A_469 : vector<16xi1>, vector<16xi32>
        %add3A_475 = arith.constant 1 : i32
        %add3A_476 = vector.broadcast %add3A_475 : i32 to vector<16xi32>
        %add3A_477 = arith.addi %scan3A_470, %add3A_476 : vector<16xi32>
        %gather3A_478 = tpu.vector_load_idx %arg5[%add3A_477] : memref<32768xf32, #tpu.memory_space<vmem>>[vector<16xi32>], vector<16xf32>,
        %gt3A_479 = arith.cmpf ogt, %gather3A_478, %max3A : vector<16xf32>
        %max3A_480 = arith.maximumf %max3A, %gather3A_478 : vector<16xf32>
        %select_n3A_481 = arith.select %gt3A_479, %add3A_477, %select_n3A : vector<16xi1>, vector<16xi32>
        %add3A_482 = arith.constant 2 : i32
        %add3A_483 = vector.broadcast %add3A_482 : i32 to vector<16xi32>
        %add3A_484 = arith.addi %scan3A_470, %add3A_483 : vector<16xi32>
        %gather3A_485 = tpu.vector_load_idx %arg5[%add3A_484] : memref<32768xf32, #tpu.memory_space<vmem>>[vector<16xi32>], vector<16xf32>,
        %gt3A_486 = arith.cmpf ogt, %gather3A_485, %max3A_480 : vector<16xf32>
        %max3A_487 = arith.maximumf %max3A_480, %gather3A_485 : vector<16xf32>
        %select_n3A_488 = arith.select %gt3A_486, %add3A_484, %select_n3A_481 : vector<16xi1>, vector<16xi32>
        %add3A_489 = arith.constant 3 : i32
        %add3A_490 = vector.broadcast %add3A_489 : i32 to vector<16xi32>
        %add3A_491 = arith.addi %scan3A_470, %add3A_490 : vector<16xi32>
        %gather3A_492 = tpu.vector_load_idx %arg5[%add3A_491] : memref<32768xf32, #tpu.memory_space<vmem>>[vector<16xi32>], vector<16xf32>,
        %gt3A_493 = arith.cmpf ogt, %gather3A_492, %max3A_487 : vector<16xf32>
        %max3A_494 = arith.maximumf %max3A_487, %gather3A_492 : vector<16xf32>
        %select_n3A_495 = arith.select %gt3A_493, %add3A_491, %select_n3A_488 : vector<16xi1>, vector<16xi32>
        %add3A_496 = arith.constant 4 : i32
        %add3A_497 = vector.broadcast %add3A_496 : i32 to vector<16xi32>
        %add3A_498 = arith.addi %scan3A_470, %add3A_497 : vector<16xi32>
        %gather3A_499 = tpu.vector_load_idx %arg5[%add3A_498] : memref<32768xf32, #tpu.memory_space<vmem>>[vector<16xi32>], vector<16xf32>,
        %gt3A_500 = arith.cmpf ogt, %gather3A_499, %max3A_494 : vector<16xf32>
        %max3A_501 = arith.maximumf %max3A_494, %gather3A_499 : vector<16xf32>
        %select_n3A_502 = arith.select %gt3A_500, %add3A_498, %select_n3A_495 : vector<16xi1>, vector<16xi32>
        %add3A_503 = arith.constant 5 : i32
        %add3A_504 = vector.broadcast %add3A_503 : i32 to vector<16xi32>
        %add3A_505 = arith.addi %scan3A_470, %add3A_504 : vector<16xi32>
        %gather3A_506 = tpu.vector_load_idx %arg5[%add3A_505] : memref<32768xf32, #tpu.memory_space<vmem>>[vector<16xi32>], vector<16xf32>,
        %gt3A_507 = arith.cmpf ogt, %gather3A_506, %max3A_501 : vector<16xf32>
        %max3A_508 = arith.maximumf %max3A_501, %gather3A_506 : vector<16xf32>
        %select_n3A_509 = arith.select %gt3A_507, %add3A_505, %select_n3A_502 : vector<16xi1>, vector<16xi32>
        %add3A_510 = arith.constant 6 : i32
        %add3A_511 = vector.broadcast %add3A_510 : i32 to vector<16xi32>
        %add3A_512 = arith.addi %scan3A_470, %add3A_511 : vector<16xi32>
        %gather3A_513 = tpu.vector_load_idx %arg5[%add3A_512] : memref<32768xf32, #tpu.memory_space<vmem>>[vector<16xi32>], vector<16xf32>,
        %gt3A_514 = arith.cmpf ogt, %gather3A_513, %max3A_508 : vector<16xf32>
        %max3A_515 = arith.maximumf %max3A_508, %gather3A_513 : vector<16xf32>
        %select_n3A_516 = arith.select %gt3A_514, %add3A_512, %select_n3A_509 : vector<16xi1>, vector<16xi32>
        %add3A_517 = arith.constant 7 : i32
        %add3A_518 = vector.broadcast %add3A_517 : i32 to vector<16xi32>
        %add3A_519 = arith.addi %scan3A_470, %add3A_518 : vector<16xi32>
        %gather3A_520 = tpu.vector_load_idx %arg5[%add3A_519] : memref<32768xf32, #tpu.memory_space<vmem>>[vector<16xi32>], vector<16xf32>,
        %gt3A_521 = arith.cmpf ogt, %gather3A_520, %max3A_515 : vector<16xf32>
        %max3A_522 = arith.maximumf %max3A_515, %gather3A_520 : vector<16xf32>
        %select_n3A_523 = arith.select %gt3A_521, %add3A_519, %select_n3A_516 : vector<16xi1>, vector<16xi32>
        %add3A_524 = arith.constant 8 : i32
        %add3A_525 = vector.broadcast %add3A_524 : i32 to vector<16xi32>
        %add3A_526 = arith.addi %scan3A_470, %add3A_525 : vector<16xi32>
        %gather3A_527 = tpu.vector_load_idx %arg5[%add3A_526] : memref<32768xf32, #tpu.memory_space<vmem>>[vector<16xi32>], vector<16xf32>,
        %gt3A_528 = arith.cmpf ogt, %gather3A_527, %max3A_522 : vector<16xf32>
        %max3A_529 = arith.maximumf %max3A_522, %gather3A_527 : vector<16xf32>
        %select_n3A_530 = arith.select %gt3A_528, %add3A_526, %select_n3A_523 : vector<16xi1>, vector<16xi32>
        %add3A_531 = arith.constant 9 : i32
        %add3A_532 = vector.broadcast %add3A_531 : i32 to vector<16xi32>
        %add3A_533 = arith.addi %scan3A_470, %add3A_532 : vector<16xi32>
        %gather3A_534 = tpu.vector_load_idx %arg5[%add3A_533] : memref<32768xf32, #tpu.memory_space<vmem>>[vector<16xi32>], vector<16xf32>,
        %gt3A_535 = arith.cmpf ogt, %gather3A_534, %max3A_529 : vector<16xf32>
        %max3A_536 = arith.maximumf %max3A_529, %gather3A_534 : vector<16xf32>
        %select_n3A_537 = arith.select %gt3A_535, %add3A_533, %select_n3A_530 : vector<16xi1>, vector<16xi32>
        %add3A_538 = arith.constant 10 : i32
        %add3A_539 = vector.broadcast %add3A_538 : i32 to vector<16xi32>
        %add3A_540 = arith.addi %scan3A_470, %add3A_539 : vector<16xi32>
        %gather3A_541 = tpu.vector_load_idx %arg5[%add3A_540] : memref<32768xf32, #tpu.memory_space<vmem>>[vector<16xi32>], vector<16xf32>,
        %gt3A_542 = arith.cmpf ogt, %gather3A_541, %max3A_536 : vector<16xf32>
        %max3A_543 = arith.maximumf %max3A_536, %gather3A_541 : vector<16xf32>
        %select_n3A_544 = arith.select %gt3A_542, %add3A_540, %select_n3A_537 : vector<16xi1>, vector<16xi32>
        %add3A_545 = arith.constant 11 : i32
        %add3A_546 = vector.broadcast %add3A_545 : i32 to vector<16xi32>
        %add3A_547 = arith.addi %scan3A_470, %add3A_546 : vector<16xi32>
        %gather3A_548 = tpu.vector_load_idx %arg5[%add3A_547] : memref<32768xf32, #tpu.memory_space<vmem>>[vector<16xi32>], vector<16xf32>,
        %gt3A_549 = arith.cmpf ogt, %gather3A_548, %max3A_543 : vector<16xf32>
        %max3A_550 = arith.maximumf %max3A_543, %gather3A_548 : vector<16xf32>
        %select_n3A_551 = arith.select %gt3A_549, %add3A_547, %select_n3A_544 : vector<16xi1>, vector<16xi32>
        %add3A_552 = arith.constant 12 : i32
        %add3A_553 = vector.broadcast %add3A_552 : i32 to vector<16xi32>
        %add3A_554 = arith.addi %scan3A_470, %add3A_553 : vector<16xi32>
        %gather3A_555 = tpu.vector_load_idx %arg5[%add3A_554] : memref<32768xf32, #tpu.memory_space<vmem>>[vector<16xi32>], vector<16xf32>,
        %gt3A_556 = arith.cmpf ogt, %gather3A_555, %max3A_550 : vector<16xf32>
        %max3A_557 = arith.maximumf %max3A_550, %gather3A_555 : vector<16xf32>
        %select_n3A_558 = arith.select %gt3A_556, %add3A_554, %select_n3A_551 : vector<16xi1>, vector<16xi32>
        %add3A_559 = arith.constant 13 : i32
        %add3A_560 = vector.broadcast %add3A_559 : i32 to vector<16xi32>
        %add3A_561 = arith.addi %scan3A_470, %add3A_560 : vector<16xi32>
        %gather3A_562 = tpu.vector_load_idx %arg5[%add3A_561] : memref<32768xf32, #tpu.memory_space<vmem>>[vector<16xi32>], vector<16xf32>,
        %gt3A_563 = arith.cmpf ogt, %gather3A_562, %max3A_557 : vector<16xf32>
        %max3A_564 = arith.maximumf %max3A_557, %gather3A_562 : vector<16xf32>
        %select_n3A_565 = arith.select %gt3A_563, %add3A_561, %select_n3A_558 : vector<16xi1>, vector<16xi32>
        %add3A_566 = arith.constant 14 : i32
        %add3A_567 = vector.broadcast %add3A_566 : i32 to vector<16xi32>
        %add3A_568 = arith.addi %scan3A_470, %add3A_567 : vector<16xi32>
        %gather3A_569 = tpu.vector_load_idx %arg5[%add3A_568] : memref<32768xf32, #tpu.memory_space<vmem>>[vector<16xi32>], vector<16xf32>,
        %gt3A_570 = arith.cmpf ogt, %gather3A_569, %max3A_564 : vector<16xf32>
        %max3A_571 = arith.maximumf %max3A_564, %gather3A_569 : vector<16xf32>
        %select_n3A_572 = arith.select %gt3A_570, %add3A_568, %select_n3A_565 : vector<16xi1>, vector<16xi32>
        %add3A_573 = arith.constant 15 : i32
        %add3A_574 = vector.broadcast %add3A_573 : i32 to vector<16xi32>
        %add3A_575 = arith.addi %scan3A_470, %add3A_574 : vector<16xi32>
        %gather3A_576 = tpu.vector_load_idx %arg5[%add3A_575] : memref<32768xf32, #tpu.memory_space<vmem>>[vector<16xi32>], vector<16xf32>,
        %gt3A_577 = arith.cmpf ogt, %gather3A_576, %max3A_571 : vector<16xf32>
        %max3A_578 = arith.maximumf %max3A_571, %gather3A_576 : vector<16xf32>
        %select_n3A_579 = arith.select %gt3A_577, %add3A_575, %select_n3A_572 : vector<16xi1>, vector<16xi32>
        %add3A_580 = arith.constant 16 : i32
        %add3A_581 = vector.broadcast %add3A_580 : i32 to vector<16xi32>
        %add3A_582 = arith.addi %scan3A_470, %add3A_581 : vector<16xi32>
        scf.yield %max3A_578, %select_n3A_579, %add3A_582 : vector<16xf32>, vector<16xi32>, vector<16xi32>
      }
      %scan3A_46 = arith.constant 32 : i32
      %and3A = arith.constant 511 : i32
      %and3A_47 = vector.broadcast %and3A : i32 to vector<16xi32>
      %and3A_48 = arith.andi %scan3A_45#1, %and3A_47 : vector<16xi32>
      %mul3A_49 = arith.constant 3 : i32
      %mul3A_50 = vector.broadcast %mul3A_49 : i32 to vector<16xi32>
      %mul3A_51 = arith.muli %and3A_48, %mul3A_50 : vector<16xi32>
      %mul3A_52 = arith.constant 64 : i32
      %mul3A_53 = arith.muli %add3A_25, %mul3A_52 : i32
      %add3A_54 = arith.constant 0 : i32
      %add3A_55 = arith.addi %mul3A_53, %add3A_54 : i32
      %add3A_56 = vector.broadcast %add3A_55 : i32 to vector<16xi32>
      %add3A_57 = arith.addi %add3A_56, %iota3A : vector<16xi32>
      %mul3A_58 = arith.constant 3 : i32
      %mul3A_59 = vector.broadcast %mul3A_58 : i32 to vector<16xi32>
      %mul3A_60 = arith.muli %add3A_57, %mul3A_59 : vector<16xi32>
      %add3A_61 = arith.constant 0 : i32
      %add3A_62 = vector.broadcast %add3A_61 : i32 to vector<16xi32>
      %add3A_63 = arith.addi %mul3A_51, %add3A_62 : vector<16xi32>
      %gather3A = tpu.vector_load_idx %arg7[%add3A_63] : memref<1536xf32, #tpu.memory_space<vmem>>[vector<16xi32>], vector<16xf32>,
      %add3A_64 = arith.constant 0 : i32
      %add3A_65 = vector.broadcast %add3A_64 : i32 to vector<16xi32>
      %add3A_66 = arith.addi %mul3A_60, %add3A_65 : vector<16xi32>
      tpu.vector_store_idx %arg8[%add3A_66], %gather3A : memref<24576xf32, #tpu.memory_space<vmem>>[vector<16xi32>], vector<16xf32>,
      %add3A_67 = arith.constant 1 : i32
      %add3A_68 = vector.broadcast %add3A_67 : i32 to vector<16xi32>
      %add3A_69 = arith.addi %mul3A_51, %add3A_68 : vector<16xi32>
      %gather3A_70 = tpu.vector_load_idx %arg7[%add3A_69] : memref<1536xf32, #tpu.memory_space<vmem>>[vector<16xi32>], vector<16xf32>,
      %add3A_71 = arith.constant 1 : i32
      %add3A_72 = vector.broadcast %add3A_71 : i32 to vector<16xi32>
      %add3A_73 = arith.addi %mul3A_60, %add3A_72 : vector<16xi32>
      tpu.vector_store_idx %arg8[%add3A_73], %gather3A_70 : memref<24576xf32, #tpu.memory_space<vmem>>[vector<16xi32>], vector<16xf32>,
      %add3A_74 = arith.constant 2 : i32
      %add3A_75 = vector.broadcast %add3A_74 : i32 to vector<16xi32>
      %add3A_76 = arith.addi %mul3A_51, %add3A_75 : vector<16xi32>
      %gather3A_77 = tpu.vector_load_idx %arg7[%add3A_76] : memref<1536xf32, #tpu.memory_space<vmem>>[vector<16xi32>], vector<16xf32>,
      %add3A_78 = arith.constant 2 : i32
      %add3A_79 = vector.broadcast %add3A_78 : i32 to vector<16xi32>
      %add3A_80 = arith.addi %mul3A_60, %add3A_79 : vector<16xi32>
      tpu.vector_store_idx %arg8[%add3A_80], %gather3A_77 : memref<24576xf32, #tpu.memory_space<vmem>>[vector<16xi32>], vector<16xf32>,
      %add3A_81 = arith.constant 16 : i32
      %add3A_82 = vector.broadcast %add3A_81 : i32 to vector<16xi32>
      %add3A_83 = arith.addi %add3A_82, %iota3A : vector<16xi32>
      %mul3A_84 = arith.constant 512 : i32
      %mul3A_85 = vector.broadcast %mul3A_84 : i32 to vector<16xi32>
      %mul3A_86 = arith.muli %add3A_83, %mul3A_85 : vector<16xi32>
      %broadcast_in_dim3A_87 = arith.constant 0xFF800000 : f32
      %broadcast_in_dim3A_88 = vector.broadcast %broadcast_in_dim3A_87 : f32 to vector<16xf32>
      %broadcast_in_dim3A_89 = arith.constant 0 : i32
      %broadcast_in_dim3A_90 = vector.broadcast %broadcast_in_dim3A_89 : i32 to vector<16xi32>
      %scan3A_91 = arith.constant 0 : i32
      %scan3A_92 = arith.constant 32 : i32
      %scan3A_93 = arith.addi %scan3A_91, %scan3A_92 : i32
      %scan3A_94 = arith.constant 1 : i32
      %scan3A_95:3 = scf.for %scan3A_467 = %scan3A_91 to %scan3A_93 step %scan3A_94 iter_args(%scan3A_468 = %broadcast_in_dim3A_88, %scan3A_469 = %broadcast_in_dim3A_90, %scan3A_470 = %mul3A_86) -> (vector<16xf32>, vector<16xi32>, vector<16xi32>)  : i32 {
        %add3A_471 = arith.constant 0 : i32
        %add3A_472 = vector.broadcast %add3A_471 : i32 to vector<16xi32>
        %add3A_473 = arith.addi %scan3A_470, %add3A_472 : vector<16xi32>
        %gather3A_474 = tpu.vector_load_idx %arg5[%add3A_473] : memref<32768xf32, #tpu.memory_space<vmem>>[vector<16xi32>], vector<16xf32>,
        %gt3A = arith.cmpf ogt, %gather3A_474, %scan3A_468 : vector<16xf32>
        %max3A = arith.maximumf %scan3A_468, %gather3A_474 : vector<16xf32>
        %select_n3A = arith.select %gt3A, %add3A_473, %scan3A_469 : vector<16xi1>, vector<16xi32>
        %add3A_475 = arith.constant 1 : i32
        %add3A_476 = vector.broadcast %add3A_475 : i32 to vector<16xi32>
        %add3A_477 = arith.addi %scan3A_470, %add3A_476 : vector<16xi32>
        %gather3A_478 = tpu.vector_load_idx %arg5[%add3A_477] : memref<32768xf32, #tpu.memory_space<vmem>>[vector<16xi32>], vector<16xf32>,
        %gt3A_479 = arith.cmpf ogt, %gather3A_478, %max3A : vector<16xf32>
        %max3A_480 = arith.maximumf %max3A, %gather3A_478 : vector<16xf32>
        %select_n3A_481 = arith.select %gt3A_479, %add3A_477, %select_n3A : vector<16xi1>, vector<16xi32>
        %add3A_482 = arith.constant 2 : i32
        %add3A_483 = vector.broadcast %add3A_482 : i32 to vector<16xi32>
        %add3A_484 = arith.addi %scan3A_470, %add3A_483 : vector<16xi32>
        %gather3A_485 = tpu.vector_load_idx %arg5[%add3A_484] : memref<32768xf32, #tpu.memory_space<vmem>>[vector<16xi32>], vector<16xf32>,
        %gt3A_486 = arith.cmpf ogt, %gather3A_485, %max3A_480 : vector<16xf32>
        %max3A_487 = arith.maximumf %max3A_480, %gather3A_485 : vector<16xf32>
        %select_n3A_488 = arith.select %gt3A_486, %add3A_484, %select_n3A_481 : vector<16xi1>, vector<16xi32>
        %add3A_489 = arith.constant 3 : i32
        %add3A_490 = vector.broadcast %add3A_489 : i32 to vector<16xi32>
        %add3A_491 = arith.addi %scan3A_470, %add3A_490 : vector<16xi32>
        %gather3A_492 = tpu.vector_load_idx %arg5[%add3A_491] : memref<32768xf32, #tpu.memory_space<vmem>>[vector<16xi32>], vector<16xf32>,
        %gt3A_493 = arith.cmpf ogt, %gather3A_492, %max3A_487 : vector<16xf32>
        %max3A_494 = arith.maximumf %max3A_487, %gather3A_492 : vector<16xf32>
        %select_n3A_495 = arith.select %gt3A_493, %add3A_491, %select_n3A_488 : vector<16xi1>, vector<16xi32>
        %add3A_496 = arith.constant 4 : i32
        %add3A_497 = vector.broadcast %add3A_496 : i32 to vector<16xi32>
        %add3A_498 = arith.addi %scan3A_470, %add3A_497 : vector<16xi32>
        %gather3A_499 = tpu.vector_load_idx %arg5[%add3A_498] : memref<32768xf32, #tpu.memory_space<vmem>>[vector<16xi32>], vector<16xf32>,
        %gt3A_500 = arith.cmpf ogt, %gather3A_499, %max3A_494 : vector<16xf32>
        %max3A_501 = arith.maximumf %max3A_494, %gather3A_499 : vector<16xf32>
        %select_n3A_502 = arith.select %gt3A_500, %add3A_498, %select_n3A_495 : vector<16xi1>, vector<16xi32>
        %add3A_503 = arith.constant 5 : i32
        %add3A_504 = vector.broadcast %add3A_503 : i32 to vector<16xi32>
        %add3A_505 = arith.addi %scan3A_470, %add3A_504 : vector<16xi32>
        %gather3A_506 = tpu.vector_load_idx %arg5[%add3A_505] : memref<32768xf32, #tpu.memory_space<vmem>>[vector<16xi32>], vector<16xf32>,
        %gt3A_507 = arith.cmpf ogt, %gather3A_506, %max3A_501 : vector<16xf32>
        %max3A_508 = arith.maximumf %max3A_501, %gather3A_506 : vector<16xf32>
        %select_n3A_509 = arith.select %gt3A_507, %add3A_505, %select_n3A_502 : vector<16xi1>, vector<16xi32>
        %add3A_510 = arith.constant 6 : i32
        %add3A_511 = vector.broadcast %add3A_510 : i32 to vector<16xi32>
        %add3A_512 = arith.addi %scan3A_470, %add3A_511 : vector<16xi32>
        %gather3A_513 = tpu.vector_load_idx %arg5[%add3A_512] : memref<32768xf32, #tpu.memory_space<vmem>>[vector<16xi32>], vector<16xf32>,
        %gt3A_514 = arith.cmpf ogt, %gather3A_513, %max3A_508 : vector<16xf32>
        %max3A_515 = arith.maximumf %max3A_508, %gather3A_513 : vector<16xf32>
        %select_n3A_516 = arith.select %gt3A_514, %add3A_512, %select_n3A_509 : vector<16xi1>, vector<16xi32>
        %add3A_517 = arith.constant 7 : i32
        %add3A_518 = vector.broadcast %add3A_517 : i32 to vector<16xi32>
        %add3A_519 = arith.addi %scan3A_470, %add3A_518 : vector<16xi32>
        %gather3A_520 = tpu.vector_load_idx %arg5[%add3A_519] : memref<32768xf32, #tpu.memory_space<vmem>>[vector<16xi32>], vector<16xf32>,
        %gt3A_521 = arith.cmpf ogt, %gather3A_520, %max3A_515 : vector<16xf32>
        %max3A_522 = arith.maximumf %max3A_515, %gather3A_520 : vector<16xf32>
        %select_n3A_523 = arith.select %gt3A_521, %add3A_519, %select_n3A_516 : vector<16xi1>, vector<16xi32>
        %add3A_524 = arith.constant 8 : i32
        %add3A_525 = vector.broadcast %add3A_524 : i32 to vector<16xi32>
        %add3A_526 = arith.addi %scan3A_470, %add3A_525 : vector<16xi32>
        %gather3A_527 = tpu.vector_load_idx %arg5[%add3A_526] : memref<32768xf32, #tpu.memory_space<vmem>>[vector<16xi32>], vector<16xf32>,
        %gt3A_528 = arith.cmpf ogt, %gather3A_527, %max3A_522 : vector<16xf32>
        %max3A_529 = arith.maximumf %max3A_522, %gather3A_527 : vector<16xf32>
        %select_n3A_530 = arith.select %gt3A_528, %add3A_526, %select_n3A_523 : vector<16xi1>, vector<16xi32>
        %add3A_531 = arith.constant 9 : i32
        %add3A_532 = vector.broadcast %add3A_531 : i32 to vector<16xi32>
        %add3A_533 = arith.addi %scan3A_470, %add3A_532 : vector<16xi32>
        %gather3A_534 = tpu.vector_load_idx %arg5[%add3A_533] : memref<32768xf32, #tpu.memory_space<vmem>>[vector<16xi32>], vector<16xf32>,
        %gt3A_535 = arith.cmpf ogt, %gather3A_534, %max3A_529 : vector<16xf32>
        %max3A_536 = arith.maximumf %max3A_529, %gather3A_534 : vector<16xf32>
        %select_n3A_537 = arith.select %gt3A_535, %add3A_533, %select_n3A_530 : vector<16xi1>, vector<16xi32>
        %add3A_538 = arith.constant 10 : i32
        %add3A_539 = vector.broadcast %add3A_538 : i32 to vector<16xi32>
        %add3A_540 = arith.addi %scan3A_470, %add3A_539 : vector<16xi32>
        %gather3A_541 = tpu.vector_load_idx %arg5[%add3A_540] : memref<32768xf32, #tpu.memory_space<vmem>>[vector<16xi32>], vector<16xf32>,
        %gt3A_542 = arith.cmpf ogt, %gather3A_541, %max3A_536 : vector<16xf32>
        %max3A_543 = arith.maximumf %max3A_536, %gather3A_541 : vector<16xf32>
        %select_n3A_544 = arith.select %gt3A_542, %add3A_540, %select_n3A_537 : vector<16xi1>, vector<16xi32>
        %add3A_545 = arith.constant 11 : i32
        %add3A_546 = vector.broadcast %add3A_545 : i32 to vector<16xi32>
        %add3A_547 = arith.addi %scan3A_470, %add3A_546 : vector<16xi32>
        %gather3A_548 = tpu.vector_load_idx %arg5[%add3A_547] : memref<32768xf32, #tpu.memory_space<vmem>>[vector<16xi32>], vector<16xf32>,
        %gt3A_549 = arith.cmpf ogt, %gather3A_548, %max3A_543 : vector<16xf32>
        %max3A_550 = arith.maximumf %max3A_543, %gather3A_548 : vector<16xf32>
        %select_n3A_551 = arith.select %gt3A_549, %add3A_547, %select_n3A_544 : vector<16xi1>, vector<16xi32>
        %add3A_552 = arith.constant 12 : i32
        %add3A_553 = vector.broadcast %add3A_552 : i32 to vector<16xi32>
        %add3A_554 = arith.addi %scan3A_470, %add3A_553 : vector<16xi32>
        %gather3A_555 = tpu.vector_load_idx %arg5[%add3A_554] : memref<32768xf32, #tpu.memory_space<vmem>>[vector<16xi32>], vector<16xf32>,
        %gt3A_556 = arith.cmpf ogt, %gather3A_555, %max3A_550 : vector<16xf32>
        %max3A_557 = arith.maximumf %max3A_550, %gather3A_555 : vector<16xf32>
        %select_n3A_558 = arith.select %gt3A_556, %add3A_554, %select_n3A_551 : vector<16xi1>, vector<16xi32>
        %add3A_559 = arith.constant 13 : i32
        %add3A_560 = vector.broadcast %add3A_559 : i32 to vector<16xi32>
        %add3A_561 = arith.addi %scan3A_470, %add3A_560 : vector<16xi32>
        %gather3A_562 = tpu.vector_load_idx %arg5[%add3A_561] : memref<32768xf32, #tpu.memory_space<vmem>>[vector<16xi32>], vector<16xf32>,
        %gt3A_563 = arith.cmpf ogt, %gather3A_562, %max3A_557 : vector<16xf32>
        %max3A_564 = arith.maximumf %max3A_557, %gather3A_562 : vector<16xf32>
        %select_n3A_565 = arith.select %gt3A_563, %add3A_561, %select_n3A_558 : vector<16xi1>, vector<16xi32>
        %add3A_566 = arith.constant 14 : i32
        %add3A_567 = vector.broadcast %add3A_566 : i32 to vector<16xi32>
        %add3A_568 = arith.addi %scan3A_470, %add3A_567 : vector<16xi32>
        %gather3A_569 = tpu.vector_load_idx %arg5[%add3A_568] : memref<32768xf32, #tpu.memory_space<vmem>>[vector<16xi32>], vector<16xf32>,
        %gt3A_570 = arith.cmpf ogt, %gather3A_569, %max3A_564 : vector<16xf32>
        %max3A_571 = arith.maximumf %max3A_564, %gather3A_569 : vector<16xf32>
        %select_n3A_572 = arith.select %gt3A_570, %add3A_568, %select_n3A_565 : vector<16xi1>, vector<16xi32>
        %add3A_573 = arith.constant 15 : i32
        %add3A_574 = vector.broadcast %add3A_573 : i32 to vector<16xi32>
        %add3A_575 = arith.addi %scan3A_470, %add3A_574 : vector<16xi32>
        %gather3A_576 = tpu.vector_load_idx %arg5[%add3A_575] : memref<32768xf32, #tpu.memory_space<vmem>>[vector<16xi32>], vector<16xf32>,
        %gt3A_577 = arith.cmpf ogt, %gather3A_576, %max3A_571 : vector<16xf32>
        %max3A_578 = arith.maximumf %max3A_571, %gather3A_576 : vector<16xf32>
        %select_n3A_579 = arith.select %gt3A_577, %add3A_575, %select_n3A_572 : vector<16xi1>, vector<16xi32>
        %add3A_580 = arith.constant 16 : i32
        %add3A_581 = vector.broadcast %add3A_580 : i32 to vector<16xi32>
        %add3A_582 = arith.addi %scan3A_470, %add3A_581 : vector<16xi32>
        scf.yield %max3A_578, %select_n3A_579, %add3A_582 : vector<16xf32>, vector<16xi32>, vector<16xi32>
      }
      %scan3A_96 = arith.constant 32 : i32
      %and3A_97 = arith.constant 511 : i32
      %and3A_98 = vector.broadcast %and3A_97 : i32 to vector<16xi32>
      %and3A_99 = arith.andi %scan3A_95#1, %and3A_98 : vector<16xi32>
      %mul3A_100 = arith.constant 3 : i32
      %mul3A_101 = vector.broadcast %mul3A_100 : i32 to vector<16xi32>
      %mul3A_102 = arith.muli %and3A_99, %mul3A_101 : vector<16xi32>
      %mul3A_103 = arith.constant 64 : i32
      %mul3A_104 = arith.muli %add3A_25, %mul3A_103 : i32
      %add3A_105 = arith.constant 16 : i32
      %add3A_106 = arith.addi %mul3A_104, %add3A_105 : i32
      %add3A_107 = vector.broadcast %add3A_106 : i32 to vector<16xi32>
      %add3A_108 = arith.addi %add3A_107, %iota3A : vector<16xi32>
      %mul3A_109 = arith.constant 3 : i32
      %mul3A_110 = vector.broadcast %mul3A_109 : i32 to vector<16xi32>
      %mul3A_111 = arith.muli %add3A_108, %mul3A_110 : vector<16xi32>
      %add3A_112 = arith.constant 0 : i32
      %add3A_113 = vector.broadcast %add3A_112 : i32 to vector<16xi32>
      %add3A_114 = arith.addi %mul3A_102, %add3A_113 : vector<16xi32>
      %gather3A_115 = tpu.vector_load_idx %arg7[%add3A_114] : memref<1536xf32, #tpu.memory_space<vmem>>[vector<16xi32>], vector<16xf32>,
      %add3A_116 = arith.constant 0 : i32
      %add3A_117 = vector.broadcast %add3A_116 : i32 to vector<16xi32>
      %add3A_118 = arith.addi %mul3A_111, %add3A_117 : vector<16xi32>
      tpu.vector_store_idx %arg8[%add3A_118], %gather3A_115 : memref<24576xf32, #tpu.memory_space<vmem>>[vector<16xi32>], vector<16xf32>,
      %add3A_119 = arith.constant 1 : i32
      %add3A_120 = vector.broadcast %add3A_119 : i32 to vector<16xi32>
      %add3A_121 = arith.addi %mul3A_102, %add3A_120 : vector<16xi32>
      %gather3A_122 = tpu.vector_load_idx %arg7[%add3A_121] : memref<1536xf32, #tpu.memory_space<vmem>>[vector<16xi32>], vector<16xf32>,
      %add3A_123 = arith.constant 1 : i32
      %add3A_124 = vector.broadcast %add3A_123 : i32 to vector<16xi32>
      %add3A_125 = arith.addi %mul3A_111, %add3A_124 : vector<16xi32>
      tpu.vector_store_idx %arg8[%add3A_125], %gather3A_122 : memref<24576xf32, #tpu.memory_space<vmem>>[vector<16xi32>], vector<16xf32>,
      %add3A_126 = arith.constant 2 : i32
      %add3A_127 = vector.broadcast %add3A_126 : i32 to vector<16xi32>
      %add3A_128 = arith.addi %mul3A_102, %add3A_127 : vector<16xi32>
      %gather3A_129 = tpu.vector_load_idx %arg7[%add3A_128] : memref<1536xf32, #tpu.memory_space<vmem>>[vector<16xi32>], vector<16xf32>,
      %add3A_130 = arith.constant 2 : i32
      %add3A_131 = vector.broadcast %add3A_130 : i32 to vector<16xi32>
      %add3A_132 = arith.addi %mul3A_111, %add3A_131 : vector<16xi32>
      tpu.vector_store_idx %arg8[%add3A_132], %gather3A_129 : memref<24576xf32, #tpu.memory_space<vmem>>[vector<16xi32>], vector<16xf32>,
      %add3A_133 = arith.constant 32 : i32
      %add3A_134 = vector.broadcast %add3A_133 : i32 to vector<16xi32>
      %add3A_135 = arith.addi %add3A_134, %iota3A : vector<16xi32>
      %mul3A_136 = arith.constant 512 : i32
      %mul3A_137 = vector.broadcast %mul3A_136 : i32 to vector<16xi32>
      %mul3A_138 = arith.muli %add3A_135, %mul3A_137 : vector<16xi32>
      %broadcast_in_dim3A_139 = arith.constant 0xFF800000 : f32
      %broadcast_in_dim3A_140 = vector.broadcast %broadcast_in_dim3A_139 : f32 to vector<16xf32>
      %broadcast_in_dim3A_141 = arith.constant 0 : i32
      %broadcast_in_dim3A_142 = vector.broadcast %broadcast_in_dim3A_141 : i32 to vector<16xi32>
      %scan3A_143 = arith.constant 0 : i32
      %scan3A_144 = arith.constant 32 : i32
      %scan3A_145 = arith.addi %scan3A_143, %scan3A_144 : i32
      %scan3A_146 = arith.constant 1 : i32
      %scan3A_147:3 = scf.for %scan3A_467 = %scan3A_143 to %scan3A_145 step %scan3A_146 iter_args(%scan3A_468 = %broadcast_in_dim3A_140, %scan3A_469 = %broadcast_in_dim3A_142, %scan3A_470 = %mul3A_138) -> (vector<16xf32>, vector<16xi32>, vector<16xi32>)  : i32 {
        %add3A_471 = arith.constant 0 : i32
        %add3A_472 = vector.broadcast %add3A_471 : i32 to vector<16xi32>
        %add3A_473 = arith.addi %scan3A_470, %add3A_472 : vector<16xi32>
        %gather3A_474 = tpu.vector_load_idx %arg5[%add3A_473] : memref<32768xf32, #tpu.memory_space<vmem>>[vector<16xi32>], vector<16xf32>,
        %gt3A = arith.cmpf ogt, %gather3A_474, %scan3A_468 : vector<16xf32>
        %max3A = arith.maximumf %scan3A_468, %gather3A_474 : vector<16xf32>
        %select_n3A = arith.select %gt3A, %add3A_473, %scan3A_469 : vector<16xi1>, vector<16xi32>
        %add3A_475 = arith.constant 1 : i32
        %add3A_476 = vector.broadcast %add3A_475 : i32 to vector<16xi32>
        %add3A_477 = arith.addi %scan3A_470, %add3A_476 : vector<16xi32>
        %gather3A_478 = tpu.vector_load_idx %arg5[%add3A_477] : memref<32768xf32, #tpu.memory_space<vmem>>[vector<16xi32>], vector<16xf32>,
        %gt3A_479 = arith.cmpf ogt, %gather3A_478, %max3A : vector<16xf32>
        %max3A_480 = arith.maximumf %max3A, %gather3A_478 : vector<16xf32>
        %select_n3A_481 = arith.select %gt3A_479, %add3A_477, %select_n3A : vector<16xi1>, vector<16xi32>
        %add3A_482 = arith.constant 2 : i32
        %add3A_483 = vector.broadcast %add3A_482 : i32 to vector<16xi32>
        %add3A_484 = arith.addi %scan3A_470, %add3A_483 : vector<16xi32>
        %gather3A_485 = tpu.vector_load_idx %arg5[%add3A_484] : memref<32768xf32, #tpu.memory_space<vmem>>[vector<16xi32>], vector<16xf32>,
        %gt3A_486 = arith.cmpf ogt, %gather3A_485, %max3A_480 : vector<16xf32>
        %max3A_487 = arith.maximumf %max3A_480, %gather3A_485 : vector<16xf32>
        %select_n3A_488 = arith.select %gt3A_486, %add3A_484, %select_n3A_481 : vector<16xi1>, vector<16xi32>
        %add3A_489 = arith.constant 3 : i32
        %add3A_490 = vector.broadcast %add3A_489 : i32 to vector<16xi32>
        %add3A_491 = arith.addi %scan3A_470, %add3A_490 : vector<16xi32>
        %gather3A_492 = tpu.vector_load_idx %arg5[%add3A_491] : memref<32768xf32, #tpu.memory_space<vmem>>[vector<16xi32>], vector<16xf32>,
        %gt3A_493 = arith.cmpf ogt, %gather3A_492, %max3A_487 : vector<16xf32>
        %max3A_494 = arith.maximumf %max3A_487, %gather3A_492 : vector<16xf32>
        %select_n3A_495 = arith.select %gt3A_493, %add3A_491, %select_n3A_488 : vector<16xi1>, vector<16xi32>
        %add3A_496 = arith.constant 4 : i32
        %add3A_497 = vector.broadcast %add3A_496 : i32 to vector<16xi32>
        %add3A_498 = arith.addi %scan3A_470, %add3A_497 : vector<16xi32>
        %gather3A_499 = tpu.vector_load_idx %arg5[%add3A_498] : memref<32768xf32, #tpu.memory_space<vmem>>[vector<16xi32>], vector<16xf32>,
        %gt3A_500 = arith.cmpf ogt, %gather3A_499, %max3A_494 : vector<16xf32>
        %max3A_501 = arith.maximumf %max3A_494, %gather3A_499 : vector<16xf32>
        %select_n3A_502 = arith.select %gt3A_500, %add3A_498, %select_n3A_495 : vector<16xi1>, vector<16xi32>
        %add3A_503 = arith.constant 5 : i32
        %add3A_504 = vector.broadcast %add3A_503 : i32 to vector<16xi32>
        %add3A_505 = arith.addi %scan3A_470, %add3A_504 : vector<16xi32>
        %gather3A_506 = tpu.vector_load_idx %arg5[%add3A_505] : memref<32768xf32, #tpu.memory_space<vmem>>[vector<16xi32>], vector<16xf32>,
        %gt3A_507 = arith.cmpf ogt, %gather3A_506, %max3A_501 : vector<16xf32>
        %max3A_508 = arith.maximumf %max3A_501, %gather3A_506 : vector<16xf32>
        %select_n3A_509 = arith.select %gt3A_507, %add3A_505, %select_n3A_502 : vector<16xi1>, vector<16xi32>
        %add3A_510 = arith.constant 6 : i32
        %add3A_511 = vector.broadcast %add3A_510 : i32 to vector<16xi32>
        %add3A_512 = arith.addi %scan3A_470, %add3A_511 : vector<16xi32>
        %gather3A_513 = tpu.vector_load_idx %arg5[%add3A_512] : memref<32768xf32, #tpu.memory_space<vmem>>[vector<16xi32>], vector<16xf32>,
        %gt3A_514 = arith.cmpf ogt, %gather3A_513, %max3A_508 : vector<16xf32>
        %max3A_515 = arith.maximumf %max3A_508, %gather3A_513 : vector<16xf32>
        %select_n3A_516 = arith.select %gt3A_514, %add3A_512, %select_n3A_509 : vector<16xi1>, vector<16xi32>
        %add3A_517 = arith.constant 7 : i32
        %add3A_518 = vector.broadcast %add3A_517 : i32 to vector<16xi32>
        %add3A_519 = arith.addi %scan3A_470, %add3A_518 : vector<16xi32>
        %gather3A_520 = tpu.vector_load_idx %arg5[%add3A_519] : memref<32768xf32, #tpu.memory_space<vmem>>[vector<16xi32>], vector<16xf32>,
        %gt3A_521 = arith.cmpf ogt, %gather3A_520, %max3A_515 : vector<16xf32>
        %max3A_522 = arith.maximumf %max3A_515, %gather3A_520 : vector<16xf32>
        %select_n3A_523 = arith.select %gt3A_521, %add3A_519, %select_n3A_516 : vector<16xi1>, vector<16xi32>
        %add3A_524 = arith.constant 8 : i32
        %add3A_525 = vector.broadcast %add3A_524 : i32 to vector<16xi32>
        %add3A_526 = arith.addi %scan3A_470, %add3A_525 : vector<16xi32>
        %gather3A_527 = tpu.vector_load_idx %arg5[%add3A_526] : memref<32768xf32, #tpu.memory_space<vmem>>[vector<16xi32>], vector<16xf32>,
        %gt3A_528 = arith.cmpf ogt, %gather3A_527, %max3A_522 : vector<16xf32>
        %max3A_529 = arith.maximumf %max3A_522, %gather3A_527 : vector<16xf32>
        %select_n3A_530 = arith.select %gt3A_528, %add3A_526, %select_n3A_523 : vector<16xi1>, vector<16xi32>
        %add3A_531 = arith.constant 9 : i32
        %add3A_532 = vector.broadcast %add3A_531 : i32 to vector<16xi32>
        %add3A_533 = arith.addi %scan3A_470, %add3A_532 : vector<16xi32>
        %gather3A_534 = tpu.vector_load_idx %arg5[%add3A_533] : memref<32768xf32, #tpu.memory_space<vmem>>[vector<16xi32>], vector<16xf32>,
        %gt3A_535 = arith.cmpf ogt, %gather3A_534, %max3A_529 : vector<16xf32>
        %max3A_536 = arith.maximumf %max3A_529, %gather3A_534 : vector<16xf32>
        %select_n3A_537 = arith.select %gt3A_535, %add3A_533, %select_n3A_530 : vector<16xi1>, vector<16xi32>
        %add3A_538 = arith.constant 10 : i32
        %add3A_539 = vector.broadcast %add3A_538 : i32 to vector<16xi32>
        %add3A_540 = arith.addi %scan3A_470, %add3A_539 : vector<16xi32>
        %gather3A_541 = tpu.vector_load_idx %arg5[%add3A_540] : memref<32768xf32, #tpu.memory_space<vmem>>[vector<16xi32>], vector<16xf32>,
        %gt3A_542 = arith.cmpf ogt, %gather3A_541, %max3A_536 : vector<16xf32>
        %max3A_543 = arith.maximumf %max3A_536, %gather3A_541 : vector<16xf32>
        %select_n3A_544 = arith.select %gt3A_542, %add3A_540, %select_n3A_537 : vector<16xi1>, vector<16xi32>
        %add3A_545 = arith.constant 11 : i32
        %add3A_546 = vector.broadcast %add3A_545 : i32 to vector<16xi32>
        %add3A_547 = arith.addi %scan3A_470, %add3A_546 : vector<16xi32>
        %gather3A_548 = tpu.vector_load_idx %arg5[%add3A_547] : memref<32768xf32, #tpu.memory_space<vmem>>[vector<16xi32>], vector<16xf32>,
        %gt3A_549 = arith.cmpf ogt, %gather3A_548, %max3A_543 : vector<16xf32>
        %max3A_550 = arith.maximumf %max3A_543, %gather3A_548 : vector<16xf32>
        %select_n3A_551 = arith.select %gt3A_549, %add3A_547, %select_n3A_544 : vector<16xi1>, vector<16xi32>
        %add3A_552 = arith.constant 12 : i32
        %add3A_553 = vector.broadcast %add3A_552 : i32 to vector<16xi32>
        %add3A_554 = arith.addi %scan3A_470, %add3A_553 : vector<16xi32>
        %gather3A_555 = tpu.vector_load_idx %arg5[%add3A_554] : memref<32768xf32, #tpu.memory_space<vmem>>[vector<16xi32>], vector<16xf32>,
        %gt3A_556 = arith.cmpf ogt, %gather3A_555, %max3A_550 : vector<16xf32>
        %max3A_557 = arith.maximumf %max3A_550, %gather3A_555 : vector<16xf32>
        %select_n3A_558 = arith.select %gt3A_556, %add3A_554, %select_n3A_551 : vector<16xi1>, vector<16xi32>
        %add3A_559 = arith.constant 13 : i32
        %add3A_560 = vector.broadcast %add3A_559 : i32 to vector<16xi32>
        %add3A_561 = arith.addi %scan3A_470, %add3A_560 : vector<16xi32>
        %gather3A_562 = tpu.vector_load_idx %arg5[%add3A_561] : memref<32768xf32, #tpu.memory_space<vmem>>[vector<16xi32>], vector<16xf32>,
        %gt3A_563 = arith.cmpf ogt, %gather3A_562, %max3A_557 : vector<16xf32>
        %max3A_564 = arith.maximumf %max3A_557, %gather3A_562 : vector<16xf32>
        %select_n3A_565 = arith.select %gt3A_563, %add3A_561, %select_n3A_558 : vector<16xi1>, vector<16xi32>
        %add3A_566 = arith.constant 14 : i32
        %add3A_567 = vector.broadcast %add3A_566 : i32 to vector<16xi32>
        %add3A_568 = arith.addi %scan3A_470, %add3A_567 : vector<16xi32>
        %gather3A_569 = tpu.vector_load_idx %arg5[%add3A_568] : memref<32768xf32, #tpu.memory_space<vmem>>[vector<16xi32>], vector<16xf32>,
        %gt3A_570 = arith.cmpf ogt, %gather3A_569, %max3A_564 : vector<16xf32>
        %max3A_571 = arith.maximumf %max3A_564, %gather3A_569 : vector<16xf32>
        %select_n3A_572 = arith.select %gt3A_570, %add3A_568, %select_n3A_565 : vector<16xi1>, vector<16xi32>
        %add3A_573 = arith.constant 15 : i32
        %add3A_574 = vector.broadcast %add3A_573 : i32 to vector<16xi32>
        %add3A_575 = arith.addi %scan3A_470, %add3A_574 : vector<16xi32>
        %gather3A_576 = tpu.vector_load_idx %arg5[%add3A_575] : memref<32768xf32, #tpu.memory_space<vmem>>[vector<16xi32>], vector<16xf32>,
        %gt3A_577 = arith.cmpf ogt, %gather3A_576, %max3A_571 : vector<16xf32>
        %max3A_578 = arith.maximumf %max3A_571, %gather3A_576 : vector<16xf32>
        %select_n3A_579 = arith.select %gt3A_577, %add3A_575, %select_n3A_572 : vector<16xi1>, vector<16xi32>
        %add3A_580 = arith.constant 16 : i32
        %add3A_581 = vector.broadcast %add3A_580 : i32 to vector<16xi32>
        %add3A_582 = arith.addi %scan3A_470, %add3A_581 : vector<16xi32>
        scf.yield %max3A_578, %select_n3A_579, %add3A_582 : vector<16xf32>, vector<16xi32>, vector<16xi32>
      }
      %scan3A_148 = arith.constant 32 : i32
      %and3A_149 = arith.constant 511 : i32
      %and3A_150 = vector.broadcast %and3A_149 : i32 to vector<16xi32>
      %and3A_151 = arith.andi %scan3A_147#1, %and3A_150 : vector<16xi32>
      %mul3A_152 = arith.constant 3 : i32
      %mul3A_153 = vector.broadcast %mul3A_152 : i32 to vector<16xi32>
      %mul3A_154 = arith.muli %and3A_151, %mul3A_153 : vector<16xi32>
      %mul3A_155 = arith.constant 64 : i32
      %mul3A_156 = arith.muli %add3A_25, %mul3A_155 : i32
      %add3A_157 = arith.constant 32 : i32
      %add3A_158 = arith.addi %mul3A_156, %add3A_157 : i32
      %add3A_159 = vector.broadcast %add3A_158 : i32 to vector<16xi32>
      %add3A_160 = arith.addi %add3A_159, %iota3A : vector<16xi32>
      %mul3A_161 = arith.constant 3 : i32
      %mul3A_162 = vector.broadcast %mul3A_161 : i32 to vector<16xi32>
      %mul3A_163 = arith.muli %add3A_160, %mul3A_162 : vector<16xi32>
      %add3A_164 = arith.constant 0 : i32
      %add3A_165 = vector.broadcast %add3A_164 : i32 to vector<16xi32>
      %add3A_166 = arith.addi %mul3A_154, %add3A_165 : vector<16xi32>
      %gather3A_167 = tpu.vector_load_idx %arg7[%add3A_166] : memref<1536xf32, #tpu.memory_space<vmem>>[vector<16xi32>], vector<16xf32>,
      %add3A_168 = arith.constant 0 : i32
      %add3A_169 = vector.broadcast %add3A_168 : i32 to vector<16xi32>
      %add3A_170 = arith.addi %mul3A_163, %add3A_169 : vector<16xi32>
      tpu.vector_store_idx %arg8[%add3A_170], %gather3A_167 : memref<24576xf32, #tpu.memory_space<vmem>>[vector<16xi32>], vector<16xf32>,
      %add3A_171 = arith.constant 1 : i32
      %add3A_172 = vector.broadcast %add3A_171 : i32 to vector<16xi32>
      %add3A_173 = arith.addi %mul3A_154, %add3A_172 : vector<16xi32>
      %gather3A_174 = tpu.vector_load_idx %arg7[%add3A_173] : memref<1536xf32, #tpu.memory_space<vmem>>[vector<16xi32>], vector<16xf32>,
      %add3A_175 = arith.constant 1 : i32
      %add3A_176 = vector.broadcast %add3A_175 : i32 to vector<16xi32>
      %add3A_177 = arith.addi %mul3A_163, %add3A_176 : vector<16xi32>
      tpu.vector_store_idx %arg8[%add3A_177], %gather3A_174 : memref<24576xf32, #tpu.memory_space<vmem>>[vector<16xi32>], vector<16xf32>,
      %add3A_178 = arith.constant 2 : i32
      %add3A_179 = vector.broadcast %add3A_178 : i32 to vector<16xi32>
      %add3A_180 = arith.addi %mul3A_154, %add3A_179 : vector<16xi32>
      %gather3A_181 = tpu.vector_load_idx %arg7[%add3A_180] : memref<1536xf32, #tpu.memory_space<vmem>>[vector<16xi32>], vector<16xf32>,
      %add3A_182 = arith.constant 2 : i32
      %add3A_183 = vector.broadcast %add3A_182 : i32 to vector<16xi32>
      %add3A_184 = arith.addi %mul3A_163, %add3A_183 : vector<16xi32>
      tpu.vector_store_idx %arg8[%add3A_184], %gather3A_181 : memref<24576xf32, #tpu.memory_space<vmem>>[vector<16xi32>], vector<16xf32>,
      %add3A_185 = arith.constant 48 : i32
      %add3A_186 = vector.broadcast %add3A_185 : i32 to vector<16xi32>
      %add3A_187 = arith.addi %add3A_186, %iota3A : vector<16xi32>
      %mul3A_188 = arith.constant 512 : i32
      %mul3A_189 = vector.broadcast %mul3A_188 : i32 to vector<16xi32>
      %mul3A_190 = arith.muli %add3A_187, %mul3A_189 : vector<16xi32>
      %broadcast_in_dim3A_191 = arith.constant 0xFF800000 : f32
      %broadcast_in_dim3A_192 = vector.broadcast %broadcast_in_dim3A_191 : f32 to vector<16xf32>
      %broadcast_in_dim3A_193 = arith.constant 0 : i32
      %broadcast_in_dim3A_194 = vector.broadcast %broadcast_in_dim3A_193 : i32 to vector<16xi32>
      %scan3A_195 = arith.constant 0 : i32
      %scan3A_196 = arith.constant 32 : i32
      %scan3A_197 = arith.addi %scan3A_195, %scan3A_196 : i32
      %scan3A_198 = arith.constant 1 : i32
      %scan3A_199:3 = scf.for %scan3A_467 = %scan3A_195 to %scan3A_197 step %scan3A_198 iter_args(%scan3A_468 = %broadcast_in_dim3A_192, %scan3A_469 = %broadcast_in_dim3A_194, %scan3A_470 = %mul3A_190) -> (vector<16xf32>, vector<16xi32>, vector<16xi32>)  : i32 {
        %add3A_471 = arith.constant 0 : i32
        %add3A_472 = vector.broadcast %add3A_471 : i32 to vector<16xi32>
        %add3A_473 = arith.addi %scan3A_470, %add3A_472 : vector<16xi32>
        %gather3A_474 = tpu.vector_load_idx %arg5[%add3A_473] : memref<32768xf32, #tpu.memory_space<vmem>>[vector<16xi32>], vector<16xf32>,
        %gt3A = arith.cmpf ogt, %gather3A_474, %scan3A_468 : vector<16xf32>
        %max3A = arith.maximumf %scan3A_468, %gather3A_474 : vector<16xf32>
        %select_n3A = arith.select %gt3A, %add3A_473, %scan3A_469 : vector<16xi1>, vector<16xi32>
        %add3A_475 = arith.constant 1 : i32
        %add3A_476 = vector.broadcast %add3A_475 : i32 to vector<16xi32>
        %add3A_477 = arith.addi %scan3A_470, %add3A_476 : vector<16xi32>
        %gather3A_478 = tpu.vector_load_idx %arg5[%add3A_477] : memref<32768xf32, #tpu.memory_space<vmem>>[vector<16xi32>], vector<16xf32>,
        %gt3A_479 = arith.cmpf ogt, %gather3A_478, %max3A : vector<16xf32>
        %max3A_480 = arith.maximumf %max3A, %gather3A_478 : vector<16xf32>
        %select_n3A_481 = arith.select %gt3A_479, %add3A_477, %select_n3A : vector<16xi1>, vector<16xi32>
        %add3A_482 = arith.constant 2 : i32
        %add3A_483 = vector.broadcast %add3A_482 : i32 to vector<16xi32>
        %add3A_484 = arith.addi %scan3A_470, %add3A_483 : vector<16xi32>
        %gather3A_485 = tpu.vector_load_idx %arg5[%add3A_484] : memref<32768xf32, #tpu.memory_space<vmem>>[vector<16xi32>], vector<16xf32>,
        %gt3A_486 = arith.cmpf ogt, %gather3A_485, %max3A_480 : vector<16xf32>
        %max3A_487 = arith.maximumf %max3A_480, %gather3A_485 : vector<16xf32>
        %select_n3A_488 = arith.select %gt3A_486, %add3A_484, %select_n3A_481 : vector<16xi1>, vector<16xi32>
        %add3A_489 = arith.constant 3 : i32
        %add3A_490 = vector.broadcast %add3A_489 : i32 to vector<16xi32>
        %add3A_491 = arith.addi %scan3A_470, %add3A_490 : vector<16xi32>
        %gather3A_492 = tpu.vector_load_idx %arg5[%add3A_491] : memref<32768xf32, #tpu.memory_space<vmem>>[vector<16xi32>], vector<16xf32>,
        %gt3A_493 = arith.cmpf ogt, %gather3A_492, %max3A_487 : vector<16xf32>
        %max3A_494 = arith.maximumf %max3A_487, %gather3A_492 : vector<16xf32>
        %select_n3A_495 = arith.select %gt3A_493, %add3A_491, %select_n3A_488 : vector<16xi1>, vector<16xi32>
        %add3A_496 = arith.constant 4 : i32
        %add3A_497 = vector.broadcast %add3A_496 : i32 to vector<16xi32>
        %add3A_498 = arith.addi %scan3A_470, %add3A_497 : vector<16xi32>
        %gather3A_499 = tpu.vector_load_idx %arg5[%add3A_498] : memref<32768xf32, #tpu.memory_space<vmem>>[vector<16xi32>], vector<16xf32>,
        %gt3A_500 = arith.cmpf ogt, %gather3A_499, %max3A_494 : vector<16xf32>
        %max3A_501 = arith.maximumf %max3A_494, %gather3A_499 : vector<16xf32>
        %select_n3A_502 = arith.select %gt3A_500, %add3A_498, %select_n3A_495 : vector<16xi1>, vector<16xi32>
        %add3A_503 = arith.constant 5 : i32
        %add3A_504 = vector.broadcast %add3A_503 : i32 to vector<16xi32>
        %add3A_505 = arith.addi %scan3A_470, %add3A_504 : vector<16xi32>
        %gather3A_506 = tpu.vector_load_idx %arg5[%add3A_505] : memref<32768xf32, #tpu.memory_space<vmem>>[vector<16xi32>], vector<16xf32>,
        %gt3A_507 = arith.cmpf ogt, %gather3A_506, %max3A_501 : vector<16xf32>
        %max3A_508 = arith.maximumf %max3A_501, %gather3A_506 : vector<16xf32>
        %select_n3A_509 = arith.select %gt3A_507, %add3A_505, %select_n3A_502 : vector<16xi1>, vector<16xi32>
        %add3A_510 = arith.constant 6 : i32
        %add3A_511 = vector.broadcast %add3A_510 : i32 to vector<16xi32>
        %add3A_512 = arith.addi %scan3A_470, %add3A_511 : vector<16xi32>
        %gather3A_513 = tpu.vector_load_idx %arg5[%add3A_512] : memref<32768xf32, #tpu.memory_space<vmem>>[vector<16xi32>], vector<16xf32>,
        %gt3A_514 = arith.cmpf ogt, %gather3A_513, %max3A_508 : vector<16xf32>
        %max3A_515 = arith.maximumf %max3A_508, %gather3A_513 : vector<16xf32>
        %select_n3A_516 = arith.select %gt3A_514, %add3A_512, %select_n3A_509 : vector<16xi1>, vector<16xi32>
        %add3A_517 = arith.constant 7 : i32
        %add3A_518 = vector.broadcast %add3A_517 : i32 to vector<16xi32>
        %add3A_519 = arith.addi %scan3A_470, %add3A_518 : vector<16xi32>
        %gather3A_520 = tpu.vector_load_idx %arg5[%add3A_519] : memref<32768xf32, #tpu.memory_space<vmem>>[vector<16xi32>], vector<16xf32>,
        %gt3A_521 = arith.cmpf ogt, %gather3A_520, %max3A_515 : vector<16xf32>
        %max3A_522 = arith.maximumf %max3A_515, %gather3A_520 : vector<16xf32>
        %select_n3A_523 = arith.select %gt3A_521, %add3A_519, %select_n3A_516 : vector<16xi1>, vector<16xi32>
        %add3A_524 = arith.constant 8 : i32
        %add3A_525 = vector.broadcast %add3A_524 : i32 to vector<16xi32>
        %add3A_526 = arith.addi %scan3A_470, %add3A_525 : vector<16xi32>
        %gather3A_527 = tpu.vector_load_idx %arg5[%add3A_526] : memref<32768xf32, #tpu.memory_space<vmem>>[vector<16xi32>], vector<16xf32>,
        %gt3A_528 = arith.cmpf ogt, %gather3A_527, %max3A_522 : vector<16xf32>
        %max3A_529 = arith.maximumf %max3A_522, %gather3A_527 : vector<16xf32>
        %select_n3A_530 = arith.select %gt3A_528, %add3A_526, %select_n3A_523 : vector<16xi1>, vector<16xi32>
        %add3A_531 = arith.constant 9 : i32
        %add3A_532 = vector.broadcast %add3A_531 : i32 to vector<16xi32>
        %add3A_533 = arith.addi %scan3A_470, %add3A_532 : vector<16xi32>
        %gather3A_534 = tpu.vector_load_idx %arg5[%add3A_533] : memref<32768xf32, #tpu.memory_space<vmem>>[vector<16xi32>], vector<16xf32>,
        %gt3A_535 = arith.cmpf ogt, %gather3A_534, %max3A_529 : vector<16xf32>
        %max3A_536 = arith.maximumf %max3A_529, %gather3A_534 : vector<16xf32>
        %select_n3A_537 = arith.select %gt3A_535, %add3A_533, %select_n3A_530 : vector<16xi1>, vector<16xi32>
        %add3A_538 = arith.constant 10 : i32
        %add3A_539 = vector.broadcast %add3A_538 : i32 to vector<16xi32>
        %add3A_540 = arith.addi %scan3A_470, %add3A_539 : vector<16xi32>
        %gather3A_541 = tpu.vector_load_idx %arg5[%add3A_540] : memref<32768xf32, #tpu.memory_space<vmem>>[vector<16xi32>], vector<16xf32>,
        %gt3A_542 = arith.cmpf ogt, %gather3A_541, %max3A_536 : vector<16xf32>
        %max3A_543 = arith.maximumf %max3A_536, %gather3A_541 : vector<16xf32>
        %select_n3A_544 = arith.select %gt3A_542, %add3A_540, %select_n3A_537 : vector<16xi1>, vector<16xi32>
        %add3A_545 = arith.constant 11 : i32
        %add3A_546 = vector.broadcast %add3A_545 : i32 to vector<16xi32>
        %add3A_547 = arith.addi %scan3A_470, %add3A_546 : vector<16xi32>
        %gather3A_548 = tpu.vector_load_idx %arg5[%add3A_547] : memref<32768xf32, #tpu.memory_space<vmem>>[vector<16xi32>], vector<16xf32>,
        %gt3A_549 = arith.cmpf ogt, %gather3A_548, %max3A_543 : vector<16xf32>
        %max3A_550 = arith.maximumf %max3A_543, %gather3A_548 : vector<16xf32>
        %select_n3A_551 = arith.select %gt3A_549, %add3A_547, %select_n3A_544 : vector<16xi1>, vector<16xi32>
        %add3A_552 = arith.constant 12 : i32
        %add3A_553 = vector.broadcast %add3A_552 : i32 to vector<16xi32>
        %add3A_554 = arith.addi %scan3A_470, %add3A_553 : vector<16xi32>
        %gather3A_555 = tpu.vector_load_idx %arg5[%add3A_554] : memref<32768xf32, #tpu.memory_space<vmem>>[vector<16xi32>], vector<16xf32>,
        %gt3A_556 = arith.cmpf ogt, %gather3A_555, %max3A_550 : vector<16xf32>
        %max3A_557 = arith.maximumf %max3A_550, %gather3A_555 : vector<16xf32>
        %select_n3A_558 = arith.select %gt3A_556, %add3A_554, %select_n3A_551 : vector<16xi1>, vector<16xi32>
        %add3A_559 = arith.constant 13 : i32
        %add3A_560 = vector.broadcast %add3A_559 : i32 to vector<16xi32>
        %add3A_561 = arith.addi %scan3A_470, %add3A_560 : vector<16xi32>
        %gather3A_562 = tpu.vector_load_idx %arg5[%add3A_561] : memref<32768xf32, #tpu.memory_space<vmem>>[vector<16xi32>], vector<16xf32>,
        %gt3A_563 = arith.cmpf ogt, %gather3A_562, %max3A_557 : vector<16xf32>
        %max3A_564 = arith.maximumf %max3A_557, %gather3A_562 : vector<16xf32>
        %select_n3A_565 = arith.select %gt3A_563, %add3A_561, %select_n3A_558 : vector<16xi1>, vector<16xi32>
        %add3A_566 = arith.constant 14 : i32
        %add3A_567 = vector.broadcast %add3A_566 : i32 to vector<16xi32>
        %add3A_568 = arith.addi %scan3A_470, %add3A_567 : vector<16xi32>
        %gather3A_569 = tpu.vector_load_idx %arg5[%add3A_568] : memref<32768xf32, #tpu.memory_space<vmem>>[vector<16xi32>], vector<16xf32>,
        %gt3A_570 = arith.cmpf ogt, %gather3A_569, %max3A_564 : vector<16xf32>
        %max3A_571 = arith.maximumf %max3A_564, %gather3A_569 : vector<16xf32>
        %select_n3A_572 = arith.select %gt3A_570, %add3A_568, %select_n3A_565 : vector<16xi1>, vector<16xi32>
        %add3A_573 = arith.constant 15 : i32
        %add3A_574 = vector.broadcast %add3A_573 : i32 to vector<16xi32>
        %add3A_575 = arith.addi %scan3A_470, %add3A_574 : vector<16xi32>
        %gather3A_576 = tpu.vector_load_idx %arg5[%add3A_575] : memref<32768xf32, #tpu.memory_space<vmem>>[vector<16xi32>], vector<16xf32>,
        %gt3A_577 = arith.cmpf ogt, %gather3A_576, %max3A_571 : vector<16xf32>
        %max3A_578 = arith.maximumf %max3A_571, %gather3A_576 : vector<16xf32>
        %select_n3A_579 = arith.select %gt3A_577, %add3A_575, %select_n3A_572 : vector<16xi1>, vector<16xi32>
        %add3A_580 = arith.constant 16 : i32
        %add3A_581 = vector.broadcast %add3A_580 : i32 to vector<16xi32>
        %add3A_582 = arith.addi %scan3A_470, %add3A_581 : vector<16xi32>
        scf.yield %max3A_578, %select_n3A_579, %add3A_582 : vector<16xf32>, vector<16xi32>, vector<16xi32>
      }
      %scan3A_200 = arith.constant 32 : i32
      %and3A_201 = arith.constant 511 : i32
      %and3A_202 = vector.broadcast %and3A_201 : i32 to vector<16xi32>
      %and3A_203 = arith.andi %scan3A_199#1, %and3A_202 : vector<16xi32>
      %mul3A_204 = arith.constant 3 : i32
      %mul3A_205 = vector.broadcast %mul3A_204 : i32 to vector<16xi32>
      %mul3A_206 = arith.muli %and3A_203, %mul3A_205 : vector<16xi32>
      %mul3A_207 = arith.constant 64 : i32
      %mul3A_208 = arith.muli %add3A_25, %mul3A_207 : i32
      %add3A_209 = arith.constant 48 : i32
      %add3A_210 = arith.addi %mul3A_208, %add3A_209 : i32
      %add3A_211 = vector.broadcast %add3A_210 : i32 to vector<16xi32>
      %add3A_212 = arith.addi %add3A_211, %iota3A : vector<16xi32>
      %mul3A_213 = arith.constant 3 : i32
      %mul3A_214 = vector.broadcast %mul3A_213 : i32 to vector<16xi32>
      %mul3A_215 = arith.muli %add3A_212, %mul3A_214 : vector<16xi32>
      %add3A_216 = arith.constant 0 : i32
      %add3A_217 = vector.broadcast %add3A_216 : i32 to vector<16xi32>
      %add3A_218 = arith.addi %mul3A_206, %add3A_217 : vector<16xi32>
      %gather3A_219 = tpu.vector_load_idx %arg7[%add3A_218] : memref<1536xf32, #tpu.memory_space<vmem>>[vector<16xi32>], vector<16xf32>,
      %add3A_220 = arith.constant 0 : i32
      %add3A_221 = vector.broadcast %add3A_220 : i32 to vector<16xi32>
      %add3A_222 = arith.addi %mul3A_215, %add3A_221 : vector<16xi32>
      tpu.vector_store_idx %arg8[%add3A_222], %gather3A_219 : memref<24576xf32, #tpu.memory_space<vmem>>[vector<16xi32>], vector<16xf32>,
      %add3A_223 = arith.constant 1 : i32
      %add3A_224 = vector.broadcast %add3A_223 : i32 to vector<16xi32>
      %add3A_225 = arith.addi %mul3A_206, %add3A_224 : vector<16xi32>
      %gather3A_226 = tpu.vector_load_idx %arg7[%add3A_225] : memref<1536xf32, #tpu.memory_space<vmem>>[vector<16xi32>], vector<16xf32>,
      %add3A_227 = arith.constant 1 : i32
      %add3A_228 = vector.broadcast %add3A_227 : i32 to vector<16xi32>
      %add3A_229 = arith.addi %mul3A_215, %add3A_228 : vector<16xi32>
      tpu.vector_store_idx %arg8[%add3A_229], %gather3A_226 : memref<24576xf32, #tpu.memory_space<vmem>>[vector<16xi32>], vector<16xf32>,
      %add3A_230 = arith.constant 2 : i32
      %add3A_231 = vector.broadcast %add3A_230 : i32 to vector<16xi32>
      %add3A_232 = arith.addi %mul3A_206, %add3A_231 : vector<16xi32>
      %gather3A_233 = tpu.vector_load_idx %arg7[%add3A_232] : memref<1536xf32, #tpu.memory_space<vmem>>[vector<16xi32>], vector<16xf32>,
      %add3A_234 = arith.constant 2 : i32
      %add3A_235 = vector.broadcast %add3A_234 : i32 to vector<16xi32>
      %add3A_236 = arith.addi %mul3A_215, %add3A_235 : vector<16xi32>
      tpu.vector_store_idx %arg8[%add3A_236], %gather3A_233 : memref<24576xf32, #tpu.memory_space<vmem>>[vector<16xi32>], vector<16xf32>,
      %add3A_237 = arith.constant 2 : i32
      %add3A_238 = arith.addi %add3A_25, %add3A_237 : i32
      %lt3A = arith.constant 128 : i32
      %lt3A_239 = arith.cmpi slt, %add3A_238, %lt3A : i32
      %convert_element_type3A = arith.extui %lt3A_239 : i1 to i32
      %cond3A = arith.constant 0 : i32
      %cond3A_240 = arith.cmpi ne, %convert_element_type3A, %cond3A : i32
      scf.if %cond3A_240 {
        %add3A_467 = arith.constant 2 : i32
        %add3A_468 = arith.addi %add3A_25, %add3A_467 : i32
        %mul3A_469 = arith.constant 64 : i32
        %mul3A_470 = arith.muli %add3A_468, %mul3A_469 : i32
        %add3A_471 = arith.addi %mul3A_2, %mul3A_470 : i32
        %mul3A_472 = arith.constant 512 : i32
        %mul3A_473 = arith.muli %add3A_471, %mul3A_472 : i32
        %dma_start3A_474 = tpu.memref_slice %arg2[%mul3A_473] : memref<134217728xf32, #tpu.memory_space<hbm>> -> memref<32768xf32, #tpu.memory_space<hbm>>
        %dma_start3A_475 = tpu.memref_slice %arg2[%mul3A_473] : memref<134217728xf32, #tpu.memory_space<hbm>> -> memref<32768xf32, #tpu.memory_space<hbm>>
        tpu.enqueue_dma source(%dma_start3A_475 : memref<32768xf32, #tpu.memory_space<hbm>>) target(%arg5 : memref<32768xf32, #tpu.memory_space<vmem>>) target_semaphore(%arg9 : memref<!tpu.dma_semaphore, #tpu.memory_space<semaphore_mem>>)
      } else {
      }
      %mul3A_241 = arith.constant 2 : i32
      %mul3A_242 = arith.muli %scan3A_21, %mul3A_241 : i32
      %add3A_243 = arith.constant 1 : i32
      %add3A_244 = arith.addi %mul3A_242, %add3A_243 : i32
      %mul3A_245 = arith.constant 64 : i32
      %mul3A_246 = arith.muli %add3A_244, %mul3A_245 : i32
      %add3A_247 = arith.addi %mul3A_2, %mul3A_246 : i32
      %mul3A_248 = arith.constant 512 : i32
      %mul3A_249 = arith.muli %add3A_247, %mul3A_248 : i32
      %dma_wait3A_250 = tpu.memref_slice %arg2[%mul3A_249] : memref<134217728xf32, #tpu.memory_space<hbm>> -> memref<32768xf32, #tpu.memory_space<hbm>>
      %dma_wait3A_251 = tpu.memref_slice %arg2[%mul3A_249] : memref<134217728xf32, #tpu.memory_space<hbm>> -> memref<32768xf32, #tpu.memory_space<hbm>>
      tpu.wait_dma2 semaphore(%arg10 : memref<!tpu.dma_semaphore, #tpu.memory_space<semaphore_mem>>) src(%dma_wait3A_251 : memref<32768xf32, #tpu.memory_space<hbm>>) dst(%arg6 : memref<32768xf32, #tpu.memory_space<vmem>>)
      %add3A_252 = arith.constant 0 : i32
      %add3A_253 = vector.broadcast %add3A_252 : i32 to vector<16xi32>
      %add3A_254 = arith.addi %add3A_253, %iota3A : vector<16xi32>
      %mul3A_255 = arith.constant 512 : i32
      %mul3A_256 = vector.broadcast %mul3A_255 : i32 to vector<16xi32>
      %mul3A_257 = arith.muli %add3A_254, %mul3A_256 : vector<16xi32>
      %broadcast_in_dim3A_258 = arith.constant 0xFF800000 : f32
      %broadcast_in_dim3A_259 = vector.broadcast %broadcast_in_dim3A_258 : f32 to vector<16xf32>
      %broadcast_in_dim3A_260 = arith.constant 0 : i32
      %broadcast_in_dim3A_261 = vector.broadcast %broadcast_in_dim3A_260 : i32 to vector<16xi32>
      %scan3A_262 = arith.constant 0 : i32
      %scan3A_263 = arith.constant 32 : i32
      %scan3A_264 = arith.addi %scan3A_262, %scan3A_263 : i32
      %scan3A_265 = arith.constant 1 : i32
      %scan3A_266:3 = scf.for %scan3A_467 = %scan3A_262 to %scan3A_264 step %scan3A_265 iter_args(%scan3A_468 = %broadcast_in_dim3A_259, %scan3A_469 = %broadcast_in_dim3A_261, %scan3A_470 = %mul3A_257) -> (vector<16xf32>, vector<16xi32>, vector<16xi32>)  : i32 {
        %add3A_471 = arith.constant 0 : i32
        %add3A_472 = vector.broadcast %add3A_471 : i32 to vector<16xi32>
        %add3A_473 = arith.addi %scan3A_470, %add3A_472 : vector<16xi32>
        %gather3A_474 = tpu.vector_load_idx %arg6[%add3A_473] : memref<32768xf32, #tpu.memory_space<vmem>>[vector<16xi32>], vector<16xf32>,
        %gt3A = arith.cmpf ogt, %gather3A_474, %scan3A_468 : vector<16xf32>
        %max3A = arith.maximumf %scan3A_468, %gather3A_474 : vector<16xf32>
        %select_n3A = arith.select %gt3A, %add3A_473, %scan3A_469 : vector<16xi1>, vector<16xi32>
        %add3A_475 = arith.constant 1 : i32
        %add3A_476 = vector.broadcast %add3A_475 : i32 to vector<16xi32>
        %add3A_477 = arith.addi %scan3A_470, %add3A_476 : vector<16xi32>
        %gather3A_478 = tpu.vector_load_idx %arg6[%add3A_477] : memref<32768xf32, #tpu.memory_space<vmem>>[vector<16xi32>], vector<16xf32>,
        %gt3A_479 = arith.cmpf ogt, %gather3A_478, %max3A : vector<16xf32>
        %max3A_480 = arith.maximumf %max3A, %gather3A_478 : vector<16xf32>
        %select_n3A_481 = arith.select %gt3A_479, %add3A_477, %select_n3A : vector<16xi1>, vector<16xi32>
        %add3A_482 = arith.constant 2 : i32
        %add3A_483 = vector.broadcast %add3A_482 : i32 to vector<16xi32>
        %add3A_484 = arith.addi %scan3A_470, %add3A_483 : vector<16xi32>
        %gather3A_485 = tpu.vector_load_idx %arg6[%add3A_484] : memref<32768xf32, #tpu.memory_space<vmem>>[vector<16xi32>], vector<16xf32>,
        %gt3A_486 = arith.cmpf ogt, %gather3A_485, %max3A_480 : vector<16xf32>
        %max3A_487 = arith.maximumf %max3A_480, %gather3A_485 : vector<16xf32>
        %select_n3A_488 = arith.select %gt3A_486, %add3A_484, %select_n3A_481 : vector<16xi1>, vector<16xi32>
        %add3A_489 = arith.constant 3 : i32
        %add3A_490 = vector.broadcast %add3A_489 : i32 to vector<16xi32>
        %add3A_491 = arith.addi %scan3A_470, %add3A_490 : vector<16xi32>
        %gather3A_492 = tpu.vector_load_idx %arg6[%add3A_491] : memref<32768xf32, #tpu.memory_space<vmem>>[vector<16xi32>], vector<16xf32>,
        %gt3A_493 = arith.cmpf ogt, %gather3A_492, %max3A_487 : vector<16xf32>
        %max3A_494 = arith.maximumf %max3A_487, %gather3A_492 : vector<16xf32>
        %select_n3A_495 = arith.select %gt3A_493, %add3A_491, %select_n3A_488 : vector<16xi1>, vector<16xi32>
        %add3A_496 = arith.constant 4 : i32
        %add3A_497 = vector.broadcast %add3A_496 : i32 to vector<16xi32>
        %add3A_498 = arith.addi %scan3A_470, %add3A_497 : vector<16xi32>
        %gather3A_499 = tpu.vector_load_idx %arg6[%add3A_498] : memref<32768xf32, #tpu.memory_space<vmem>>[vector<16xi32>], vector<16xf32>,
        %gt3A_500 = arith.cmpf ogt, %gather3A_499, %max3A_494 : vector<16xf32>
        %max3A_501 = arith.maximumf %max3A_494, %gather3A_499 : vector<16xf32>
        %select_n3A_502 = arith.select %gt3A_500, %add3A_498, %select_n3A_495 : vector<16xi1>, vector<16xi32>
        %add3A_503 = arith.constant 5 : i32
        %add3A_504 = vector.broadcast %add3A_503 : i32 to vector<16xi32>
        %add3A_505 = arith.addi %scan3A_470, %add3A_504 : vector<16xi32>
        %gather3A_506 = tpu.vector_load_idx %arg6[%add3A_505] : memref<32768xf32, #tpu.memory_space<vmem>>[vector<16xi32>], vector<16xf32>,
        %gt3A_507 = arith.cmpf ogt, %gather3A_506, %max3A_501 : vector<16xf32>
        %max3A_508 = arith.maximumf %max3A_501, %gather3A_506 : vector<16xf32>
        %select_n3A_509 = arith.select %gt3A_507, %add3A_505, %select_n3A_502 : vector<16xi1>, vector<16xi32>
        %add3A_510 = arith.constant 6 : i32
        %add3A_511 = vector.broadcast %add3A_510 : i32 to vector<16xi32>
        %add3A_512 = arith.addi %scan3A_470, %add3A_511 : vector<16xi32>
        %gather3A_513 = tpu.vector_load_idx %arg6[%add3A_512] : memref<32768xf32, #tpu.memory_space<vmem>>[vector<16xi32>], vector<16xf32>,
        %gt3A_514 = arith.cmpf ogt, %gather3A_513, %max3A_508 : vector<16xf32>
        %max3A_515 = arith.maximumf %max3A_508, %gather3A_513 : vector<16xf32>
        %select_n3A_516 = arith.select %gt3A_514, %add3A_512, %select_n3A_509 : vector<16xi1>, vector<16xi32>
        %add3A_517 = arith.constant 7 : i32
        %add3A_518 = vector.broadcast %add3A_517 : i32 to vector<16xi32>
        %add3A_519 = arith.addi %scan3A_470, %add3A_518 : vector<16xi32>
        %gather3A_520 = tpu.vector_load_idx %arg6[%add3A_519] : memref<32768xf32, #tpu.memory_space<vmem>>[vector<16xi32>], vector<16xf32>,
        %gt3A_521 = arith.cmpf ogt, %gather3A_520, %max3A_515 : vector<16xf32>
        %max3A_522 = arith.maximumf %max3A_515, %gather3A_520 : vector<16xf32>
        %select_n3A_523 = arith.select %gt3A_521, %add3A_519, %select_n3A_516 : vector<16xi1>, vector<16xi32>
        %add3A_524 = arith.constant 8 : i32
        %add3A_525 = vector.broadcast %add3A_524 : i32 to vector<16xi32>
        %add3A_526 = arith.addi %scan3A_470, %add3A_525 : vector<16xi32>
        %gather3A_527 = tpu.vector_load_idx %arg6[%add3A_526] : memref<32768xf32, #tpu.memory_space<vmem>>[vector<16xi32>], vector<16xf32>,
        %gt3A_528 = arith.cmpf ogt, %gather3A_527, %max3A_522 : vector<16xf32>
        %max3A_529 = arith.maximumf %max3A_522, %gather3A_527 : vector<16xf32>
        %select_n3A_530 = arith.select %gt3A_528, %add3A_526, %select_n3A_523 : vector<16xi1>, vector<16xi32>
        %add3A_531 = arith.constant 9 : i32
        %add3A_532 = vector.broadcast %add3A_531 : i32 to vector<16xi32>
        %add3A_533 = arith.addi %scan3A_470, %add3A_532 : vector<16xi32>
        %gather3A_534 = tpu.vector_load_idx %arg6[%add3A_533] : memref<32768xf32, #tpu.memory_space<vmem>>[vector<16xi32>], vector<16xf32>,
        %gt3A_535 = arith.cmpf ogt, %gather3A_534, %max3A_529 : vector<16xf32>
        %max3A_536 = arith.maximumf %max3A_529, %gather3A_534 : vector<16xf32>
        %select_n3A_537 = arith.select %gt3A_535, %add3A_533, %select_n3A_530 : vector<16xi1>, vector<16xi32>
        %add3A_538 = arith.constant 10 : i32
        %add3A_539 = vector.broadcast %add3A_538 : i32 to vector<16xi32>
        %add3A_540 = arith.addi %scan3A_470, %add3A_539 : vector<16xi32>
        %gather3A_541 = tpu.vector_load_idx %arg6[%add3A_540] : memref<32768xf32, #tpu.memory_space<vmem>>[vector<16xi32>], vector<16xf32>,
        %gt3A_542 = arith.cmpf ogt, %gather3A_541, %max3A_536 : vector<16xf32>
        %max3A_543 = arith.maximumf %max3A_536, %gather3A_541 : vector<16xf32>
        %select_n3A_544 = arith.select %gt3A_542, %add3A_540, %select_n3A_537 : vector<16xi1>, vector<16xi32>
        %add3A_545 = arith.constant 11 : i32
        %add3A_546 = vector.broadcast %add3A_545 : i32 to vector<16xi32>
        %add3A_547 = arith.addi %scan3A_470, %add3A_546 : vector<16xi32>
        %gather3A_548 = tpu.vector_load_idx %arg6[%add3A_547] : memref<32768xf32, #tpu.memory_space<vmem>>[vector<16xi32>], vector<16xf32>,
        %gt3A_549 = arith.cmpf ogt, %gather3A_548, %max3A_543 : vector<16xf32>
        %max3A_550 = arith.maximumf %max3A_543, %gather3A_548 : vector<16xf32>
        %select_n3A_551 = arith.select %gt3A_549, %add3A_547, %select_n3A_544 : vector<16xi1>, vector<16xi32>
        %add3A_552 = arith.constant 12 : i32
        %add3A_553 = vector.broadcast %add3A_552 : i32 to vector<16xi32>
        %add3A_554 = arith.addi %scan3A_470, %add3A_553 : vector<16xi32>
        %gather3A_555 = tpu.vector_load_idx %arg6[%add3A_554] : memref<32768xf32, #tpu.memory_space<vmem>>[vector<16xi32>], vector<16xf32>,
        %gt3A_556 = arith.cmpf ogt, %gather3A_555, %max3A_550 : vector<16xf32>
        %max3A_557 = arith.maximumf %max3A_550, %gather3A_555 : vector<16xf32>
        %select_n3A_558 = arith.select %gt3A_556, %add3A_554, %select_n3A_551 : vector<16xi1>, vector<16xi32>
        %add3A_559 = arith.constant 13 : i32
        %add3A_560 = vector.broadcast %add3A_559 : i32 to vector<16xi32>
        %add3A_561 = arith.addi %scan3A_470, %add3A_560 : vector<16xi32>
        %gather3A_562 = tpu.vector_load_idx %arg6[%add3A_561] : memref<32768xf32, #tpu.memory_space<vmem>>[vector<16xi32>], vector<16xf32>,
        %gt3A_563 = arith.cmpf ogt, %gather3A_562, %max3A_557 : vector<16xf32>
        %max3A_564 = arith.maximumf %max3A_557, %gather3A_562 : vector<16xf32>
        %select_n3A_565 = arith.select %gt3A_563, %add3A_561, %select_n3A_558 : vector<16xi1>, vector<16xi32>
        %add3A_566 = arith.constant 14 : i32
        %add3A_567 = vector.broadcast %add3A_566 : i32 to vector<16xi32>
        %add3A_568 = arith.addi %scan3A_470, %add3A_567 : vector<16xi32>
        %gather3A_569 = tpu.vector_load_idx %arg6[%add3A_568] : memref<32768xf32, #tpu.memory_space<vmem>>[vector<16xi32>], vector<16xf32>,
        %gt3A_570 = arith.cmpf ogt, %gather3A_569, %max3A_564 : vector<16xf32>
        %max3A_571 = arith.maximumf %max3A_564, %gather3A_569 : vector<16xf32>
        %select_n3A_572 = arith.select %gt3A_570, %add3A_568, %select_n3A_565 : vector<16xi1>, vector<16xi32>
        %add3A_573 = arith.constant 15 : i32
        %add3A_574 = vector.broadcast %add3A_573 : i32 to vector<16xi32>
        %add3A_575 = arith.addi %scan3A_470, %add3A_574 : vector<16xi32>
        %gather3A_576 = tpu.vector_load_idx %arg6[%add3A_575] : memref<32768xf32, #tpu.memory_space<vmem>>[vector<16xi32>], vector<16xf32>,
        %gt3A_577 = arith.cmpf ogt, %gather3A_576, %max3A_571 : vector<16xf32>
        %max3A_578 = arith.maximumf %max3A_571, %gather3A_576 : vector<16xf32>
        %select_n3A_579 = arith.select %gt3A_577, %add3A_575, %select_n3A_572 : vector<16xi1>, vector<16xi32>
        %add3A_580 = arith.constant 16 : i32
        %add3A_581 = vector.broadcast %add3A_580 : i32 to vector<16xi32>
        %add3A_582 = arith.addi %scan3A_470, %add3A_581 : vector<16xi32>
        scf.yield %max3A_578, %select_n3A_579, %add3A_582 : vector<16xf32>, vector<16xi32>, vector<16xi32>
      }
      %scan3A_267 = arith.constant 32 : i32
      %and3A_268 = arith.constant 511 : i32
      %and3A_269 = vector.broadcast %and3A_268 : i32 to vector<16xi32>
      %and3A_270 = arith.andi %scan3A_266#1, %and3A_269 : vector<16xi32>
      %mul3A_271 = arith.constant 3 : i32
      %mul3A_272 = vector.broadcast %mul3A_271 : i32 to vector<16xi32>
      %mul3A_273 = arith.muli %and3A_270, %mul3A_272 : vector<16xi32>
      %mul3A_274 = arith.constant 64 : i32
      %mul3A_275 = arith.muli %add3A_244, %mul3A_274 : i32
      %add3A_276 = arith.constant 0 : i32
      %add3A_277 = arith.addi %mul3A_275, %add3A_276 : i32
      %add3A_278 = vector.broadcast %add3A_277 : i32 to vector<16xi32>
      %add3A_279 = arith.addi %add3A_278, %iota3A : vector<16xi32>
      %mul3A_280 = arith.constant 3 : i32
      %mul3A_281 = vector.broadcast %mul3A_280 : i32 to vector<16xi32>
      %mul3A_282 = arith.muli %add3A_279, %mul3A_281 : vector<16xi32>
      %add3A_283 = arith.constant 0 : i32
      %add3A_284 = vector.broadcast %add3A_283 : i32 to vector<16xi32>
      %add3A_285 = arith.addi %mul3A_273, %add3A_284 : vector<16xi32>
      %gather3A_286 = tpu.vector_load_idx %arg7[%add3A_285] : memref<1536xf32, #tpu.memory_space<vmem>>[vector<16xi32>], vector<16xf32>,
      %add3A_287 = arith.constant 0 : i32
      %add3A_288 = vector.broadcast %add3A_287 : i32 to vector<16xi32>
      %add3A_289 = arith.addi %mul3A_282, %add3A_288 : vector<16xi32>
      tpu.vector_store_idx %arg8[%add3A_289], %gather3A_286 : memref<24576xf32, #tpu.memory_space<vmem>>[vector<16xi32>], vector<16xf32>,
      %add3A_290 = arith.constant 1 : i32
      %add3A_291 = vector.broadcast %add3A_290 : i32 to vector<16xi32>
      %add3A_292 = arith.addi %mul3A_273, %add3A_291 : vector<16xi32>
      %gather3A_293 = tpu.vector_load_idx %arg7[%add3A_292] : memref<1536xf32, #tpu.memory_space<vmem>>[vector<16xi32>], vector<16xf32>,
      %add3A_294 = arith.constant 1 : i32
      %add3A_295 = vector.broadcast %add3A_294 : i32 to vector<16xi32>
      %add3A_296 = arith.addi %mul3A_282, %add3A_295 : vector<16xi32>
      tpu.vector_store_idx %arg8[%add3A_296], %gather3A_293 : memref<24576xf32, #tpu.memory_space<vmem>>[vector<16xi32>], vector<16xf32>,
      %add3A_297 = arith.constant 2 : i32
      %add3A_298 = vector.broadcast %add3A_297 : i32 to vector<16xi32>
      %add3A_299 = arith.addi %mul3A_273, %add3A_298 : vector<16xi32>
      %gather3A_300 = tpu.vector_load_idx %arg7[%add3A_299] : memref<1536xf32, #tpu.memory_space<vmem>>[vector<16xi32>], vector<16xf32>,
      %add3A_301 = arith.constant 2 : i32
      %add3A_302 = vector.broadcast %add3A_301 : i32 to vector<16xi32>
      %add3A_303 = arith.addi %mul3A_282, %add3A_302 : vector<16xi32>
      tpu.vector_store_idx %arg8[%add3A_303], %gather3A_300 : memref<24576xf32, #tpu.memory_space<vmem>>[vector<16xi32>], vector<16xf32>,
      %add3A_304 = arith.constant 16 : i32
      %add3A_305 = vector.broadcast %add3A_304 : i32 to vector<16xi32>
      %add3A_306 = arith.addi %add3A_305, %iota3A : vector<16xi32>
      %mul3A_307 = arith.constant 512 : i32
      %mul3A_308 = vector.broadcast %mul3A_307 : i32 to vector<16xi32>
      %mul3A_309 = arith.muli %add3A_306, %mul3A_308 : vector<16xi32>
      %broadcast_in_dim3A_310 = arith.constant 0xFF800000 : f32
      %broadcast_in_dim3A_311 = vector.broadcast %broadcast_in_dim3A_310 : f32 to vector<16xf32>
      %broadcast_in_dim3A_312 = arith.constant 0 : i32
      %broadcast_in_dim3A_313 = vector.broadcast %broadcast_in_dim3A_312 : i32 to vector<16xi32>
      %scan3A_314 = arith.constant 0 : i32
      %scan3A_315 = arith.constant 32 : i32
      %scan3A_316 = arith.addi %scan3A_314, %scan3A_315 : i32
      %scan3A_317 = arith.constant 1 : i32
      %scan3A_318:3 = scf.for %scan3A_467 = %scan3A_314 to %scan3A_316 step %scan3A_317 iter_args(%scan3A_468 = %broadcast_in_dim3A_311, %scan3A_469 = %broadcast_in_dim3A_313, %scan3A_470 = %mul3A_309) -> (vector<16xf32>, vector<16xi32>, vector<16xi32>)  : i32 {
        %add3A_471 = arith.constant 0 : i32
        %add3A_472 = vector.broadcast %add3A_471 : i32 to vector<16xi32>
        %add3A_473 = arith.addi %scan3A_470, %add3A_472 : vector<16xi32>
        %gather3A_474 = tpu.vector_load_idx %arg6[%add3A_473] : memref<32768xf32, #tpu.memory_space<vmem>>[vector<16xi32>], vector<16xf32>,
        %gt3A = arith.cmpf ogt, %gather3A_474, %scan3A_468 : vector<16xf32>
        %max3A = arith.maximumf %scan3A_468, %gather3A_474 : vector<16xf32>
        %select_n3A = arith.select %gt3A, %add3A_473, %scan3A_469 : vector<16xi1>, vector<16xi32>
        %add3A_475 = arith.constant 1 : i32
        %add3A_476 = vector.broadcast %add3A_475 : i32 to vector<16xi32>
        %add3A_477 = arith.addi %scan3A_470, %add3A_476 : vector<16xi32>
        %gather3A_478 = tpu.vector_load_idx %arg6[%add3A_477] : memref<32768xf32, #tpu.memory_space<vmem>>[vector<16xi32>], vector<16xf32>,
        %gt3A_479 = arith.cmpf ogt, %gather3A_478, %max3A : vector<16xf32>
        %max3A_480 = arith.maximumf %max3A, %gather3A_478 : vector<16xf32>
        %select_n3A_481 = arith.select %gt3A_479, %add3A_477, %select_n3A : vector<16xi1>, vector<16xi32>
        %add3A_482 = arith.constant 2 : i32
        %add3A_483 = vector.broadcast %add3A_482 : i32 to vector<16xi32>
        %add3A_484 = arith.addi %scan3A_470, %add3A_483 : vector<16xi32>
        %gather3A_485 = tpu.vector_load_idx %arg6[%add3A_484] : memref<32768xf32, #tpu.memory_space<vmem>>[vector<16xi32>], vector<16xf32>,
        %gt3A_486 = arith.cmpf ogt, %gather3A_485, %max3A_480 : vector<16xf32>
        %max3A_487 = arith.maximumf %max3A_480, %gather3A_485 : vector<16xf32>
        %select_n3A_488 = arith.select %gt3A_486, %add3A_484, %select_n3A_481 : vector<16xi1>, vector<16xi32>
        %add3A_489 = arith.constant 3 : i32
        %add3A_490 = vector.broadcast %add3A_489 : i32 to vector<16xi32>
        %add3A_491 = arith.addi %scan3A_470, %add3A_490 : vector<16xi32>
        %gather3A_492 = tpu.vector_load_idx %arg6[%add3A_491] : memref<32768xf32, #tpu.memory_space<vmem>>[vector<16xi32>], vector<16xf32>,
        %gt3A_493 = arith.cmpf ogt, %gather3A_492, %max3A_487 : vector<16xf32>
        %max3A_494 = arith.maximumf %max3A_487, %gather3A_492 : vector<16xf32>
        %select_n3A_495 = arith.select %gt3A_493, %add3A_491, %select_n3A_488 : vector<16xi1>, vector<16xi32>
        %add3A_496 = arith.constant 4 : i32
        %add3A_497 = vector.broadcast %add3A_496 : i32 to vector<16xi32>
        %add3A_498 = arith.addi %scan3A_470, %add3A_497 : vector<16xi32>
        %gather3A_499 = tpu.vector_load_idx %arg6[%add3A_498] : memref<32768xf32, #tpu.memory_space<vmem>>[vector<16xi32>], vector<16xf32>,
        %gt3A_500 = arith.cmpf ogt, %gather3A_499, %max3A_494 : vector<16xf32>
        %max3A_501 = arith.maximumf %max3A_494, %gather3A_499 : vector<16xf32>
        %select_n3A_502 = arith.select %gt3A_500, %add3A_498, %select_n3A_495 : vector<16xi1>, vector<16xi32>
        %add3A_503 = arith.constant 5 : i32
        %add3A_504 = vector.broadcast %add3A_503 : i32 to vector<16xi32>
        %add3A_505 = arith.addi %scan3A_470, %add3A_504 : vector<16xi32>
        %gather3A_506 = tpu.vector_load_idx %arg6[%add3A_505] : memref<32768xf32, #tpu.memory_space<vmem>>[vector<16xi32>], vector<16xf32>,
        %gt3A_507 = arith.cmpf ogt, %gather3A_506, %max3A_501 : vector<16xf32>
        %max3A_508 = arith.maximumf %max3A_501, %gather3A_506 : vector<16xf32>
        %select_n3A_509 = arith.select %gt3A_507, %add3A_505, %select_n3A_502 : vector<16xi1>, vector<16xi32>
        %add3A_510 = arith.constant 6 : i32
        %add3A_511 = vector.broadcast %add3A_510 : i32 to vector<16xi32>
        %add3A_512 = arith.addi %scan3A_470, %add3A_511 : vector<16xi32>
        %gather3A_513 = tpu.vector_load_idx %arg6[%add3A_512] : memref<32768xf32, #tpu.memory_space<vmem>>[vector<16xi32>], vector<16xf32>,
        %gt3A_514 = arith.cmpf ogt, %gather3A_513, %max3A_508 : vector<16xf32>
        %max3A_515 = arith.maximumf %max3A_508, %gather3A_513 : vector<16xf32>
        %select_n3A_516 = arith.select %gt3A_514, %add3A_512, %select_n3A_509 : vector<16xi1>, vector<16xi32>
        %add3A_517 = arith.constant 7 : i32
        %add3A_518 = vector.broadcast %add3A_517 : i32 to vector<16xi32>
        %add3A_519 = arith.addi %scan3A_470, %add3A_518 : vector<16xi32>
        %gather3A_520 = tpu.vector_load_idx %arg6[%add3A_519] : memref<32768xf32, #tpu.memory_space<vmem>>[vector<16xi32>], vector<16xf32>,
        %gt3A_521 = arith.cmpf ogt, %gather3A_520, %max3A_515 : vector<16xf32>
        %max3A_522 = arith.maximumf %max3A_515, %gather3A_520 : vector<16xf32>
        %select_n3A_523 = arith.select %gt3A_521, %add3A_519, %select_n3A_516 : vector<16xi1>, vector<16xi32>
        %add3A_524 = arith.constant 8 : i32
        %add3A_525 = vector.broadcast %add3A_524 : i32 to vector<16xi32>
        %add3A_526 = arith.addi %scan3A_470, %add3A_525 : vector<16xi32>
        %gather3A_527 = tpu.vector_load_idx %arg6[%add3A_526] : memref<32768xf32, #tpu.memory_space<vmem>>[vector<16xi32>], vector<16xf32>,
        %gt3A_528 = arith.cmpf ogt, %gather3A_527, %max3A_522 : vector<16xf32>
        %max3A_529 = arith.maximumf %max3A_522, %gather3A_527 : vector<16xf32>
        %select_n3A_530 = arith.select %gt3A_528, %add3A_526, %select_n3A_523 : vector<16xi1>, vector<16xi32>
        %add3A_531 = arith.constant 9 : i32
        %add3A_532 = vector.broadcast %add3A_531 : i32 to vector<16xi32>
        %add3A_533 = arith.addi %scan3A_470, %add3A_532 : vector<16xi32>
        %gather3A_534 = tpu.vector_load_idx %arg6[%add3A_533] : memref<32768xf32, #tpu.memory_space<vmem>>[vector<16xi32>], vector<16xf32>,
        %gt3A_535 = arith.cmpf ogt, %gather3A_534, %max3A_529 : vector<16xf32>
        %max3A_536 = arith.maximumf %max3A_529, %gather3A_534 : vector<16xf32>
        %select_n3A_537 = arith.select %gt3A_535, %add3A_533, %select_n3A_530 : vector<16xi1>, vector<16xi32>
        %add3A_538 = arith.constant 10 : i32
        %add3A_539 = vector.broadcast %add3A_538 : i32 to vector<16xi32>
        %add3A_540 = arith.addi %scan3A_470, %add3A_539 : vector<16xi32>
        %gather3A_541 = tpu.vector_load_idx %arg6[%add3A_540] : memref<32768xf32, #tpu.memory_space<vmem>>[vector<16xi32>], vector<16xf32>,
        %gt3A_542 = arith.cmpf ogt, %gather3A_541, %max3A_536 : vector<16xf32>
        %max3A_543 = arith.maximumf %max3A_536, %gather3A_541 : vector<16xf32>
        %select_n3A_544 = arith.select %gt3A_542, %add3A_540, %select_n3A_537 : vector<16xi1>, vector<16xi32>
        %add3A_545 = arith.constant 11 : i32
        %add3A_546 = vector.broadcast %add3A_545 : i32 to vector<16xi32>
        %add3A_547 = arith.addi %scan3A_470, %add3A_546 : vector<16xi32>
        %gather3A_548 = tpu.vector_load_idx %arg6[%add3A_547] : memref<32768xf32, #tpu.memory_space<vmem>>[vector<16xi32>], vector<16xf32>,
        %gt3A_549 = arith.cmpf ogt, %gather3A_548, %max3A_543 : vector<16xf32>
        %max3A_550 = arith.maximumf %max3A_543, %gather3A_548 : vector<16xf32>
        %select_n3A_551 = arith.select %gt3A_549, %add3A_547, %select_n3A_544 : vector<16xi1>, vector<16xi32>
        %add3A_552 = arith.constant 12 : i32
        %add3A_553 = vector.broadcast %add3A_552 : i32 to vector<16xi32>
        %add3A_554 = arith.addi %scan3A_470, %add3A_553 : vector<16xi32>
        %gather3A_555 = tpu.vector_load_idx %arg6[%add3A_554] : memref<32768xf32, #tpu.memory_space<vmem>>[vector<16xi32>], vector<16xf32>,
        %gt3A_556 = arith.cmpf ogt, %gather3A_555, %max3A_550 : vector<16xf32>
        %max3A_557 = arith.maximumf %max3A_550, %gather3A_555 : vector<16xf32>
        %select_n3A_558 = arith.select %gt3A_556, %add3A_554, %select_n3A_551 : vector<16xi1>, vector<16xi32>
        %add3A_559 = arith.constant 13 : i32
        %add3A_560 = vector.broadcast %add3A_559 : i32 to vector<16xi32>
        %add3A_561 = arith.addi %scan3A_470, %add3A_560 : vector<16xi32>
        %gather3A_562 = tpu.vector_load_idx %arg6[%add3A_561] : memref<32768xf32, #tpu.memory_space<vmem>>[vector<16xi32>], vector<16xf32>,
        %gt3A_563 = arith.cmpf ogt, %gather3A_562, %max3A_557 : vector<16xf32>
        %max3A_564 = arith.maximumf %max3A_557, %gather3A_562 : vector<16xf32>
        %select_n3A_565 = arith.select %gt3A_563, %add3A_561, %select_n3A_558 : vector<16xi1>, vector<16xi32>
        %add3A_566 = arith.constant 14 : i32
        %add3A_567 = vector.broadcast %add3A_566 : i32 to vector<16xi32>
        %add3A_568 = arith.addi %scan3A_470, %add3A_567 : vector<16xi32>
        %gather3A_569 = tpu.vector_load_idx %arg6[%add3A_568] : memref<32768xf32, #tpu.memory_space<vmem>>[vector<16xi32>], vector<16xf32>,
        %gt3A_570 = arith.cmpf ogt, %gather3A_569, %max3A_564 : vector<16xf32>
        %max3A_571 = arith.maximumf %max3A_564, %gather3A_569 : vector<16xf32>
        %select_n3A_572 = arith.select %gt3A_570, %add3A_568, %select_n3A_565 : vector<16xi1>, vector<16xi32>
        %add3A_573 = arith.constant 15 : i32
        %add3A_574 = vector.broadcast %add3A_573 : i32 to vector<16xi32>
        %add3A_575 = arith.addi %scan3A_470, %add3A_574 : vector<16xi32>
        %gather3A_576 = tpu.vector_load_idx %arg6[%add3A_575] : memref<32768xf32, #tpu.memory_space<vmem>>[vector<16xi32>], vector<16xf32>,
        %gt3A_577 = arith.cmpf ogt, %gather3A_576, %max3A_571 : vector<16xf32>
        %max3A_578 = arith.maximumf %max3A_571, %gather3A_576 : vector<16xf32>
        %select_n3A_579 = arith.select %gt3A_577, %add3A_575, %select_n3A_572 : vector<16xi1>, vector<16xi32>
        %add3A_580 = arith.constant 16 : i32
        %add3A_581 = vector.broadcast %add3A_580 : i32 to vector<16xi32>
        %add3A_582 = arith.addi %scan3A_470, %add3A_581 : vector<16xi32>
        scf.yield %max3A_578, %select_n3A_579, %add3A_582 : vector<16xf32>, vector<16xi32>, vector<16xi32>
      }
      %scan3A_319 = arith.constant 32 : i32
      %and3A_320 = arith.constant 511 : i32
      %and3A_321 = vector.broadcast %and3A_320 : i32 to vector<16xi32>
      %and3A_322 = arith.andi %scan3A_318#1, %and3A_321 : vector<16xi32>
      %mul3A_323 = arith.constant 3 : i32
      %mul3A_324 = vector.broadcast %mul3A_323 : i32 to vector<16xi32>
      %mul3A_325 = arith.muli %and3A_322, %mul3A_324 : vector<16xi32>
      %mul3A_326 = arith.constant 64 : i32
      %mul3A_327 = arith.muli %add3A_244, %mul3A_326 : i32
      %add3A_328 = arith.constant 16 : i32
      %add3A_329 = arith.addi %mul3A_327, %add3A_328 : i32
      %add3A_330 = vector.broadcast %add3A_329 : i32 to vector<16xi32>
      %add3A_331 = arith.addi %add3A_330, %iota3A : vector<16xi32>
      %mul3A_332 = arith.constant 3 : i32
      %mul3A_333 = vector.broadcast %mul3A_332 : i32 to vector<16xi32>
      %mul3A_334 = arith.muli %add3A_331, %mul3A_333 : vector<16xi32>
      %add3A_335 = arith.constant 0 : i32
      %add3A_336 = vector.broadcast %add3A_335 : i32 to vector<16xi32>
      %add3A_337 = arith.addi %mul3A_325, %add3A_336 : vector<16xi32>
      %gather3A_338 = tpu.vector_load_idx %arg7[%add3A_337] : memref<1536xf32, #tpu.memory_space<vmem>>[vector<16xi32>], vector<16xf32>,
      %add3A_339 = arith.constant 0 : i32
      %add3A_340 = vector.broadcast %add3A_339 : i32 to vector<16xi32>
      %add3A_341 = arith.addi %mul3A_334, %add3A_340 : vector<16xi32>
      tpu.vector_store_idx %arg8[%add3A_341], %gather3A_338 : memref<24576xf32, #tpu.memory_space<vmem>>[vector<16xi32>], vector<16xf32>,
      %add3A_342 = arith.constant 1 : i32
      %add3A_343 = vector.broadcast %add3A_342 : i32 to vector<16xi32>
      %add3A_344 = arith.addi %mul3A_325, %add3A_343 : vector<16xi32>
      %gather3A_345 = tpu.vector_load_idx %arg7[%add3A_344] : memref<1536xf32, #tpu.memory_space<vmem>>[vector<16xi32>], vector<16xf32>,
      %add3A_346 = arith.constant 1 : i32
      %add3A_347 = vector.broadcast %add3A_346 : i32 to vector<16xi32>
      %add3A_348 = arith.addi %mul3A_334, %add3A_347 : vector<16xi32>
      tpu.vector_store_idx %arg8[%add3A_348], %gather3A_345 : memref<24576xf32, #tpu.memory_space<vmem>>[vector<16xi32>], vector<16xf32>,
      %add3A_349 = arith.constant 2 : i32
      %add3A_350 = vector.broadcast %add3A_349 : i32 to vector<16xi32>
      %add3A_351 = arith.addi %mul3A_325, %add3A_350 : vector<16xi32>
      %gather3A_352 = tpu.vector_load_idx %arg7[%add3A_351] : memref<1536xf32, #tpu.memory_space<vmem>>[vector<16xi32>], vector<16xf32>,
      %add3A_353 = arith.constant 2 : i32
      %add3A_354 = vector.broadcast %add3A_353 : i32 to vector<16xi32>
      %add3A_355 = arith.addi %mul3A_334, %add3A_354 : vector<16xi32>
      tpu.vector_store_idx %arg8[%add3A_355], %gather3A_352 : memref<24576xf32, #tpu.memory_space<vmem>>[vector<16xi32>], vector<16xf32>,
      %add3A_356 = arith.constant 32 : i32
      %add3A_357 = vector.broadcast %add3A_356 : i32 to vector<16xi32>
      %add3A_358 = arith.addi %add3A_357, %iota3A : vector<16xi32>
      %mul3A_359 = arith.constant 512 : i32
      %mul3A_360 = vector.broadcast %mul3A_359 : i32 to vector<16xi32>
      %mul3A_361 = arith.muli %add3A_358, %mul3A_360 : vector<16xi32>
      %broadcast_in_dim3A_362 = arith.constant 0xFF800000 : f32
      %broadcast_in_dim3A_363 = vector.broadcast %broadcast_in_dim3A_362 : f32 to vector<16xf32>
      %broadcast_in_dim3A_364 = arith.constant 0 : i32
      %broadcast_in_dim3A_365 = vector.broadcast %broadcast_in_dim3A_364 : i32 to vector<16xi32>
      %scan3A_366 = arith.constant 0 : i32
      %scan3A_367 = arith.constant 32 : i32
      %scan3A_368 = arith.addi %scan3A_366, %scan3A_367 : i32
      %scan3A_369 = arith.constant 1 : i32
      %scan3A_370:3 = scf.for %scan3A_467 = %scan3A_366 to %scan3A_368 step %scan3A_369 iter_args(%scan3A_468 = %broadcast_in_dim3A_363, %scan3A_469 = %broadcast_in_dim3A_365, %scan3A_470 = %mul3A_361) -> (vector<16xf32>, vector<16xi32>, vector<16xi32>)  : i32 {
        %add3A_471 = arith.constant 0 : i32
        %add3A_472 = vector.broadcast %add3A_471 : i32 to vector<16xi32>
        %add3A_473 = arith.addi %scan3A_470, %add3A_472 : vector<16xi32>
        %gather3A_474 = tpu.vector_load_idx %arg6[%add3A_473] : memref<32768xf32, #tpu.memory_space<vmem>>[vector<16xi32>], vector<16xf32>,
        %gt3A = arith.cmpf ogt, %gather3A_474, %scan3A_468 : vector<16xf32>
        %max3A = arith.maximumf %scan3A_468, %gather3A_474 : vector<16xf32>
        %select_n3A = arith.select %gt3A, %add3A_473, %scan3A_469 : vector<16xi1>, vector<16xi32>
        %add3A_475 = arith.constant 1 : i32
        %add3A_476 = vector.broadcast %add3A_475 : i32 to vector<16xi32>
        %add3A_477 = arith.addi %scan3A_470, %add3A_476 : vector<16xi32>
        %gather3A_478 = tpu.vector_load_idx %arg6[%add3A_477] : memref<32768xf32, #tpu.memory_space<vmem>>[vector<16xi32>], vector<16xf32>,
        %gt3A_479 = arith.cmpf ogt, %gather3A_478, %max3A : vector<16xf32>
        %max3A_480 = arith.maximumf %max3A, %gather3A_478 : vector<16xf32>
        %select_n3A_481 = arith.select %gt3A_479, %add3A_477, %select_n3A : vector<16xi1>, vector<16xi32>
        %add3A_482 = arith.constant 2 : i32
        %add3A_483 = vector.broadcast %add3A_482 : i32 to vector<16xi32>
        %add3A_484 = arith.addi %scan3A_470, %add3A_483 : vector<16xi32>
        %gather3A_485 = tpu.vector_load_idx %arg6[%add3A_484] : memref<32768xf32, #tpu.memory_space<vmem>>[vector<16xi32>], vector<16xf32>,
        %gt3A_486 = arith.cmpf ogt, %gather3A_485, %max3A_480 : vector<16xf32>
        %max3A_487 = arith.maximumf %max3A_480, %gather3A_485 : vector<16xf32>
        %select_n3A_488 = arith.select %gt3A_486, %add3A_484, %select_n3A_481 : vector<16xi1>, vector<16xi32>
        %add3A_489 = arith.constant 3 : i32
        %add3A_490 = vector.broadcast %add3A_489 : i32 to vector<16xi32>
        %add3A_491 = arith.addi %scan3A_470, %add3A_490 : vector<16xi32>
        %gather3A_492 = tpu.vector_load_idx %arg6[%add3A_491] : memref<32768xf32, #tpu.memory_space<vmem>>[vector<16xi32>], vector<16xf32>,
        %gt3A_493 = arith.cmpf ogt, %gather3A_492, %max3A_487 : vector<16xf32>
        %max3A_494 = arith.maximumf %max3A_487, %gather3A_492 : vector<16xf32>
        %select_n3A_495 = arith.select %gt3A_493, %add3A_491, %select_n3A_488 : vector<16xi1>, vector<16xi32>
        %add3A_496 = arith.constant 4 : i32
        %add3A_497 = vector.broadcast %add3A_496 : i32 to vector<16xi32>
        %add3A_498 = arith.addi %scan3A_470, %add3A_497 : vector<16xi32>
        %gather3A_499 = tpu.vector_load_idx %arg6[%add3A_498] : memref<32768xf32, #tpu.memory_space<vmem>>[vector<16xi32>], vector<16xf32>,
        %gt3A_500 = arith.cmpf ogt, %gather3A_499, %max3A_494 : vector<16xf32>
        %max3A_501 = arith.maximumf %max3A_494, %gather3A_499 : vector<16xf32>
        %select_n3A_502 = arith.select %gt3A_500, %add3A_498, %select_n3A_495 : vector<16xi1>, vector<16xi32>
        %add3A_503 = arith.constant 5 : i32
        %add3A_504 = vector.broadcast %add3A_503 : i32 to vector<16xi32>
        %add3A_505 = arith.addi %scan3A_470, %add3A_504 : vector<16xi32>
        %gather3A_506 = tpu.vector_load_idx %arg6[%add3A_505] : memref<32768xf32, #tpu.memory_space<vmem>>[vector<16xi32>], vector<16xf32>,
        %gt3A_507 = arith.cmpf ogt, %gather3A_506, %max3A_501 : vector<16xf32>
        %max3A_508 = arith.maximumf %max3A_501, %gather3A_506 : vector<16xf32>
        %select_n3A_509 = arith.select %gt3A_507, %add3A_505, %select_n3A_502 : vector<16xi1>, vector<16xi32>
        %add3A_510 = arith.constant 6 : i32
        %add3A_511 = vector.broadcast %add3A_510 : i32 to vector<16xi32>
        %add3A_512 = arith.addi %scan3A_470, %add3A_511 : vector<16xi32>
        %gather3A_513 = tpu.vector_load_idx %arg6[%add3A_512] : memref<32768xf32, #tpu.memory_space<vmem>>[vector<16xi32>], vector<16xf32>,
        %gt3A_514 = arith.cmpf ogt, %gather3A_513, %max3A_508 : vector<16xf32>
        %max3A_515 = arith.maximumf %max3A_508, %gather3A_513 : vector<16xf32>
        %select_n3A_516 = arith.select %gt3A_514, %add3A_512, %select_n3A_509 : vector<16xi1>, vector<16xi32>
        %add3A_517 = arith.constant 7 : i32
        %add3A_518 = vector.broadcast %add3A_517 : i32 to vector<16xi32>
        %add3A_519 = arith.addi %scan3A_470, %add3A_518 : vector<16xi32>
        %gather3A_520 = tpu.vector_load_idx %arg6[%add3A_519] : memref<32768xf32, #tpu.memory_space<vmem>>[vector<16xi32>], vector<16xf32>,
        %gt3A_521 = arith.cmpf ogt, %gather3A_520, %max3A_515 : vector<16xf32>
        %max3A_522 = arith.maximumf %max3A_515, %gather3A_520 : vector<16xf32>
        %select_n3A_523 = arith.select %gt3A_521, %add3A_519, %select_n3A_516 : vector<16xi1>, vector<16xi32>
        %add3A_524 = arith.constant 8 : i32
        %add3A_525 = vector.broadcast %add3A_524 : i32 to vector<16xi32>
        %add3A_526 = arith.addi %scan3A_470, %add3A_525 : vector<16xi32>
        %gather3A_527 = tpu.vector_load_idx %arg6[%add3A_526] : memref<32768xf32, #tpu.memory_space<vmem>>[vector<16xi32>], vector<16xf32>,
        %gt3A_528 = arith.cmpf ogt, %gather3A_527, %max3A_522 : vector<16xf32>
        %max3A_529 = arith.maximumf %max3A_522, %gather3A_527 : vector<16xf32>
        %select_n3A_530 = arith.select %gt3A_528, %add3A_526, %select_n3A_523 : vector<16xi1>, vector<16xi32>
        %add3A_531 = arith.constant 9 : i32
        %add3A_532 = vector.broadcast %add3A_531 : i32 to vector<16xi32>
        %add3A_533 = arith.addi %scan3A_470, %add3A_532 : vector<16xi32>
        %gather3A_534 = tpu.vector_load_idx %arg6[%add3A_533] : memref<32768xf32, #tpu.memory_space<vmem>>[vector<16xi32>], vector<16xf32>,
        %gt3A_535 = arith.cmpf ogt, %gather3A_534, %max3A_529 : vector<16xf32>
        %max3A_536 = arith.maximumf %max3A_529, %gather3A_534 : vector<16xf32>
        %select_n3A_537 = arith.select %gt3A_535, %add3A_533, %select_n3A_530 : vector<16xi1>, vector<16xi32>
        %add3A_538 = arith.constant 10 : i32
        %add3A_539 = vector.broadcast %add3A_538 : i32 to vector<16xi32>
        %add3A_540 = arith.addi %scan3A_470, %add3A_539 : vector<16xi32>
        %gather3A_541 = tpu.vector_load_idx %arg6[%add3A_540] : memref<32768xf32, #tpu.memory_space<vmem>>[vector<16xi32>], vector<16xf32>,
        %gt3A_542 = arith.cmpf ogt, %gather3A_541, %max3A_536 : vector<16xf32>
        %max3A_543 = arith.maximumf %max3A_536, %gather3A_541 : vector<16xf32>
        %select_n3A_544 = arith.select %gt3A_542, %add3A_540, %select_n3A_537 : vector<16xi1>, vector<16xi32>
        %add3A_545 = arith.constant 11 : i32
        %add3A_546 = vector.broadcast %add3A_545 : i32 to vector<16xi32>
        %add3A_547 = arith.addi %scan3A_470, %add3A_546 : vector<16xi32>
        %gather3A_548 = tpu.vector_load_idx %arg6[%add3A_547] : memref<32768xf32, #tpu.memory_space<vmem>>[vector<16xi32>], vector<16xf32>,
        %gt3A_549 = arith.cmpf ogt, %gather3A_548, %max3A_543 : vector<16xf32>
        %max3A_550 = arith.maximumf %max3A_543, %gather3A_548 : vector<16xf32>
        %select_n3A_551 = arith.select %gt3A_549, %add3A_547, %select_n3A_544 : vector<16xi1>, vector<16xi32>
        %add3A_552 = arith.constant 12 : i32
        %add3A_553 = vector.broadcast %add3A_552 : i32 to vector<16xi32>
        %add3A_554 = arith.addi %scan3A_470, %add3A_553 : vector<16xi32>
        %gather3A_555 = tpu.vector_load_idx %arg6[%add3A_554] : memref<32768xf32, #tpu.memory_space<vmem>>[vector<16xi32>], vector<16xf32>,
        %gt3A_556 = arith.cmpf ogt, %gather3A_555, %max3A_550 : vector<16xf32>
        %max3A_557 = arith.maximumf %max3A_550, %gather3A_555 : vector<16xf32>
        %select_n3A_558 = arith.select %gt3A_556, %add3A_554, %select_n3A_551 : vector<16xi1>, vector<16xi32>
        %add3A_559 = arith.constant 13 : i32
        %add3A_560 = vector.broadcast %add3A_559 : i32 to vector<16xi32>
        %add3A_561 = arith.addi %scan3A_470, %add3A_560 : vector<16xi32>
        %gather3A_562 = tpu.vector_load_idx %arg6[%add3A_561] : memref<32768xf32, #tpu.memory_space<vmem>>[vector<16xi32>], vector<16xf32>,
        %gt3A_563 = arith.cmpf ogt, %gather3A_562, %max3A_557 : vector<16xf32>
        %max3A_564 = arith.maximumf %max3A_557, %gather3A_562 : vector<16xf32>
        %select_n3A_565 = arith.select %gt3A_563, %add3A_561, %select_n3A_558 : vector<16xi1>, vector<16xi32>
        %add3A_566 = arith.constant 14 : i32
        %add3A_567 = vector.broadcast %add3A_566 : i32 to vector<16xi32>
        %add3A_568 = arith.addi %scan3A_470, %add3A_567 : vector<16xi32>
        %gather3A_569 = tpu.vector_load_idx %arg6[%add3A_568] : memref<32768xf32, #tpu.memory_space<vmem>>[vector<16xi32>], vector<16xf32>,
        %gt3A_570 = arith.cmpf ogt, %gather3A_569, %max3A_564 : vector<16xf32>
        %max3A_571 = arith.maximumf %max3A_564, %gather3A_569 : vector<16xf32>
        %select_n3A_572 = arith.select %gt3A_570, %add3A_568, %select_n3A_565 : vector<16xi1>, vector<16xi32>
        %add3A_573 = arith.constant 15 : i32
        %add3A_574 = vector.broadcast %add3A_573 : i32 to vector<16xi32>
        %add3A_575 = arith.addi %scan3A_470, %add3A_574 : vector<16xi32>
        %gather3A_576 = tpu.vector_load_idx %arg6[%add3A_575] : memref<32768xf32, #tpu.memory_space<vmem>>[vector<16xi32>], vector<16xf32>,
        %gt3A_577 = arith.cmpf ogt, %gather3A_576, %max3A_571 : vector<16xf32>
        %max3A_578 = arith.maximumf %max3A_571, %gather3A_576 : vector<16xf32>
        %select_n3A_579 = arith.select %gt3A_577, %add3A_575, %select_n3A_572 : vector<16xi1>, vector<16xi32>
        %add3A_580 = arith.constant 16 : i32
        %add3A_581 = vector.broadcast %add3A_580 : i32 to vector<16xi32>
        %add3A_582 = arith.addi %scan3A_470, %add3A_581 : vector<16xi32>
        scf.yield %max3A_578, %select_n3A_579, %add3A_582 : vector<16xf32>, vector<16xi32>, vector<16xi32>
      }
      %scan3A_371 = arith.constant 32 : i32
      %and3A_372 = arith.constant 511 : i32
      %and3A_373 = vector.broadcast %and3A_372 : i32 to vector<16xi32>
      %and3A_374 = arith.andi %scan3A_370#1, %and3A_373 : vector<16xi32>
      %mul3A_375 = arith.constant 3 : i32
      %mul3A_376 = vector.broadcast %mul3A_375 : i32 to vector<16xi32>
      %mul3A_377 = arith.muli %and3A_374, %mul3A_376 : vector<16xi32>
      %mul3A_378 = arith.constant 64 : i32
      %mul3A_379 = arith.muli %add3A_244, %mul3A_378 : i32
      %add3A_380 = arith.constant 32 : i32
      %add3A_381 = arith.addi %mul3A_379, %add3A_380 : i32
      %add3A_382 = vector.broadcast %add3A_381 : i32 to vector<16xi32>
      %add3A_383 = arith.addi %add3A_382, %iota3A : vector<16xi32>
      %mul3A_384 = arith.constant 3 : i32
      %mul3A_385 = vector.broadcast %mul3A_384 : i32 to vector<16xi32>
      %mul3A_386 = arith.muli %add3A_383, %mul3A_385 : vector<16xi32>
      %add3A_387 = arith.constant 0 : i32
      %add3A_388 = vector.broadcast %add3A_387 : i32 to vector<16xi32>
      %add3A_389 = arith.addi %mul3A_377, %add3A_388 : vector<16xi32>
      %gather3A_390 = tpu.vector_load_idx %arg7[%add3A_389] : memref<1536xf32, #tpu.memory_space<vmem>>[vector<16xi32>], vector<16xf32>,
      %add3A_391 = arith.constant 0 : i32
      %add3A_392 = vector.broadcast %add3A_391 : i32 to vector<16xi32>
      %add3A_393 = arith.addi %mul3A_386, %add3A_392 : vector<16xi32>
      tpu.vector_store_idx %arg8[%add3A_393], %gather3A_390 : memref<24576xf32, #tpu.memory_space<vmem>>[vector<16xi32>], vector<16xf32>,
      %add3A_394 = arith.constant 1 : i32
      %add3A_395 = vector.broadcast %add3A_394 : i32 to vector<16xi32>
      %add3A_396 = arith.addi %mul3A_377, %add3A_395 : vector<16xi32>
      %gather3A_397 = tpu.vector_load_idx %arg7[%add3A_396] : memref<1536xf32, #tpu.memory_space<vmem>>[vector<16xi32>], vector<16xf32>,
      %add3A_398 = arith.constant 1 : i32
      %add3A_399 = vector.broadcast %add3A_398 : i32 to vector<16xi32>
      %add3A_400 = arith.addi %mul3A_386, %add3A_399 : vector<16xi32>
      tpu.vector_store_idx %arg8[%add3A_400], %gather3A_397 : memref<24576xf32, #tpu.memory_space<vmem>>[vector<16xi32>], vector<16xf32>,
      %add3A_401 = arith.constant 2 : i32
      %add3A_402 = vector.broadcast %add3A_401 : i32 to vector<16xi32>
      %add3A_403 = arith.addi %mul3A_377, %add3A_402 : vector<16xi32>
      %gather3A_404 = tpu.vector_load_idx %arg7[%add3A_403] : memref<1536xf32, #tpu.memory_space<vmem>>[vector<16xi32>], vector<16xf32>,
      %add3A_405 = arith.constant 2 : i32
      %add3A_406 = vector.broadcast %add3A_405 : i32 to vector<16xi32>
      %add3A_407 = arith.addi %mul3A_386, %add3A_406 : vector<16xi32>
      tpu.vector_store_idx %arg8[%add3A_407], %gather3A_404 : memref<24576xf32, #tpu.memory_space<vmem>>[vector<16xi32>], vector<16xf32>,
      %add3A_408 = arith.constant 48 : i32
      %add3A_409 = vector.broadcast %add3A_408 : i32 to vector<16xi32>
      %add3A_410 = arith.addi %add3A_409, %iota3A : vector<16xi32>
      %mul3A_411 = arith.constant 512 : i32
      %mul3A_412 = vector.broadcast %mul3A_411 : i32 to vector<16xi32>
      %mul3A_413 = arith.muli %add3A_410, %mul3A_412 : vector<16xi32>
      %broadcast_in_dim3A_414 = arith.constant 0xFF800000 : f32
      %broadcast_in_dim3A_415 = vector.broadcast %broadcast_in_dim3A_414 : f32 to vector<16xf32>
      %broadcast_in_dim3A_416 = arith.constant 0 : i32
      %broadcast_in_dim3A_417 = vector.broadcast %broadcast_in_dim3A_416 : i32 to vector<16xi32>
      %scan3A_418 = arith.constant 0 : i32
      %scan3A_419 = arith.constant 32 : i32
      %scan3A_420 = arith.addi %scan3A_418, %scan3A_419 : i32
      %scan3A_421 = arith.constant 1 : i32
      %scan3A_422:3 = scf.for %scan3A_467 = %scan3A_418 to %scan3A_420 step %scan3A_421 iter_args(%scan3A_468 = %broadcast_in_dim3A_415, %scan3A_469 = %broadcast_in_dim3A_417, %scan3A_470 = %mul3A_413) -> (vector<16xf32>, vector<16xi32>, vector<16xi32>)  : i32 {
        %add3A_471 = arith.constant 0 : i32
        %add3A_472 = vector.broadcast %add3A_471 : i32 to vector<16xi32>
        %add3A_473 = arith.addi %scan3A_470, %add3A_472 : vector<16xi32>
        %gather3A_474 = tpu.vector_load_idx %arg6[%add3A_473] : memref<32768xf32, #tpu.memory_space<vmem>>[vector<16xi32>], vector<16xf32>,
        %gt3A = arith.cmpf ogt, %gather3A_474, %scan3A_468 : vector<16xf32>
        %max3A = arith.maximumf %scan3A_468, %gather3A_474 : vector<16xf32>
        %select_n3A = arith.select %gt3A, %add3A_473, %scan3A_469 : vector<16xi1>, vector<16xi32>
        %add3A_475 = arith.constant 1 : i32
        %add3A_476 = vector.broadcast %add3A_475 : i32 to vector<16xi32>
        %add3A_477 = arith.addi %scan3A_470, %add3A_476 : vector<16xi32>
        %gather3A_478 = tpu.vector_load_idx %arg6[%add3A_477] : memref<32768xf32, #tpu.memory_space<vmem>>[vector<16xi32>], vector<16xf32>,
        %gt3A_479 = arith.cmpf ogt, %gather3A_478, %max3A : vector<16xf32>
        %max3A_480 = arith.maximumf %max3A, %gather3A_478 : vector<16xf32>
        %select_n3A_481 = arith.select %gt3A_479, %add3A_477, %select_n3A : vector<16xi1>, vector<16xi32>
        %add3A_482 = arith.constant 2 : i32
        %add3A_483 = vector.broadcast %add3A_482 : i32 to vector<16xi32>
        %add3A_484 = arith.addi %scan3A_470, %add3A_483 : vector<16xi32>
        %gather3A_485 = tpu.vector_load_idx %arg6[%add3A_484] : memref<32768xf32, #tpu.memory_space<vmem>>[vector<16xi32>], vector<16xf32>,
        %gt3A_486 = arith.cmpf ogt, %gather3A_485, %max3A_480 : vector<16xf32>
        %max3A_487 = arith.maximumf %max3A_480, %gather3A_485 : vector<16xf32>
        %select_n3A_488 = arith.select %gt3A_486, %add3A_484, %select_n3A_481 : vector<16xi1>, vector<16xi32>
        %add3A_489 = arith.constant 3 : i32
        %add3A_490 = vector.broadcast %add3A_489 : i32 to vector<16xi32>
        %add3A_491 = arith.addi %scan3A_470, %add3A_490 : vector<16xi32>
        %gather3A_492 = tpu.vector_load_idx %arg6[%add3A_491] : memref<32768xf32, #tpu.memory_space<vmem>>[vector<16xi32>], vector<16xf32>,
        %gt3A_493 = arith.cmpf ogt, %gather3A_492, %max3A_487 : vector<16xf32>
        %max3A_494 = arith.maximumf %max3A_487, %gather3A_492 : vector<16xf32>
        %select_n3A_495 = arith.select %gt3A_493, %add3A_491, %select_n3A_488 : vector<16xi1>, vector<16xi32>
        %add3A_496 = arith.constant 4 : i32
        %add3A_497 = vector.broadcast %add3A_496 : i32 to vector<16xi32>
        %add3A_498 = arith.addi %scan3A_470, %add3A_497 : vector<16xi32>
        %gather3A_499 = tpu.vector_load_idx %arg6[%add3A_498] : memref<32768xf32, #tpu.memory_space<vmem>>[vector<16xi32>], vector<16xf32>,
        %gt3A_500 = arith.cmpf ogt, %gather3A_499, %max3A_494 : vector<16xf32>
        %max3A_501 = arith.maximumf %max3A_494, %gather3A_499 : vector<16xf32>
        %select_n3A_502 = arith.select %gt3A_500, %add3A_498, %select_n3A_495 : vector<16xi1>, vector<16xi32>
        %add3A_503 = arith.constant 5 : i32
        %add3A_504 = vector.broadcast %add3A_503 : i32 to vector<16xi32>
        %add3A_505 = arith.addi %scan3A_470, %add3A_504 : vector<16xi32>
        %gather3A_506 = tpu.vector_load_idx %arg6[%add3A_505] : memref<32768xf32, #tpu.memory_space<vmem>>[vector<16xi32>], vector<16xf32>,
        %gt3A_507 = arith.cmpf ogt, %gather3A_506, %max3A_501 : vector<16xf32>
        %max3A_508 = arith.maximumf %max3A_501, %gather3A_506 : vector<16xf32>
        %select_n3A_509 = arith.select %gt3A_507, %add3A_505, %select_n3A_502 : vector<16xi1>, vector<16xi32>
        %add3A_510 = arith.constant 6 : i32
        %add3A_511 = vector.broadcast %add3A_510 : i32 to vector<16xi32>
        %add3A_512 = arith.addi %scan3A_470, %add3A_511 : vector<16xi32>
        %gather3A_513 = tpu.vector_load_idx %arg6[%add3A_512] : memref<32768xf32, #tpu.memory_space<vmem>>[vector<16xi32>], vector<16xf32>,
        %gt3A_514 = arith.cmpf ogt, %gather3A_513, %max3A_508 : vector<16xf32>
        %max3A_515 = arith.maximumf %max3A_508, %gather3A_513 : vector<16xf32>
        %select_n3A_516 = arith.select %gt3A_514, %add3A_512, %select_n3A_509 : vector<16xi1>, vector<16xi32>
        %add3A_517 = arith.constant 7 : i32
        %add3A_518 = vector.broadcast %add3A_517 : i32 to vector<16xi32>
        %add3A_519 = arith.addi %scan3A_470, %add3A_518 : vector<16xi32>
        %gather3A_520 = tpu.vector_load_idx %arg6[%add3A_519] : memref<32768xf32, #tpu.memory_space<vmem>>[vector<16xi32>], vector<16xf32>,
        %gt3A_521 = arith.cmpf ogt, %gather3A_520, %max3A_515 : vector<16xf32>
        %max3A_522 = arith.maximumf %max3A_515, %gather3A_520 : vector<16xf32>
        %select_n3A_523 = arith.select %gt3A_521, %add3A_519, %select_n3A_516 : vector<16xi1>, vector<16xi32>
        %add3A_524 = arith.constant 8 : i32
        %add3A_525 = vector.broadcast %add3A_524 : i32 to vector<16xi32>
        %add3A_526 = arith.addi %scan3A_470, %add3A_525 : vector<16xi32>
        %gather3A_527 = tpu.vector_load_idx %arg6[%add3A_526] : memref<32768xf32, #tpu.memory_space<vmem>>[vector<16xi32>], vector<16xf32>,
        %gt3A_528 = arith.cmpf ogt, %gather3A_527, %max3A_522 : vector<16xf32>
        %max3A_529 = arith.maximumf %max3A_522, %gather3A_527 : vector<16xf32>
        %select_n3A_530 = arith.select %gt3A_528, %add3A_526, %select_n3A_523 : vector<16xi1>, vector<16xi32>
        %add3A_531 = arith.constant 9 : i32
        %add3A_532 = vector.broadcast %add3A_531 : i32 to vector<16xi32>
        %add3A_533 = arith.addi %scan3A_470, %add3A_532 : vector<16xi32>
        %gather3A_534 = tpu.vector_load_idx %arg6[%add3A_533] : memref<32768xf32, #tpu.memory_space<vmem>>[vector<16xi32>], vector<16xf32>,
        %gt3A_535 = arith.cmpf ogt, %gather3A_534, %max3A_529 : vector<16xf32>
        %max3A_536 = arith.maximumf %max3A_529, %gather3A_534 : vector<16xf32>
        %select_n3A_537 = arith.select %gt3A_535, %add3A_533, %select_n3A_530 : vector<16xi1>, vector<16xi32>
        %add3A_538 = arith.constant 10 : i32
        %add3A_539 = vector.broadcast %add3A_538 : i32 to vector<16xi32>
        %add3A_540 = arith.addi %scan3A_470, %add3A_539 : vector<16xi32>
        %gather3A_541 = tpu.vector_load_idx %arg6[%add3A_540] : memref<32768xf32, #tpu.memory_space<vmem>>[vector<16xi32>], vector<16xf32>,
        %gt3A_542 = arith.cmpf ogt, %gather3A_541, %max3A_536 : vector<16xf32>
        %max3A_543 = arith.maximumf %max3A_536, %gather3A_541 : vector<16xf32>
        %select_n3A_544 = arith.select %gt3A_542, %add3A_540, %select_n3A_537 : vector<16xi1>, vector<16xi32>
        %add3A_545 = arith.constant 11 : i32
        %add3A_546 = vector.broadcast %add3A_545 : i32 to vector<16xi32>
        %add3A_547 = arith.addi %scan3A_470, %add3A_546 : vector<16xi32>
        %gather3A_548 = tpu.vector_load_idx %arg6[%add3A_547] : memref<32768xf32, #tpu.memory_space<vmem>>[vector<16xi32>], vector<16xf32>,
        %gt3A_549 = arith.cmpf ogt, %gather3A_548, %max3A_543 : vector<16xf32>
        %max3A_550 = arith.maximumf %max3A_543, %gather3A_548 : vector<16xf32>
        %select_n3A_551 = arith.select %gt3A_549, %add3A_547, %select_n3A_544 : vector<16xi1>, vector<16xi32>
        %add3A_552 = arith.constant 12 : i32
        %add3A_553 = vector.broadcast %add3A_552 : i32 to vector<16xi32>
        %add3A_554 = arith.addi %scan3A_470, %add3A_553 : vector<16xi32>
        %gather3A_555 = tpu.vector_load_idx %arg6[%add3A_554] : memref<32768xf32, #tpu.memory_space<vmem>>[vector<16xi32>], vector<16xf32>,
        %gt3A_556 = arith.cmpf ogt, %gather3A_555, %max3A_550 : vector<16xf32>
        %max3A_557 = arith.maximumf %max3A_550, %gather3A_555 : vector<16xf32>
        %select_n3A_558 = arith.select %gt3A_556, %add3A_554, %select_n3A_551 : vector<16xi1>, vector<16xi32>
        %add3A_559 = arith.constant 13 : i32
        %add3A_560 = vector.broadcast %add3A_559 : i32 to vector<16xi32>
        %add3A_561 = arith.addi %scan3A_470, %add3A_560 : vector<16xi32>
        %gather3A_562 = tpu.vector_load_idx %arg6[%add3A_561] : memref<32768xf32, #tpu.memory_space<vmem>>[vector<16xi32>], vector<16xf32>,
        %gt3A_563 = arith.cmpf ogt, %gather3A_562, %max3A_557 : vector<16xf32>
        %max3A_564 = arith.maximumf %max3A_557, %gather3A_562 : vector<16xf32>
        %select_n3A_565 = arith.select %gt3A_563, %add3A_561, %select_n3A_558 : vector<16xi1>, vector<16xi32>
        %add3A_566 = arith.constant 14 : i32
        %add3A_567 = vector.broadcast %add3A_566 : i32 to vector<16xi32>
        %add3A_568 = arith.addi %scan3A_470, %add3A_567 : vector<16xi32>
        %gather3A_569 = tpu.vector_load_idx %arg6[%add3A_568] : memref<32768xf32, #tpu.memory_space<vmem>>[vector<16xi32>], vector<16xf32>,
        %gt3A_570 = arith.cmpf ogt, %gather3A_569, %max3A_564 : vector<16xf32>
        %max3A_571 = arith.maximumf %max3A_564, %gather3A_569 : vector<16xf32>
        %select_n3A_572 = arith.select %gt3A_570, %add3A_568, %select_n3A_565 : vector<16xi1>, vector<16xi32>
        %add3A_573 = arith.constant 15 : i32
        %add3A_574 = vector.broadcast %add3A_573 : i32 to vector<16xi32>
        %add3A_575 = arith.addi %scan3A_470, %add3A_574 : vector<16xi32>
        %gather3A_576 = tpu.vector_load_idx %arg6[%add3A_575] : memref<32768xf32, #tpu.memory_space<vmem>>[vector<16xi32>], vector<16xf32>,
        %gt3A_577 = arith.cmpf ogt, %gather3A_576, %max3A_571 : vector<16xf32>
        %max3A_578 = arith.maximumf %max3A_571, %gather3A_576 : vector<16xf32>
        %select_n3A_579 = arith.select %gt3A_577, %add3A_575, %select_n3A_572 : vector<16xi1>, vector<16xi32>
        %add3A_580 = arith.constant 16 : i32
        %add3A_581 = vector.broadcast %add3A_580 : i32 to vector<16xi32>
        %add3A_582 = arith.addi %scan3A_470, %add3A_581 : vector<16xi32>
        scf.yield %max3A_578, %select_n3A_579, %add3A_582 : vector<16xf32>, vector<16xi32>, vector<16xi32>
      }
      %scan3A_423 = arith.constant 32 : i32
      %and3A_424 = arith.constant 511 : i32
      %and3A_425 = vector.broadcast %and3A_424 : i32 to vector<16xi32>
      %and3A_426 = arith.andi %scan3A_422#1, %and3A_425 : vector<16xi32>
      %mul3A_427 = arith.constant 3 : i32
      %mul3A_428 = vector.broadcast %mul3A_427 : i32 to vector<16xi32>
      %mul3A_429 = arith.muli %and3A_426, %mul3A_428 : vector<16xi32>
      %mul3A_430 = arith.constant 64 : i32
      %mul3A_431 = arith.muli %add3A_244, %mul3A_430 : i32
      %add3A_432 = arith.constant 48 : i32
      %add3A_433 = arith.addi %mul3A_431, %add3A_432 : i32
      %add3A_434 = vector.broadcast %add3A_433 : i32 to vector<16xi32>
      %add3A_435 = arith.addi %add3A_434, %iota3A : vector<16xi32>
      %mul3A_436 = arith.constant 3 : i32
      %mul3A_437 = vector.broadcast %mul3A_436 : i32 to vector<16xi32>
      %mul3A_438 = arith.muli %add3A_435, %mul3A_437 : vector<16xi32>
      %add3A_439 = arith.constant 0 : i32
      %add3A_440 = vector.broadcast %add3A_439 : i32 to vector<16xi32>
      %add3A_441 = arith.addi %mul3A_429, %add3A_440 : vector<16xi32>
      %gather3A_442 = tpu.vector_load_idx %arg7[%add3A_441] : memref<1536xf32, #tpu.memory_space<vmem>>[vector<16xi32>], vector<16xf32>,
      %add3A_443 = arith.constant 0 : i32
      %add3A_444 = vector.broadcast %add3A_443 : i32 to vector<16xi32>
      %add3A_445 = arith.addi %mul3A_438, %add3A_444 : vector<16xi32>
      tpu.vector_store_idx %arg8[%add3A_445], %gather3A_442 : memref<24576xf32, #tpu.memory_space<vmem>>[vector<16xi32>], vector<16xf32>,
      %add3A_446 = arith.constant 1 : i32
      %add3A_447 = vector.broadcast %add3A_446 : i32 to vector<16xi32>
      %add3A_448 = arith.addi %mul3A_429, %add3A_447 : vector<16xi32>
      %gather3A_449 = tpu.vector_load_idx %arg7[%add3A_448] : memref<1536xf32, #tpu.memory_space<vmem>>[vector<16xi32>], vector<16xf32>,
      %add3A_450 = arith.constant 1 : i32
      %add3A_451 = vector.broadcast %add3A_450 : i32 to vector<16xi32>
      %add3A_452 = arith.addi %mul3A_438, %add3A_451 : vector<16xi32>
      tpu.vector_store_idx %arg8[%add3A_452], %gather3A_449 : memref<24576xf32, #tpu.memory_space<vmem>>[vector<16xi32>], vector<16xf32>,
      %add3A_453 = arith.constant 2 : i32
      %add3A_454 = vector.broadcast %add3A_453 : i32 to vector<16xi32>
      %add3A_455 = arith.addi %mul3A_429, %add3A_454 : vector<16xi32>
      %gather3A_456 = tpu.vector_load_idx %arg7[%add3A_455] : memref<1536xf32, #tpu.memory_space<vmem>>[vector<16xi32>], vector<16xf32>,
      %add3A_457 = arith.constant 2 : i32
      %add3A_458 = vector.broadcast %add3A_457 : i32 to vector<16xi32>
      %add3A_459 = arith.addi %mul3A_438, %add3A_458 : vector<16xi32>
      tpu.vector_store_idx %arg8[%add3A_459], %gather3A_456 : memref<24576xf32, #tpu.memory_space<vmem>>[vector<16xi32>], vector<16xf32>,
      %add3A_460 = arith.constant 2 : i32
      %add3A_461 = arith.addi %add3A_244, %add3A_460 : i32
      %lt3A_462 = arith.constant 128 : i32
      %lt3A_463 = arith.cmpi slt, %add3A_461, %lt3A_462 : i32
      %convert_element_type3A_464 = arith.extui %lt3A_463 : i1 to i32
      %cond3A_465 = arith.constant 0 : i32
      %cond3A_466 = arith.cmpi ne, %convert_element_type3A_464, %cond3A_465 : i32
      scf.if %cond3A_466 {
        %add3A_467 = arith.constant 2 : i32
        %add3A_468 = arith.addi %add3A_244, %add3A_467 : i32
        %mul3A_469 = arith.constant 64 : i32
        %mul3A_470 = arith.muli %add3A_468, %mul3A_469 : i32
        %add3A_471 = arith.addi %mul3A_2, %mul3A_470 : i32
        %mul3A_472 = arith.constant 512 : i32
        %mul3A_473 = arith.muli %add3A_471, %mul3A_472 : i32
        %dma_start3A_474 = tpu.memref_slice %arg2[%mul3A_473] : memref<134217728xf32, #tpu.memory_space<hbm>> -> memref<32768xf32, #tpu.memory_space<hbm>>
        %dma_start3A_475 = tpu.memref_slice %arg2[%mul3A_473] : memref<134217728xf32, #tpu.memory_space<hbm>> -> memref<32768xf32, #tpu.memory_space<hbm>>
        tpu.enqueue_dma source(%dma_start3A_475 : memref<32768xf32, #tpu.memory_space<hbm>>) target(%arg6 : memref<32768xf32, #tpu.memory_space<vmem>>) target_semaphore(%arg10 : memref<!tpu.dma_semaphore, #tpu.memory_space<semaphore_mem>>)
      } else {
      }
    }
    %scan3A_18 = arith.constant 64 : i32
    %mul3A_19 = arith.constant 3 : i32
    %mul3A_20 = arith.muli %mul3A_2, %mul3A_19 : i32
    "tpu.region"() ({
      %run_scoped3A = tpu.sem_alloc : memref<!tpu.dma_semaphore, #tpu.memory_space<semaphore_mem>>
      %dma_start3A_21 = tpu.memref_slice %arg4[%mul3A_20] : memref<786432xf32, #tpu.memory_space<hbm>> -> memref<24576xf32, #tpu.memory_space<hbm>>
      %dma_start3A_22 = tpu.memref_slice %arg4[%mul3A_20] : memref<786432xf32, #tpu.memory_space<hbm>> -> memref<24576xf32, #tpu.memory_space<hbm>>
      tpu.enqueue_dma source(%arg8 : memref<24576xf32, #tpu.memory_space<vmem>>) target(%dma_start3A_22 : memref<24576xf32, #tpu.memory_space<hbm>>) target_semaphore(%run_scoped3A : memref<!tpu.dma_semaphore, #tpu.memory_space<semaphore_mem>>)
      %dma_wait3A = tpu.memref_slice %arg4[%mul3A_20] : memref<786432xf32, #tpu.memory_space<hbm>> -> memref<24576xf32, #tpu.memory_space<hbm>>
      %dma_wait3A_23 = tpu.memref_slice %arg4[%mul3A_20] : memref<786432xf32, #tpu.memory_space<hbm>> -> memref<24576xf32, #tpu.memory_space<hbm>>
      tpu.wait_dma2 semaphore(%run_scoped3A : memref<!tpu.dma_semaphore, #tpu.memory_space<semaphore_mem>>) src(%arg8 : memref<24576xf32, #tpu.memory_space<vmem>>) dst(%dma_wait3A_23 : memref<24576xf32, #tpu.memory_space<hbm>>)
      tpu.yield
    }) : () -> ()
    return
  }
}

</mosaic_0001>

<sc_bundles>
// kernel: kernel.3.cloned.1.call-start
scs
__scs_entry_jumppad:
0x0: {  	(pc) =	sbr.rel $0x88, $3  }
0x1: {  	(tag) =	ssettag $0x0;
	lr =	simm.s32 $0x1  }
0x2: {  	[smem:$0x3F9F] =	sst lr;
	_ =	strace $0xD0000000  }
0x3: {  	_ = 	snop  }
0x4: {  	_ = 	snop  }
0x5: {  	_ = 	snop  }
0x6: {  	_ = 	snop  }
0x7: {  	_ = 	snop  }
__scs_overlays_trampoline_lowered:
0x8: {  	[smem:$0x3FAE] =	sst s0  }
0x9: {  	[smem:$0x3FAF] =	sst s1  }
0xa: {  	[smem:$0x3FB0] =	sst s2  }
0xb: {  	[smem:$0x3FB1] =	sst s3  }
0xc: {  	[smem:$0x3FB2] =	sst s4  }
0xd: {  	[smem:$0x3FB3] =	sst s5  }
0xe: {  	[smem:$0x3FB4] =	sst s6  }
0xf: {  	[smem:$0x3FB5] =	sst s7  }
0x10: {  	[smem:$0x3FB6] =	sst s8  }
0x11: {  	[smem:$0x3FB7] =	sst s9;
	s0 =	simm.s32 @!p0 $0x0  }
0x12: {  	s1 =	sld [smem:$0x3F9D];
	s0 =	simm.s32 @p0 $0x1  }
0x13: {  	[smem:$0x3FB8] =	sst s0;
	s0 =	simm.s32 @!p1 $0x0  }
0x14: {  	s2 =	sld [smem:$0x3F9C];
	s0 =	simm.s32 @p1 $0x1  }
0x15: {  	[smem:$0x3FB9] =	sst s0;
	s0 =	simm.s32 @!p2 $0x0  }
0x16: {  	s3 =	sld [smem:$0x3FDB];
	s0 =	simm.s32 @p2 $0x1  }
0x17: {  	s4 =	simm.s32 $0x1BF5;
	[smem:$0x3FBB] =	sst s0  }
0x18: {  	s0 =	sld [smem:$0x3F9E];
	_ =	swait.ge [sflag:s4], $0x0  }
0x19: {  	s7 =	sld [smem:$0x3F9F]  }
0x1a: {  	s8 =	sadd.s32 $0xFFFFE003, lr  }
0x1b: {  	s9 =	sadd.s32 $0xFFFFFEF7, lr;
	s5 =	simm.s32 $0xFFFFFFFF;
	p2 =	slt.u32 s8, $0xFFFFF086  }
0x1c: {  	p1 =	slt.u32 s9, $0xF7A;
	s5 =	simm.s32 @!p2 $0x0  }
0x1d: {  	s5 =	simm.s32 @p1 $0x1;
	p0 =	seq.s32 s7, s2  }
0x1e: {  	s7 =	smul.u32 @!p0 $0xF7A, s2;
	p2 =	seq.s32 @!p0 s5, $0x0  }
0x1f: {  	s9 =	smul.u32 $0xF7A, s1;
	s8 =	simm.s32 @!p0 $0x1BF5;
	p2 =	por !p2, p0  }
0x20: {  	[sflag:s8] =	ssyncset.s32 @!p0 $0xFFFFF086;
	s6 =	sadd.s32 @!p0 s3, s7;
	s7 =	simm.s32 @!p0 $0x108  }
0x21: {  	s3 =	sadd.s32 s3, s9;
	s6 =	sadd.s32 @!p0 $0x88, s6;
	s7 =	simm.s32 @p2 $0x1082  }
0x22: {  	[simem:s7], [sflag:s8] =	dma.local @!p0 [hbm:s6], $0xF7A  }
0x23: {  	s9 =	sor.u32 $0xD0000000, s2;
	s6 =	simm.s32 $0x108;
	_ =	swait.ge @!p0 [sflag:s8], $0x0  }
0x24: {  	s3 =	sadd.s32 $0x88, s3;
	s6 =	simm.s32 @!p1 $0x1082;
	[sflag:s4] =	ssyncset.s32 $0xFFFFF086  }
0x25: {  	[simem:s6], [sflag:s4] =	dma.local [hbm:s3], $0xF7A  }
0x26: {  	[smem:$0x3F9F] =	sst s1;
	(tag) =	ssettag s2;
	_ =	strace s9  }
0x27: {  	s1 =	sld [smem:$0x3FAF]  }
0x28: {  	s2 =	sld [smem:$0x3FB0]  }
0x29: {  	s4 =	sld [smem:$0x3FB2]  }
0x2a: {  	p0 =	seq.s32 s5, $0x0;
	s5 =	sld [smem:$0x3FB3]  }
0x2b: {  	s6 =	sld [smem:$0x3FB4]  }
0x2c: {  	s7 =	sld [smem:$0x3FB5]  }
0x2d: {  	s3 =	simm.s32 $0x108;
	s8 =	sld [smem:$0x3FB6]  }
0x2e: {  	s3 =	simm.s32 @!p0 $0x1082;
	s9 =	sld [smem:$0x3FB7]  }
0x2f: {  	lr =	sadd.s32 s0, s3;
	s0 =	sld [smem:$0x3FAE]  }
0x30: {  	s3 =	sld [smem:$0x3FB1]  }
0x31: {  	[smem:$0x3FBA] =	sst s10  }
0x32: {  	s10 =	sld [smem:$0x3FB8];
	_ =	sdelay $0x3  }
0x33: {  	p0 =	seq.s32 s10, $0x1;
	s10 =	sld [smem:$0x3FBA];
	_ =	sdelay $0x3  }
0x34: {  	[smem:$0x3FBA] =	sst s10  }
0x35: {  	s10 =	sld [smem:$0x3FB9];
	_ =	sdelay $0x3  }
0x36: {  	p1 =	seq.s32 s10, $0x1;
	s10 =	sld [smem:$0x3FBA];
	_ =	sdelay $0x3  }
0x37: {  	[smem:$0x3FBA] =	sst s10  }
0x38: {  	s10 =	sld [smem:$0x3FBB]  }
0x39: {  	_ = 	snop;
	(pc) =	sbr.ind lr, $3  }
0x3a: {  	_ = 	snop  }
0x3b: {  	_ = 	snop  }
0x3c: {  	p2 =	seq.s32 s10, $0x1;
	s10 =	sld [smem:$0x3FBA]  }
0x3d: {  	_ =	shalt  }
0x3e: {  	_ =	shalt  }
0x3f: {  	_ =	shalt  }
0x40: {  	_ =	shalt  }
0x41: {  	_ =	shalt  }
0x42: {  	_ =	shalt  }
0x43: {  	_ =	shalt  }
0x44: {  	_ =	shalt  }
0x45: {  	_ =	shalt  }
0x46: {  	_ =	shalt  }
0x47: {  	_ =	shalt  }
0x48: {  	_ =	shalt  }
0x49: {  	_ =	shalt  }
0x4a: {  	_ =	shalt  }
0x4b: {  	_ =	shalt  }
0x4c: {  	_ =	shalt  }
0x4d: {  	_ =	shalt  }
0x4e: {  	_ =	shalt  }
0x4f: {  	_ =	shalt  }
0x50: {  	_ =	shalt  }
0x51: {  	_ =	shalt  }
0x52: {  	_ =	shalt  }
0x53: {  	_ =	shalt  }
0x54: {  	_ =	shalt  }
0x55: {  	_ =	shalt  }
0x56: {  	_ =	shalt  }
0x57: {  	_ =	shalt  }
0x58: {  	_ =	shalt  }
0x59: {  	_ =	shalt  }
0x5a: {  	_ =	shalt  }
0x5b: {  	_ =	shalt  }
0x5c: {  	_ =	shalt  }
0x5d: {  	_ =	shalt  }
0x5e: {  	_ =	shalt  }
0x5f: {  	_ =	shalt  }
0x60: {  	_ =	shalt  }
0x61: {  	_ =	shalt  }
0x62: {  	_ =	shalt  }
0x63: {  	_ =	shalt  }
0x64: {  	_ =	shalt  }
0x65: {  	_ =	shalt  }
0x66: {  	_ =	shalt  }
0x67: {  	_ =	shalt  }
0x68: {  	_ =	shalt  }
0x69: {  	_ =	shalt  }
0x6a: {  	_ =	shalt  }
0x6b: {  	_ =	shalt  }
0x6c: {  	_ =	shalt  }
0x6d: {  	_ =	shalt  }
0x6e: {  	_ =	shalt  }
0x6f: {  	_ =	shalt  }
0x70: {  	_ =	shalt  }
0x71: {  	_ =	shalt  }
0x72: {  	_ =	shalt  }
0x73: {  	_ =	shalt  }
0x74: {  	_ =	shalt  }
0x75: {  	_ =	shalt  }
0x76: {  	_ =	shalt  }
0x77: {  	_ =	shalt  }
0x78: {  	_ =	shalt  }
0x79: {  	_ =	shalt  }
0x7a: {  	_ =	shalt  }
0x7b: {  	_ =	shalt  }
0x7c: {  	_ =	shalt  }
0x7d: {  	_ =	shalt  }
0x7e: {  	_ =	shalt  }
0x7f: {  	_ =	shalt  }
0x80: {  	_ =	shalt  }
0x81: {  	_ =	shalt  }
0x82: {  	_ =	shalt  }
0x83: {  	_ =	shalt  }
0x84: {  	_ =	shalt  }
0x85: {  	_ =	shalt  }
0x86: {  	_ =	shalt  }
0x87: {  	_ =	shalt  }
.Lfunc_end0:
.L_simem_size_0:
called_computation.1_lowered:
.L_overlay_start_0:
0x88: {  	s2 =	sld [smem:$0x3FD9]  }
0x89: {  	s3 =	sld [smem:$0x3FFE];
	_ =	sdelay $0x1  }
0x8a: {  	s1 =	srdreg.scid  }
0x8b: {  	s0 =	sand.u32 $0x1, s1  }
0x8c: {  	s17 =	sshll.u32 s0, $0xA;
	s2 =	sadd.s32 s3, s2  }
0x8d: {  	s2 =	sadd.s32 s2, s17  }
0x8e: {  	[smem:$0x3FC6] =	sst s2  }
0x8f: {  	_ = 	snop  }
0x90: {  	s2 =	sld [smem:$0x3FD0];
	(tm) =	ssettm $0x1  }
0x91: {  	s18 =	sld [smem:$0x3FFB];
	_ =	sdelay $0x3  }
0x92: {  	_ =	strace s18  }
0x93: {  	s3 =	sld [smem:$0x3FFC];
	_ =	sdelay $0x3  }
0x94: {  	_ =	strace s3  }
0x95: {  	s3 =	sld [smem:$0x3FFD];
	_ =	sdelay $0x3  }
0x96: {  	_ =	strace s3  }
0x97: {  	_ =	strace $0x8FFFFFFF  }
0x98: {  	s19 =	sld [smem:$0x3FDB];
	_ =	sdelay $0x1  }
0x99: {  	s4 =	simm.s32 $_scs_section_size  }
0x9a: {  	s5 =	simm.s32 $_size__tile_overlayer_lowered;
	s6 =	simm.s32 $_tile_overlayer_lowered  }
0x9b: {  	s22 =	simm.s32 $0x1BFF;
	s21 =	sshll.u32 s6, $0x1;
	s3 =	sadd.s32 s4, s19  }
0x9c: {  	s7 =	simm.s32 $0x0;
	s20 =	sshll.u32 s5, $0x1;
	s5 =	sadd.s32 s21, s3  }
0x9d: {  	[timem:s7], [sflag:s22] =	dma.local [hbm:s5], s20  }
0x9e: {  	_ =	swait.ge [sflag:s22], s20  }
0x9f: {  	s4 =	ssub.s32 $0x0, s20;
	[sflag:s22] =	ssyncset.done $0x0  }
0xa0: {  	[sflag:s22] =	ssyncadd.s32 s4;
	_ =	sdelay $0x1  }
0xa1: {  	s23 =	simm.s32 $0x1B8B  }
0xa2: {  	_ =	swait.ge [sflag:s23], $0x1  }
0xa3: {  	[sflag:s23] =	ssyncset.done $0x0  }
0xa4: {  	s25 =	simm.s32 $0x1B8E;
	s24 =	sld [smem:$0x3FFE];
	[sflag:s23] =	ssyncadd.s32 $0xFFFFFFFF  }
0xa5: {  	s26 =	simm.s32 $execute0_lowered;
	[smem:$0x3FD2] =	sst s25  }
0xa6: {  	s5 =	sshll.u32 s26, $0x1;
	_ =	strace $0x80000049;
	[dreg:$0x1] =	wrdreg $0xFFFFFFFF  }
0xa7: {  	s28 =	simm.s32 $_size_execute0_lowered;
	s3 =	sadd.s32 s3, s5;
	[dreg:$0x0] =	wrdreg $0x0  }
0xa8: {  	s5 =	sshll.u32 s28, $0x1;
	[dreg:$0x2] =	wrdreg s3  }
0xa9: {  	[dreg:$0x3] =	wrdreg s5  }
0xaa: {  	[dreg:$0x4] =	wrdreg $0xC0  }
0xab: {  	_ =	task [dreg:s7], $0x5FFFF  }
0xac: {  	[dreg:$0x1] =	wrdreg $0xFFFFFFFF  }
0xad: {  	[dreg:$0x0] =	wrdreg $0x60  }
0xae: {  	[dreg:$0x2] =	wrdreg s24  }
0xaf: {  	[dreg:$0x3] =	wrdreg s2  }
0xb0: {  	[dreg:$0x4] =	wrdreg $0x9  }
0xb1: {  	_ =	task.clear_ibuf [dreg:s7], $0x5FFFF;
	_ =	strace $0x90000049  }
0xb2: {  	s29 =	simm.s32 $0x9;
	_ =	strace $0x8000004B  }
0xb3: {  	_ =	swait.ge [sflag:s29], $0x1  }
0xb4: {  	[sflag:s29] =	ssyncadd.s32 $0xFFFFFFFF  }
0xb5: {  	_ =	strace $0x9000004B  }
0xb6: {  	_ =	sfence  }
0xb7: {  	s30 =	sld [smem:$0x0];
	_ =	sdelay $0x2  }
0xb8: {  	s31 =	sshll.u32 s1, $0xD;
	s1 =	sshrl.u32 s1, $0x2  }
0xb9: {  	s3 =	sand.u32 $0x4000, s31;
	s1 =	sadd.s32 s1, s30  }
0xba: {  	s0 =	sor.u32 s3, s0;
	s1 =	sshll.u32 s1, $0x11  }
0xbb: {  	s0 =	sor.u32 s1, s0  }
0xbc: {  	s0 =	sadd.s32 $0x8F2B, s0  }
0xbd: {  	[sflag:s0] =	ssyncadd.remote.s32 $0x1  }
0xbe: {  	_ =	sfence.sel $0xFFFF  }
0xbf: {  	[dreg:$0x0] =	wrdreg $0xFFFFFFFF;
	(pc) =	sbr.abs _section_cstart, $3  }
0xc0: {  	[dreg:$0x1] =	wrdreg $0xFFFFFFFF  }
0xc1: {  	_ =	task.clear_ibuf [dreg:s7], $0x2FFFF;
	_ =	strace $0x9FFFFFFF  }
0xc2: {  	(tm) =	ssettm $0x7FFFFFFF  }
0xc3: {  	_ =	shalt  }
tec
execute0_lowered:
.L_overlay_start_1:
0x0: {  	(tag) =	ssettag $0x1  }
0x1: {  	s3 =	rddreg [dreg:$0x0]  }
0x2: {  	s8 =	rddreg [dreg:$0x1]  }
0x3: {  	s0 =	rddreg [dreg:$0x2]  }
0x4: {  	s4 =	srdreg.scid;
	s1 =	stileid.u32  }
0x5: {  	s2 =	simm.s32 $0x0;
	s11 =	simm.s32 $0x3;
	s12 =	simm.s32 $0x8000  }
0x6: {  	s13 =	simm.s32 $0x1;
	s14 =	simm.s32 $0x10600;
	s15 =	simm.s32 $0x2  }
0x7: {  	s4 =	sand.u32 $0x1, s4;
	s5 =	sshll.u32 s1, $0x1;
	[smem:$0x7FF] =	sst s2  }
0x8: {  	s16 =	simm.s32 $0x0;
	s5 =	sor.u32 s4, s5;
	_ =	strace $0x8000004A  }
.Ltmp0:
0x9: {  	s4 =	ssub.s32 $0x2, s4;
	s6 =	sshll.u32 s5, $0x13;
	(pc) =	sbr.rel .LBB2_1-.Ltmp0, $4  }
0xa: {  	v1 =	vlaneseq.u32;
	s31 =	sshrl.u32 s4, $0x1;
	s10 =	smul.u32 $0xC00, s5;
	s7 =	sadd.s32 s6, s3  }
0xb: {  	v0 =	vmul.u32 $0x200, v1;
	v54 =	vmul.u32 $0x3, v1;
	s3 =	sadd.s32 $0x1000A00, s3;
	s9 =	ssub.s32 s4, s31;
	s4 =	sadd.s32 $0xA00, s7  }
0xc: {  	s5 =	sadd.s32 $0x1A00, s7;
	s6 =	sadd.s32 $0x2A00, s7;
	s7 =	sadd.s32 $0x3A00, s7  }
0xd: {  	v55 =	vadd.s32 $0x1, v54;
	v56 =	vadd.s32 $0x2, v54;
	v4 =	vor.u32 $0x2000, v0;
	s8 =	sadd.s32 s8, s10;
	s9 =	smax.u32 s9, $0x1;
	s10 =	simm.s32 $0x10000  }
.LBB2_20:
0xe: {  	s16 =	sadd.s32 $0x1, s16  }
0xf: {  	p0 =	sne.s32 s16, s9  }
.Ltmp1:
0x10: {  	_ = 	snop;
	(pc) =	sbr.rel @!p0 .LBB2_21-.Ltmp1, $4  }
0x11: {  	[hbm4b:s8+s2] =	stream.linear.scatter [tilespmem:s14], [sflag:$0x3], $0x6000, $0x38;
	[tilespmem:$0x16600] =	vst v63  }
0x12: {  	_ =	swait.ge [sflag:s11], $0x6000  }
0x13: {  	[sflag:s11] =	ssyncset.done $0x0  }
0x14: {  	[sflag:s11] =	ssyncadd.s32 $0xFFFFA000  }
.LBB2_1:
0x15: {  	[tilespmem:s10], [sflag:$0x3] =	stream.linear.gather [hbm4b:s3+s2], $0x600, $0x38;
	[tilespmem:$0x16600] =	vst v63  }
0x16: {  	_ =	swait.ge [sflag:s11], $0x600  }
0x17: {  	[sflag:s11] =	ssyncset.done $0x0  }
0x18: {  	[sflag:s11] =	ssyncadd.s32 $0xFFFFFA00  }
0x19: {  	[tilespmem:s2], [sflag:$0x1] =	stream.linear.gather [hbm4b:s4+s2], $0x8000, $0x38;
	[tilespmem:$0x16600] =	vst v63  }
0x1a: {  	s17 =	simm.s32 $0x0  }
0x1b: {  	[tilespmem:s12], [sflag:$0x2] =	stream.linear.gather [hbm4b:s5+s2], $0x8000, $0x38;
	[tilespmem:$0x16600] =	vst v63  }
.LBB2_2:
0x1c: {  	v29 =	vor.u32 $0x1, v0  }
0x1d: {  	_ =	swait.ge [sflag:s13], $0x8000;
	v28 =	vor.u32 $0x2, v0  }
0x1e: {  	v27 =	vor.u32 $0x3, v0;
	[sflag:s13] =	ssyncset.done $0x0  }
0x1f: {  	v26 =	vor.u32 $0x4, v0;
	[sflag:s13] =	ssyncadd.s32 $0xFFFF8000  }
0x20: {  	v25 =	vor.u32 $0x5, v0;
	v6 =	vld.idx.msk [tilespmem:v0+s2+$0x0], $0xffff  }
0x21: {  	v9 =	vimm.f32 $-Inf;
	v10 =	vimm.s32 $0x0;
	v18 =	vor.u32 $0x6, v0;
	[tilespmem:$0x1FF30] =	vst v29;
	v12 =	vld.idx.msk [tilespmem:v29+s2+$0x0], $0xffff  }
0x22: {  	v11 =	vadd.s32 $0x10, v0;
	v23 =	vor.u32 $0x7, v0;
	v19 =	vor.u32 $0x8, v0;
	[tilespmem:$0x1FF40] =	vst v28;
	v13 =	vld.idx.msk [tilespmem:v28+s2+$0x0], $0xffff  }
0x23: {  	v3 =	vor.u32 $0xE, v0;
	v1 =	vor.u32 $0xF, v0;
	v22 =	vor.u32 $0x9, v0;
	[tilespmem:$0x1FF50] =	vst v27;
	v14 =	vld.idx.msk [tilespmem:v27+s2+$0x0], $0xffff  }
0x24: {  	v17 =	vor.u32 $0xC, v0;
	v20 =	vor.u32 $0xD, v0;
	v24 =	vor.u32 $0xA, v0;
	[tilespmem:$0x1FF60] =	vst v26;
	v15 =	vld.idx.msk [tilespmem:v26+s2+$0x0], $0xffff  }
0x25: {  	v21 =	vor.u32 $0xB, v0;
	[tilespmem:$0x1FF70] =	vst v25;
	v16 =	vld.idx.msk [tilespmem:v25+s2+$0x0], $0xffff;
	vm0 =	vgt.f32 v6, v9;
	v6 =	vmax.f32 v9, v6  }
0x26: {  	v9 =	vld.idx.msk [tilespmem:v18+s2+$0x0], $0xffff;
	v10 =	vsel vm0, v0, v10;
	vm0 =	vgt.f32 v12, v6;
	v6 =	vmax.f32 v6, v12  }
0x27: {  	v12 =	vld.idx.msk [tilespmem:v23+s2+$0x0], $0xffff;
	v10 =	vsel vm0, v29, v10;
	vm0 =	vgt.f32 v13, v6;
	v6 =	vmax.f32 v6, v13  }
0x28: {  	v13 =	vld.idx.msk [tilespmem:v19+s2+$0x0], $0xffff;
	v10 =	vsel vm0, v28, v10;
	vm0 =	vgt.f32 v14, v6;
	v6 =	vmax.f32 v6, v14  }
0x29: {  	v14 =	vld.idx.msk [tilespmem:v22+s2+$0x0], $0xffff;
	v10 =	vsel vm0, v27, v10;
	vm0 =	vgt.f32 v15, v6;
	v6 =	vmax.f32 v6, v15  }
0x2a: {  	v15 =	vld.idx.msk [tilespmem:v24+s2+$0x0], $0xffff;
	v10 =	vsel vm0, v26, v10;
	vm0 =	vgt.f32 v16, v6;
	v6 =	vmax.f32 v6, v16  }
0x2b: {  	v16 =	vld.idx.msk [tilespmem:v21+s2+$0x0], $0xffff;
	v10 =	vsel vm0, v25, v10;
	vm0 =	vgt.f32 v9, v6;
	v6 =	vmax.f32 v6, v9  }
0x2c: {  	v9 =	vld.idx.msk [tilespmem:v17+s2+$0x0], $0xffff;
	v10 =	vsel vm0, v18, v10;
	vm0 =	vgt.f32 v12, v6;
	v6 =	vmax.f32 v6, v12  }
0x2d: {  	[tilespmem:$0x1FF80] =	vst v18;
	v10 =	vsel vm0, v23, v10;
	vm0 =	vgt.f32 v13, v6;
	v6 =	vmax.f32 v6, v13  }
0x2e: {  	v18 =	vld.idx.msk [tilespmem:v20+s2+$0x0], $0xffff;
	v10 =	vsel vm0, v19, v10;
	vm0 =	vgt.f32 v14, v6;
	v6 =	vmax.f32 v6, v14  }
0x2f: {  	[tilespmem:$0x1FF90] =	vst v23;
	v10 =	vsel vm0, v22, v10;
	vm0 =	vgt.f32 v15, v6;
	v6 =	vmax.f32 v6, v15  }
0x30: {  	[tilespmem:$0x1FFA0] =	vst v19;
	v10 =	vsel vm0, v24, v10;
	vm0 =	vgt.f32 v16, v6;
	v6 =	vmax.f32 v6, v16  }
0x31: {  	[tilespmem:$0x1FFB0] =	vst v22;
	v19 =	vld.idx.msk [tilespmem:v3+s2+$0x0], $0xffff;
	v10 =	vsel vm0, v21, v10;
	vm0 =	vgt.f32 v9, v6  }
0x32: {  	v5 =	vor.u32 $0x5, v11;
	[tilespmem:$0x1FFE0] =	vst v17;
	v6 =	vmax.f32 v6, v9;
	v9 =	vsel vm0, v17, v10;
	v17 =	vld.idx.msk [tilespmem:v1+s2+$0x0], $0xffff  }
0x33: {  	[tilespmem:$0x1FFC0] =	vst v24;
	v12 =	vor.u32 $0x1, v11;
	v15 =	vld.idx.msk [tilespmem:v11+s2+$0x0], $0xffff;
	vm0 =	vgt.f32 v18, v6;
	v6 =	vmax.f32 v6, v18  }
0x34: {  	v2 =	vadd.s32 $0x10, v11;
	v8 =	vor.u32 $0x4, v11;
	[tilespmem:$0x1FFD0] =	vst v21;
	v13 =	vor.u32 $0x2, v11  }
0x35: {  	v7 =	vor.u32 $0x6, v11;
	[tilespmem:$0x1FFF0] =	vst v20;
	v14 =	vor.u32 $0x3, v11;
	v16 =	vmovc v11;
	v18 =	vsel vm0, v20, v9  }
0x36: {  	s18 =	simm.s32 $0x1E;
	vm0 =	vgt.f32 v19, v6;
	v19 =	vmax.f32 v6, v19;
	v10 =	vmovc v8;
	v6 =	vmovc v5;
	v9 =	vmov v7  }
.LBB2_3:
0x37: {  	p0 =	sne.s32 s18, $0x1;
	s18 =	sadd.s32 $0xFFFFFFFF, s18;
	v3 =	vsel vm0, v3, v18;
	vm0 =	vgt.f32 v17, v19;
	v17 =	vmax.f32 v19, v17;
	v18 =	vmovc v2  }
0x38: {  	v19 =	vor.u32 $0x5, v2;
	vm1 =	vgt.f32 v15, v17;
	v20 =	vld.idx.msk [tilespmem:v12+s2+$0x0], $0xffff;
	v21 =	vsel vm0, v1, v3  }
0x39: {  	v23 =	vor.u32 $0x7, v16;
	v22 =	vld.idx.msk [tilespmem:v13+s2+$0x0], $0xffff  }
0x3a: {  	v25 =	vor.u32 $0x8, v16;
	v3 =	vor.u32 $0xE, v16;
	v1 =	vor.u32 $0xF, v16;
	v24 =	vld.idx.msk [tilespmem:v14+s2+$0x0], $0xffff  }
0x3b: {  	v27 =	vor.u32 $0x9, v16;
	v28 =	vor.u32 $0xC, v16;
	v29 =	vor.u32 $0xD, v16;
	v26 =	vld.idx.msk [tilespmem:v10+s2+$0x0], $0xffff  }
0x3c: {  	v2 =	vadd.s32 $0x10, v2;
	v31 =	vor.u32 $0xA, v16;
	v32 =	vor.u32 $0xB, v16;
	v30 =	vld.idx.msk [tilespmem:v6+s2+$0x0], $0xffff  }
0x3d: {  	v33 =	vor.u32 $0x4, v18;
	v34 =	vor.u32 $0x6, v18;
	v15 =	vmax.f32 v17, v15;
	v17 =	vld.idx.msk [tilespmem:v9+s2+$0x0], $0xffff  }
0x3e: {  	v16 =	vsel vm1, v16, v21;
	vm0 =	vgt.f32 v20, v15;
	v15 =	vmax.f32 v15, v20;
	v20 =	vld.idx.msk [tilespmem:v23+s2+$0x0], $0xffff  }
0x3f: {  	v12 =	vsel vm0, v12, v16;
	vm0 =	vgt.f32 v22, v15;
	v15 =	vmax.f32 v15, v22;
	v16 =	vld.idx.msk [tilespmem:v25+s2+$0x0], $0xffff  }
0x40: {  	v12 =	vsel vm0, v13, v12;
	vm0 =	vgt.f32 v24, v15;
	v13 =	vmax.f32 v15, v24;
	v15 =	vld.idx.msk [tilespmem:v27+s2+$0x0], $0xffff  }
0x41: {  	v12 =	vsel vm0, v14, v12;
	vm0 =	vgt.f32 v26, v13;
	v13 =	vmax.f32 v13, v26;
	v14 =	vld.idx.msk [tilespmem:v31+s2+$0x0], $0xffff  }
0x42: {  	v10 =	vsel vm0, v10, v12;
	vm0 =	vgt.f32 v30, v13;
	v12 =	vmax.f32 v13, v30;
	v13 =	vld.idx.msk [tilespmem:v32+s2+$0x0], $0xffff  }
0x43: {  	v6 =	vsel vm0, v6, v10;
	vm0 =	vgt.f32 v17, v12;
	v10 =	vmax.f32 v12, v17;
	v21 =	vld.idx.msk [tilespmem:v28+s2+$0x0], $0xffff  }
0x44: {  	v6 =	vsel vm0, v9, v6;
	vm0 =	vgt.f32 v20, v10;
	v9 =	vmax.f32 v10, v20;
	v20 =	vld.idx.msk [tilespmem:v29+s2+$0x0], $0xffff  }
0x45: {  	v23 =	vsel vm0, v23, v6;
	vm0 =	vgt.f32 v16, v9;
	v9 =	vmax.f32 v9, v16;
	v22 =	vld.idx.msk [tilespmem:v3+s2+$0x0], $0xffff  }
0x46: {  	v12 =	vsel vm0, v25, v23;
	vm0 =	vgt.f32 v15, v9;
	v9 =	vmax.f32 v9, v15;
	v17 =	vld.idx.msk [tilespmem:v1+s2+$0x0], $0xffff  }
0x47: {  	v24 =	vsel vm0, v27, v12;
	vm0 =	vgt.f32 v14, v9;
	v9 =	vmax.f32 v9, v14;
	v6 =	vmovc v19  }
.Ltmp2:
0x48: {  	v19 =	vsel vm0, v31, v24;
	vm0 =	vgt.f32 v13, v9;
	v23 =	vmax.f32 v9, v13;
	v15 =	vld.idx.msk [tilespmem:v18+s2+$0x0], $0xffff;
	(pc) =	sbr.rel @p0 .LBB2_3-.Ltmp2, $4  }
0x49: {  	v16 =	vmovc v18;
	v10 =	vmovc v33;
	v12 =	vor.u32 $0x1, v18;
	v14 =	vsel vm0, v32, v19;
	vm0 =	vgt.f32 v21, v23  }
0x4a: {  	v13 =	vor.u32 $0x2, v16;
	v18 =	vmax.f32 v23, v21;
	v19 =	vsel vm0, v28, v14;
	v9 =	vmovc v34  }
0x4b: {  	v14 =	vor.u32 $0x3, v16;
	vm0 =	vgt.f32 v20, v18;
	v20 =	vmax.f32 v18, v20  }
0x4c: {  	v18 =	vsel vm0, v29, v19;
	vm0 =	vgt.f32 v22, v20;
	v19 =	vmax.f32 v20, v22  }
0x4d: {  	_ =	sdelay $0x3  }
0x4e: {  	v2 =	vsel vm0, v3, v18;
	vm0 =	vgt.f32 v17, v19;
	v3 =	vmax.f32 v19, v17;
	v17 =	vld.idx.msk [tilespmem:v12+s2+$0x0], $0xffff  }
0x4f: {  	v18 =	vor.u32 $0x7, v16;
	v20 =	vor.u32 $0x8, v16;
	v1 =	vsel vm0, v1, v2;
	v2 =	vld.idx.msk [tilespmem:v13+s2+$0x0], $0xffff  }
0x50: {  	v19 =	vld.idx.msk [tilespmem:v14+s2+$0x0], $0xffff;
	v21 =	vor.u32 $0xE, v16;
	v22 =	vor.u32 $0xF, v16;
	v24 =	vor.u32 $0x9, v16  }
0x51: {  	v23 =	vld.idx.msk [tilespmem:v10+s2+$0x0], $0xffff;
	v25 =	vor.u32 $0xC, v16;
	v26 =	vor.u32 $0xD, v16;
	v28 =	vor.u32 $0xA, v16  }
0x52: {  	v27 =	vld.idx.msk [tilespmem:v6+s2+$0x0], $0xffff;
	v29 =	vor.u32 $0xB, v16;
	vm1 =	vgt.f32 v15, v3;
	v3 =	vmax.f32 v3, v15  }
0x53: {  	v15 =	vld.idx.msk [tilespmem:v9+s2+$0x0], $0xffff;
	v1 =	vsel vm1, v16, v1;
	vm0 =	vgt.f32 v17, v3;
	v3 =	vmax.f32 v3, v17  }
0x54: {  	v16 =	vld.idx.msk [tilespmem:v18+s2+$0x0], $0xffff;
	v1 =	vsel vm0, v12, v1;
	vm0 =	vgt.f32 v2, v3;
	v2 =	vmax.f32 v3, v2  }
0x55: {  	v3 =	vld.idx.msk [tilespmem:v20+s2+$0x0], $0xffff;
	v1 =	vsel vm0, v13, v1;
	vm0 =	vgt.f32 v19, v2;
	v2 =	vmax.f32 v2, v19  }
0x56: {  	v12 =	vld.idx.msk [tilespmem:v24+s2+$0x0], $0xffff;
	v1 =	vsel vm0, v14, v1;
	vm0 =	vgt.f32 v23, v2;
	v2 =	vmax.f32 v2, v23  }
0x57: {  	v13 =	vld.idx.msk [tilespmem:v28+s2+$0x0], $0xffff;
	v1 =	vsel vm0, v10, v1;
	vm0 =	vgt.f32 v27, v2;
	v2 =	vmax.f32 v2, v27  }
0x58: {  	v10 =	vld.idx.msk [tilespmem:v29+s2+$0x0], $0xffff;
	v1 =	vsel vm0, v6, v1;
	vm0 =	vgt.f32 v15, v2;
	v2 =	vmax.f32 v2, v15  }
0x59: {  	v6 =	vld.idx.msk [tilespmem:v25+s2+$0x0], $0xffff;
	v1 =	vsel vm0, v9, v1;
	vm0 =	vgt.f32 v16, v2;
	v2 =	vmax.f32 v2, v16  }
0x5a: {  	v9 =	vld.idx.msk [tilespmem:v26+s2+$0x0], $0xffff;
	v1 =	vsel vm0, v18, v1;
	vm0 =	vgt.f32 v3, v2;
	v2 =	vmax.f32 v2, v3  }
0x5b: {  	v3 =	vld.idx.msk [tilespmem:v21+s2+$0x0], $0xffff;
	v1 =	vsel vm0, v20, v1;
	vm0 =	vgt.f32 v12, v2;
	v2 =	vmax.f32 v2, v12  }
0x5c: {  	v12 =	vld.idx.msk [tilespmem:v22+s2+$0x0], $0xffff;
	v1 =	vsel vm0, v24, v1;
	vm0 =	vgt.f32 v13, v2;
	v2 =	vmax.f32 v2, v13  }
0x5d: {  	v1 =	vsel vm0, v28, v1;
	vm0 =	vgt.f32 v10, v2;
	v2 =	vmax.f32 v2, v10  }
0x5e: {  	v1 =	vsel vm0, v29, v1;
	vm0 =	vgt.f32 v6, v2;
	v2 =	vmax.f32 v2, v6  }
0x5f: {  	v1 =	vsel vm0, v25, v1;
	vm0 =	vgt.f32 v9, v2;
	v2 =	vmax.f32 v2, v9  }
0x60: {  	v1 =	vsel vm0, v26, v1;
	vm0 =	vgt.f32 v3, v2;
	v2 =	vmax.f32 v2, v3  }
0x61: {  	v1 =	vsel vm0, v21, v1;
	vm0 =	vgt.f32 v12, v2  }
0x62: {  	v1 =	vsel vm0, v22, v1  }
0x63: {  	v1 =	vand.u32 $0x1FF, v1  }
0x64: {  	s18 =	sshll.u32 s17, $0x7;
	v1 =	vmul.u32 $0x3, v1  }
0x65: {  	v2 =	vmov s18  }
0x66: {  	v2 =	vmul.u32 $0x3, v2;
	_ =	sdelay $0x1  }
0x67: {  	v2 =	vbroadcast v2, $0x0;
	_ =	sdelay $0x1  }
0x68: {  	v6 =	vor.u32 v54, v2;
	v3 =	vld.idx.msk [tilespmem:v1+s10+$0x0], $0xffff  }
0x69: {  	v9 =	vadd.s32 $0x1, v1;
	_ =	sdelay $0x3  }
0x6a: {  	[tilespmem:v6+s14+$0x0] =	vst.idx.msk $0xffff, v3  }
0x6b: {  	v6 =	vor.u32 v55, v2;
	v3 =	vld.idx.msk [tilespmem:v9+s10+$0x0], $0xffff  }
0x6c: {  	v1 =	vadd.s32 $0x2, v1;
	_ =	sdelay $0x3  }
0x6d: {  	[tilespmem:v6+s14+$0x0] =	vst.idx.msk $0xffff, v3  }
0x6e: {  	v2 =	vor.u32 v56, v2;
	v1 =	vld.idx.msk [tilespmem:v1+s10+$0x0], $0xffff;
	_ =	sdelay $0x1  }
0x6f: {  	v33 =	vor.u32 $0x1, v4  }
0x70: {  	v32 =	vor.u32 $0x2, v4  }
0x71: {  	v31 =	vor.u32 $0x3, v4  }
0x72: {  	v30 =	vor.u32 $0x4, v4;
	[tilespmem:v2+s14+$0x0] =	vst.idx.msk $0xffff, v1  }
0x73: {  	v58 =	vor.u32 $0x5, v4;
	v9 =	vld.idx.msk [tilespmem:v4+s2+$0x0], $0xffff  }
0x74: {  	v59 =	vor.u32 $0x7, v4;
	v60 =	vor.u32 $0x9, v4;
	[tilespmem:$0x1FE60] =	vst v33;
	v22 =	vor.u32 $0x6, v4;
	v16 =	vld.idx.msk [tilespmem:v33+s2+$0x0], $0xffff  }
0x75: {  	v61 =	vor.u32 $0xD, v4;
	v62 =	vor.u32 $0xA, v4;
	v63 =	vor.u32 $0xB, v4;
	[tilespmem:$0x1FE70] =	vst v32;
	v17 =	vld.idx.msk [tilespmem:v32+s2+$0x0], $0xffff  }
0x76: {  	[tilespmem:$0x1FE80] =	vst v31;
	v14 =	vimm.s32 $0x0;
	v23 =	vor.u32 $0x8, v4;
	v15 =	vadd.s32 $0x10, v4;
	v18 =	vld.idx.msk [tilespmem:v31+s2+$0x0], $0xffff  }
0x77: {  	[tilespmem:$0x1FE90] =	vst v30;
	v13 =	vimm.f32 $-Inf;
	v21 =	vor.u32 $0xC, v4;
	v3 =	vor.u32 $0xE, v4;
	v19 =	vld.idx.msk [tilespmem:v30+s2+$0x0], $0xffff  }
0x78: {  	[tilespmem:$0x1FEA0] =	vst v58;
	v1 =	vor.u32 $0xF, v4;
	v20 =	vld.idx.msk [tilespmem:v58+s2+$0x0], $0xffff;
	vm0 =	vgt.f32 v9, v13;
	v9 =	vmax.f32 v13, v9  }
0x79: {  	v13 =	vld.idx.msk [tilespmem:v22+s2+$0x0], $0xffff;
	v14 =	vsel vm0, v4, v14;
	vm0 =	vgt.f32 v16, v9;
	v9 =	vmax.f32 v9, v16  }
0x7a: {  	v16 =	vld.idx.msk [tilespmem:v59+s2+$0x0], $0xffff;
	v14 =	vsel vm0, v33, v14;
	vm0 =	vgt.f32 v17, v9;
	v9 =	vmax.f32 v9, v17  }
0x7b: {  	v17 =	vld.idx.msk [tilespmem:v23+s2+$0x0], $0xffff;
	v14 =	vsel vm0, v32, v14;
	vm0 =	vgt.f32 v18, v9;
	v9 =	vmax.f32 v9, v18  }
0x7c: {  	v18 =	vld.idx.msk [tilespmem:v60+s2+$0x0], $0xffff;
	v14 =	vsel vm0, v31, v14;
	vm0 =	vgt.f32 v19, v9;
	v9 =	vmax.f32 v9, v19  }
0x7d: {  	v19 =	vld.idx.msk [tilespmem:v62+s2+$0x0], $0xffff;
	v14 =	vsel vm0, v30, v14;
	vm0 =	vgt.f32 v20, v9;
	v9 =	vmax.f32 v9, v20  }
0x7e: {  	v20 =	vld.idx.msk [tilespmem:v63+s2+$0x0], $0xffff;
	v14 =	vsel vm0, v58, v14;
	vm0 =	vgt.f32 v13, v9;
	v9 =	vmax.f32 v9, v13  }
0x7f: {  	v13 =	vld.idx.msk [tilespmem:v21+s2+$0x0], $0xffff;
	v14 =	vsel vm0, v22, v14;
	vm0 =	vgt.f32 v16, v9;
	v9 =	vmax.f32 v9, v16  }
0x80: {  	[tilespmem:$0x1FEB0] =	vst v22;
	v14 =	vsel vm0, v59, v14;
	vm0 =	vgt.f32 v17, v9;
	v9 =	vmax.f32 v9, v17  }
0x81: {  	v22 =	vld.idx.msk [tilespmem:v61+s2+$0x0], $0xffff;
	v14 =	vsel vm0, v23, v14;
	vm0 =	vgt.f32 v18, v9;
	v9 =	vmax.f32 v9, v18  }
0x82: {  	[tilespmem:$0x1FEC0] =	vst v59;
	v14 =	vsel vm0, v60, v14;
	vm0 =	vgt.f32 v19, v9;
	v9 =	vmax.f32 v9, v19  }
0x83: {  	[tilespmem:$0x1FEE0] =	vst v60;
	v14 =	vsel vm0, v62, v14;
	vm0 =	vgt.f32 v20, v9;
	v9 =	vmax.f32 v9, v20  }
0x84: {  	[tilespmem:$0x1FED0] =	vst v23;
	v23 =	vld.idx.msk [tilespmem:v3+s2+$0x0], $0xffff;
	v14 =	vsel vm0, v63, v14;
	vm0 =	vgt.f32 v13, v9  }
0x85: {  	v10 =	vor.u32 $0x6, v15;
	[tilespmem:$0x1FF10] =	vst v21;
	v9 =	vmax.f32 v9, v13;
	v13 =	vsel vm0, v21, v14;
	v21 =	vld.idx.msk [tilespmem:v1+s2+$0x0], $0xffff  }
0x86: {  	[tilespmem:$0x1FEF0] =	vst v62;
	v16 =	vor.u32 $0x1, v15;
	v19 =	vld.idx.msk [tilespmem:v15+s2+$0x0], $0xffff;
	vm0 =	vgt.f32 v22, v9;
	v9 =	vmax.f32 v9, v22  }
0x87: {  	[tilespmem:$0x1FF00] =	vst v63;
	v12 =	vor.u32 $0x4, v15;
	v6 =	vor.u32 $0x5, v15;
	v17 =	vor.u32 $0x2, v15  }
0x88: {  	[tilespmem:$0x1FF20] =	vst v61;
	v2 =	vadd.s32 $0x10, v15;
	v18 =	vor.u32 $0x3, v15;
	v20 =	vmovc v15;
	v22 =	vsel vm0, v61, v13  }
0x89: {  	s19 =	simm.s32 $0x1E;
	vm0 =	vgt.f32 v23, v9;
	v23 =	vmax.f32 v9, v23;
	v14 =	vmovc v12;
	v9 =	vmovc v6;
	v13 =	vmov v10  }
.LBB2_5:
0x8a: {  	p0 =	sne.s32 s19, $0x1;
	s19 =	sadd.s32 $0xFFFFFFFF, s19;
	v3 =	vsel vm0, v3, v22;
	vm0 =	vgt.f32 v21, v23;
	v21 =	vmax.f32 v23, v21;
	v22 =	vmovc v2  }
0x8b: {  	v23 =	vor.u32 $0x5, v2;
	vm1 =	vgt.f32 v19, v21;
	v24 =	vld.idx.msk [tilespmem:v16+s2+$0x0], $0xffff;
	v25 =	vsel vm0, v1, v3  }
0x8c: {  	v27 =	vor.u32 $0x7, v20;
	v26 =	vld.idx.msk [tilespmem:v17+s2+$0x0], $0xffff  }
0x8d: {  	v29 =	vor.u32 $0x8, v20;
	v3 =	vor.u32 $0xE, v20;
	v1 =	vor.u32 $0xF, v20;
	v28 =	vld.idx.msk [tilespmem:v18+s2+$0x0], $0xffff  }
0x8e: {  	v31 =	vor.u32 $0x9, v20;
	v32 =	vor.u32 $0xC, v20;
	v33 =	vor.u32 $0xD, v20;
	v30 =	vld.idx.msk [tilespmem:v14+s2+$0x0], $0xffff  }
0x8f: {  	v2 =	vadd.s32 $0x10, v2;
	v35 =	vor.u32 $0xA, v20;
	v36 =	vor.u32 $0xB, v20;
	v34 =	vld.idx.msk [tilespmem:v9+s2+$0x0], $0xffff  }
0x90: {  	v37 =	vor.u32 $0x4, v22;
	v38 =	vor.u32 $0x6, v22;
	v19 =	vmax.f32 v21, v19;
	v21 =	vld.idx.msk [tilespmem:v13+s2+$0x0], $0xffff  }
0x91: {  	v20 =	vsel vm1, v20, v25;
	vm0 =	vgt.f32 v24, v19;
	v19 =	vmax.f32 v19, v24;
	v24 =	vld.idx.msk [tilespmem:v27+s2+$0x0], $0xffff  }
0x92: {  	v16 =	vsel vm0, v16, v20;
	vm0 =	vgt.f32 v26, v19;
	v19 =	vmax.f32 v19, v26;
	v20 =	vld.idx.msk [tilespmem:v29+s2+$0x0], $0xffff  }
0x93: {  	v16 =	vsel vm0, v17, v16;
	vm0 =	vgt.f32 v28, v19;
	v17 =	vmax.f32 v19, v28;
	v19 =	vld.idx.msk [tilespmem:v31+s2+$0x0], $0xffff  }
0x94: {  	v16 =	vsel vm0, v18, v16;
	vm0 =	vgt.f32 v30, v17;
	v17 =	vmax.f32 v17, v30;
	v18 =	vld.idx.msk [tilespmem:v35+s2+$0x0], $0xffff  }
0x95: {  	v14 =	vsel vm0, v14, v16;
	vm0 =	vgt.f32 v34, v17;
	v16 =	vmax.f32 v17, v34;
	v17 =	vld.idx.msk [tilespmem:v36+s2+$0x0], $0xffff  }
0x96: {  	v9 =	vsel vm0, v9, v14;
	vm0 =	vgt.f32 v21, v16;
	v14 =	vmax.f32 v16, v21;
	v25 =	vld.idx.msk [tilespmem:v32+s2+$0x0], $0xffff  }
0x97: {  	v9 =	vsel vm0, v13, v9;
	vm0 =	vgt.f32 v24, v14;
	v13 =	vmax.f32 v14, v24;
	v24 =	vld.idx.msk [tilespmem:v33+s2+$0x0], $0xffff  }
0x98: {  	v27 =	vsel vm0, v27, v9;
	vm0 =	vgt.f32 v20, v13;
	v13 =	vmax.f32 v13, v20;
	v26 =	vld.idx.msk [tilespmem:v3+s2+$0x0], $0xffff  }
0x99: {  	v16 =	vsel vm0, v29, v27;
	vm0 =	vgt.f32 v19, v13;
	v13 =	vmax.f32 v13, v19;
	v21 =	vld.idx.msk [tilespmem:v1+s2+$0x0], $0xffff  }
0x9a: {  	v28 =	vsel vm0, v31, v16;
	vm0 =	vgt.f32 v18, v13;
	v13 =	vmax.f32 v13, v18;
	v9 =	vmovc v23  }
.Ltmp3:
0x9b: {  	v23 =	vsel vm0, v35, v28;
	vm0 =	vgt.f32 v17, v13;
	v27 =	vmax.f32 v13, v17;
	v19 =	vld.idx.msk [tilespmem:v22+s2+$0x0], $0xffff;
	(pc) =	sbr.rel @p0 .LBB2_5-.Ltmp3, $4  }
0x9c: {  	v20 =	vmovc v22;
	v14 =	vmovc v37;
	v16 =	vor.u32 $0x1, v22;
	v18 =	vsel vm0, v36, v23;
	vm0 =	vgt.f32 v25, v27  }
0x9d: {  	v17 =	vor.u32 $0x2, v20;
	v22 =	vmax.f32 v27, v25;
	v23 =	vsel vm0, v32, v18;
	v13 =	vmovc v38  }
0x9e: {  	v18 =	vor.u32 $0x3, v20;
	vm0 =	vgt.f32 v24, v22;
	v24 =	vmax.f32 v22, v24  }
0x9f: {  	v22 =	vsel vm0, v33, v23;
	vm0 =	vgt.f32 v26, v24;
	v23 =	vmax.f32 v24, v26  }
0xa0: {  	_ =	sdelay $0x3  }
0xa1: {  	v2 =	vsel vm0, v3, v22;
	vm0 =	vgt.f32 v21, v23;
	v3 =	vmax.f32 v23, v21;
	v21 =	vld.idx.msk [tilespmem:v16+s2+$0x0], $0xffff  }
0xa2: {  	v22 =	vor.u32 $0x7, v20;
	v24 =	vor.u32 $0x8, v20;
	v1 =	vsel vm0, v1, v2;
	v2 =	vld.idx.msk [tilespmem:v17+s2+$0x0], $0xffff  }
0xa3: {  	v23 =	vld.idx.msk [tilespmem:v18+s2+$0x0], $0xffff;
	v25 =	vor.u32 $0xE, v20;
	v26 =	vor.u32 $0xF, v20;
	v28 =	vor.u32 $0x9, v20  }
0xa4: {  	v27 =	vld.idx.msk [tilespmem:v14+s2+$0x0], $0xffff;
	v29 =	vor.u32 $0xC, v20;
	v30 =	vor.u32 $0xD, v20;
	v32 =	vor.u32 $0xA, v20  }
0xa5: {  	v31 =	vld.idx.msk [tilespmem:v9+s2+$0x0], $0xffff;
	v33 =	vor.u32 $0xB, v20;
	vm1 =	vgt.f32 v19, v3;
	v3 =	vmax.f32 v3, v19  }
0xa6: {  	v19 =	vld.idx.msk [tilespmem:v13+s2+$0x0], $0xffff;
	v1 =	vsel vm1, v20, v1;
	vm0 =	vgt.f32 v21, v3;
	v3 =	vmax.f32 v3, v21  }
0xa7: {  	v20 =	vld.idx.msk [tilespmem:v22+s2+$0x0], $0xffff;
	v1 =	vsel vm0, v16, v1;
	vm0 =	vgt.f32 v2, v3;
	v2 =	vmax.f32 v3, v2  }
0xa8: {  	v3 =	vld.idx.msk [tilespmem:v24+s2+$0x0], $0xffff;
	v1 =	vsel vm0, v17, v1;
	vm0 =	vgt.f32 v23, v2;
	v2 =	vmax.f32 v2, v23  }
0xa9: {  	v16 =	vld.idx.msk [tilespmem:v28+s2+$0x0], $0xffff;
	v1 =	vsel vm0, v18, v1;
	vm0 =	vgt.f32 v27, v2;
	v2 =	vmax.f32 v2, v27  }
0xaa: {  	v17 =	vld.idx.msk [tilespmem:v32+s2+$0x0], $0xffff;
	v1 =	vsel vm0, v14, v1;
	vm0 =	vgt.f32 v31, v2;
	v2 =	vmax.f32 v2, v31  }
0xab: {  	v14 =	vld.idx.msk [tilespmem:v33+s2+$0x0], $0xffff;
	v1 =	vsel vm0, v9, v1;
	vm0 =	vgt.f32 v19, v2;
	v2 =	vmax.f32 v2, v19  }
0xac: {  	v9 =	vld.idx.msk [tilespmem:v29+s2+$0x0], $0xffff;
	v1 =	vsel vm0, v13, v1;
	vm0 =	vgt.f32 v20, v2;
	v2 =	vmax.f32 v2, v20  }
0xad: {  	v13 =	vld.idx.msk [tilespmem:v30+s2+$0x0], $0xffff;
	v1 =	vsel vm0, v22, v1;
	vm0 =	vgt.f32 v3, v2;
	v2 =	vmax.f32 v2, v3  }
0xae: {  	v3 =	vld.idx.msk [tilespmem:v25+s2+$0x0], $0xffff;
	v1 =	vsel vm0, v24, v1;
	vm0 =	vgt.f32 v16, v2;
	v2 =	vmax.f32 v2, v16  }
0xaf: {  	v16 =	vld.idx.msk [tilespmem:v26+s2+$0x0], $0xffff;
	v1 =	vsel vm0, v28, v1;
	vm0 =	vgt.f32 v17, v2;
	v2 =	vmax.f32 v2, v17  }
0xb0: {  	v1 =	vsel vm0, v32, v1;
	vm0 =	vgt.f32 v14, v2;
	v2 =	vmax.f32 v2, v14  }
0xb1: {  	v1 =	vsel vm0, v33, v1;
	vm0 =	vgt.f32 v9, v2;
	v2 =	vmax.f32 v2, v9  }
0xb2: {  	v1 =	vsel vm0, v29, v1;
	vm0 =	vgt.f32 v13, v2;
	v2 =	vmax.f32 v2, v13  }
0xb3: {  	v1 =	vsel vm0, v30, v1;
	vm0 =	vgt.f32 v3, v2;
	v2 =	vmax.f32 v2, v3  }
0xb4: {  	v1 =	vsel vm0, v25, v1;
	vm0 =	vgt.f32 v16, v2  }
0xb5: {  	v1 =	vsel vm0, v26, v1  }
0xb6: {  	v1 =	vand.u32 $0x1FF, v1  }
0xb7: {  	s19 =	sor.u32 $0x10, s18;
	v1 =	vmul.u32 $0x3, v1  }
0xb8: {  	v2 =	vmov s19  }
0xb9: {  	v2 =	vmul.u32 $0x3, v2;
	_ =	sdelay $0x1  }
0xba: {  	v2 =	vbroadcast v2, $0x0;
	_ =	sdelay $0x1  }
0xbb: {  	v3 =	vadd.s32 v54, v2;
	v9 =	vld.idx.msk [tilespmem:v1+s10+$0x0], $0xffff  }
0xbc: {  	v13 =	vadd.s32 $0x1, v1;
	_ =	sdelay $0x3  }
0xbd: {  	[tilespmem:v3+s14+$0x0] =	vst.idx.msk $0xffff, v9  }
0xbe: {  	v9 =	vadd.s32 v55, v2;
	v3 =	vld.idx.msk [tilespmem:v13+s10+$0x0], $0xffff  }
0xbf: {  	v1 =	vadd.s32 $0x2, v1;
	_ =	sdelay $0x3  }
0xc0: {  	[tilespmem:v9+s14+$0x0] =	vst.idx.msk $0xffff, v3  }
0xc1: {  	v2 =	vadd.s32 v56, v2;
	v1 =	vld.idx.msk [tilespmem:v1+s10+$0x0], $0xffff  }
0xc2: {  	v62 =	vor.u32 $0x4000, v0  }
0xc3: {  	v61 =	vor.u32 $0x1, v62  }
0xc4: {  	v36 =	vor.u32 $0x2, v62  }
0xc5: {  	v35 =	vor.u32 $0x3, v62  }
0xc6: {  	v34 =	vor.u32 $0x4, v62;
	[tilespmem:v2+s14+$0x0] =	vst.idx.msk $0xffff, v1  }
0xc7: {  	v58 =	vor.u32 $0x5, v62;
	v13 =	vld.idx.msk [tilespmem:v62+s2+$0x0], $0xffff  }
0xc8: {  	v59 =	vor.u32 $0x7, v62;
	v60 =	vor.u32 $0x9, v62;
	v26 =	vor.u32 $0x6, v62;
	v20 =	vld.idx.msk [tilespmem:v61+s2+$0x0], $0xffff  }
0xc9: {  	v63 =	vor.u32 $0xA, v62;
	[tilespmem:$0x1FDA0] =	vst v36;
	v18 =	vadd.s32 $0x10, v62;
	v27 =	vor.u32 $0x8, v62;
	v21 =	vld.idx.msk [tilespmem:v36+s2+$0x0], $0xffff  }
0xca: {  	[tilespmem:$0x1FDB0] =	vst v35;
	v19 =	vimm.s32 $0x0;
	v17 =	vimm.f32 $-Inf;
	v28 =	vor.u32 $0xD, v62;
	v22 =	vld.idx.msk [tilespmem:v35+s2+$0x0], $0xffff  }
0xcb: {  	[tilespmem:$0x1FDC0] =	vst v34;
	v29 =	vor.u32 $0xB, v62;
	v25 =	vor.u32 $0xC, v62;
	v3 =	vor.u32 $0xE, v62;
	v23 =	vld.idx.msk [tilespmem:v34+s2+$0x0], $0xffff  }
0xcc: {  	[tilespmem:$0x1FDD0] =	vst v58;
	v1 =	vor.u32 $0xF, v62;
	v24 =	vld.idx.msk [tilespmem:v58+s2+$0x0], $0xffff;
	vm0 =	vgt.f32 v13, v17;
	v13 =	vmax.f32 v17, v13  }
0xcd: {  	v17 =	vld.idx.msk [tilespmem:v26+s2+$0x0], $0xffff;
	v19 =	vsel vm0, v62, v19;
	vm0 =	vgt.f32 v20, v13;
	v13 =	vmax.f32 v13, v20  }
0xce: {  	v20 =	vld.idx.msk [tilespmem:v59+s2+$0x0], $0xffff;
	v19 =	vsel vm0, v61, v19;
	vm0 =	vgt.f32 v21, v13;
	v13 =	vmax.f32 v13, v21  }
0xcf: {  	v21 =	vld.idx.msk [tilespmem:v27+s2+$0x0], $0xffff;
	v19 =	vsel vm0, v36, v19;
	vm0 =	vgt.f32 v22, v13;
	v13 =	vmax.f32 v13, v22  }
0xd0: {  	v22 =	vld.idx.msk [tilespmem:v60+s2+$0x0], $0xffff;
	v19 =	vsel vm0, v35, v19;
	vm0 =	vgt.f32 v23, v13;
	v13 =	vmax.f32 v13, v23  }
0xd1: {  	v23 =	vld.idx.msk [tilespmem:v63+s2+$0x0], $0xffff;
	v19 =	vsel vm0, v34, v19;
	vm0 =	vgt.f32 v24, v13;
	v13 =	vmax.f32 v13, v24  }
0xd2: {  	v24 =	vld.idx.msk [tilespmem:v29+s2+$0x0], $0xffff;
	v19 =	vsel vm0, v58, v19;
	vm0 =	vgt.f32 v17, v13;
	v13 =	vmax.f32 v13, v17  }
0xd3: {  	v17 =	vld.idx.msk [tilespmem:v25+s2+$0x0], $0xffff;
	v19 =	vsel vm0, v26, v19;
	vm0 =	vgt.f32 v20, v13;
	v13 =	vmax.f32 v13, v20  }
0xd4: {  	[tilespmem:$0x1FDE0] =	vst v26;
	v19 =	vsel vm0, v59, v19;
	vm0 =	vgt.f32 v21, v13;
	v13 =	vmax.f32 v13, v21  }
0xd5: {  	v26 =	vld.idx.msk [tilespmem:v28+s2+$0x0], $0xffff;
	v19 =	vsel vm0, v27, v19;
	vm0 =	vgt.f32 v22, v13;
	v13 =	vmax.f32 v13, v22  }
0xd6: {  	[tilespmem:$0x1FDF0] =	vst v59;
	v19 =	vsel vm0, v60, v19;
	vm0 =	vgt.f32 v23, v13;
	v13 =	vmax.f32 v13, v23  }
0xd7: {  	[tilespmem:$0x1FE10] =	vst v60;
	v19 =	vsel vm0, v63, v19;
	vm0 =	vgt.f32 v24, v13;
	v13 =	vmax.f32 v13, v24  }
0xd8: {  	[tilespmem:$0x1FE00] =	vst v27;
	v27 =	vld.idx.msk [tilespmem:v3+s2+$0x0], $0xffff;
	v19 =	vsel vm0, v29, v19;
	vm0 =	vgt.f32 v17, v13  }
0xd9: {  	v14 =	vor.u32 $0x6, v18;
	[tilespmem:$0x1FE40] =	vst v25;
	v13 =	vmax.f32 v13, v17;
	v17 =	vsel vm0, v25, v19;
	v25 =	vld.idx.msk [tilespmem:v1+s2+$0x0], $0xffff  }
0xda: {  	[tilespmem:$0x1FE20] =	vst v63;
	v20 =	vor.u32 $0x1, v18;
	v23 =	vld.idx.msk [tilespmem:v18+s2+$0x0], $0xffff;
	vm0 =	vgt.f32 v26, v13;
	v13 =	vmax.f32 v13, v26  }
0xdb: {  	[tilespmem:$0x1FE50] =	vst v28;
	v16 =	vor.u32 $0x4, v18;
	v9 =	vor.u32 $0x5, v18;
	v21 =	vor.u32 $0x2, v18  }
0xdc: {  	[tilespmem:$0x1FE30] =	vst v29;
	v2 =	vadd.s32 $0x10, v18;
	v22 =	vor.u32 $0x3, v18;
	v24 =	vmovc v18;
	v26 =	vsel vm0, v28, v17  }
0xdd: {  	s19 =	simm.s32 $0x1E;
	vm0 =	vgt.f32 v27, v13;
	v27 =	vmax.f32 v13, v27;
	v19 =	vmovc v16;
	v13 =	vmovc v9;
	v17 =	vmov v14  }
.LBB2_7:
0xde: {  	p0 =	sne.s32 s19, $0x1;
	s19 =	sadd.s32 $0xFFFFFFFF, s19;
	v3 =	vsel vm0, v3, v26;
	vm0 =	vgt.f32 v25, v27;
	v25 =	vmax.f32 v27, v25;
	v26 =	vmovc v2  }
0xdf: {  	v27 =	vor.u32 $0x5, v2;
	vm1 =	vgt.f32 v23, v25;
	v28 =	vld.idx.msk [tilespmem:v20+s2+$0x0], $0xffff;
	v29 =	vsel vm0, v1, v3  }
0xe0: {  	v31 =	vor.u32 $0x7, v24;
	v30 =	vld.idx.msk [tilespmem:v21+s2+$0x0], $0xffff  }
0xe1: {  	v33 =	vor.u32 $0x8, v24;
	v3 =	vor.u32 $0xE, v24;
	v1 =	vor.u32 $0xF, v24;
	v32 =	vld.idx.msk [tilespmem:v22+s2+$0x0], $0xffff  }
0xe2: {  	v35 =	vor.u32 $0x9, v24;
	v36 =	vor.u32 $0xC, v24;
	v37 =	vor.u32 $0xD, v24;
	v34 =	vld.idx.msk [tilespmem:v19+s2+$0x0], $0xffff  }
0xe3: {  	v2 =	vadd.s32 $0x10, v2;
	v39 =	vor.u32 $0xA, v24;
	v40 =	vor.u32 $0xB, v24;
	v38 =	vld.idx.msk [tilespmem:v13+s2+$0x0], $0xffff  }
0xe4: {  	v41 =	vor.u32 $0x4, v26;
	v42 =	vor.u32 $0x6, v26;
	v23 =	vmax.f32 v25, v23;
	v25 =	vld.idx.msk [tilespmem:v17+s2+$0x0], $0xffff  }
0xe5: {  	v24 =	vsel vm1, v24, v29;
	vm0 =	vgt.f32 v28, v23;
	v23 =	vmax.f32 v23, v28;
	v28 =	vld.idx.msk [tilespmem:v31+s2+$0x0], $0xffff  }
0xe6: {  	v20 =	vsel vm0, v20, v24;
	vm0 =	vgt.f32 v30, v23;
	v23 =	vmax.f32 v23, v30;
	v24 =	vld.idx.msk [tilespmem:v33+s2+$0x0], $0xffff  }
0xe7: {  	v20 =	vsel vm0, v21, v20;
	vm0 =	vgt.f32 v32, v23;
	v21 =	vmax.f32 v23, v32;
	v23 =	vld.idx.msk [tilespmem:v35+s2+$0x0], $0xffff  }
0xe8: {  	v20 =	vsel vm0, v22, v20;
	vm0 =	vgt.f32 v34, v21;
	v21 =	vmax.f32 v21, v34;
	v22 =	vld.idx.msk [tilespmem:v39+s2+$0x0], $0xffff  }
0xe9: {  	v19 =	vsel vm0, v19, v20;
	vm0 =	vgt.f32 v38, v21;
	v20 =	vmax.f32 v21, v38;
	v21 =	vld.idx.msk [tilespmem:v40+s2+$0x0], $0xffff  }
0xea: {  	v13 =	vsel vm0, v13, v19;
	vm0 =	vgt.f32 v25, v20;
	v19 =	vmax.f32 v20, v25;
	v29 =	vld.idx.msk [tilespmem:v36+s2+$0x0], $0xffff  }
0xeb: {  	v13 =	vsel vm0, v17, v13;
	vm0 =	vgt.f32 v28, v19;
	v17 =	vmax.f32 v19, v28;
	v28 =	vld.idx.msk [tilespmem:v37+s2+$0x0], $0xffff  }
0xec: {  	v31 =	vsel vm0, v31, v13;
	vm0 =	vgt.f32 v24, v17;
	v17 =	vmax.f32 v17, v24;
	v30 =	vld.idx.msk [tilespmem:v3+s2+$0x0], $0xffff  }
0xed: {  	v20 =	vsel vm0, v33, v31;
	vm0 =	vgt.f32 v23, v17;
	v17 =	vmax.f32 v17, v23;
	v25 =	vld.idx.msk [tilespmem:v1+s2+$0x0], $0xffff  }
0xee: {  	v32 =	vsel vm0, v35, v20;
	vm0 =	vgt.f32 v22, v17;
	v17 =	vmax.f32 v17, v22;
	v13 =	vmovc v27  }
.Ltmp4:
0xef: {  	v27 =	vsel vm0, v39, v32;
	vm0 =	vgt.f32 v21, v17;
	v31 =	vmax.f32 v17, v21;
	v23 =	vld.idx.msk [tilespmem:v26+s2+$0x0], $0xffff;
	(pc) =	sbr.rel @p0 .LBB2_7-.Ltmp4, $4  }
0xf0: {  	v24 =	vmovc v26;
	v19 =	vmovc v41;
	v20 =	vor.u32 $0x1, v26;
	v22 =	vsel vm0, v40, v27;
	vm0 =	vgt.f32 v29, v31  }
0xf1: {  	v21 =	vor.u32 $0x2, v24;
	v26 =	vmax.f32 v31, v29;
	v27 =	vsel vm0, v36, v22;
	v17 =	vmovc v42  }
0xf2: {  	v22 =	vor.u32 $0x3, v24;
	vm0 =	vgt.f32 v28, v26;
	v28 =	vmax.f32 v26, v28  }
0xf3: {  	v26 =	vsel vm0, v37, v27;
	vm0 =	vgt.f32 v30, v28;
	v27 =	vmax.f32 v28, v30  }
0xf4: {  	_ =	sdelay $0x3  }
0xf5: {  	v2 =	vsel vm0, v3, v26;
	vm0 =	vgt.f32 v25, v27;
	v3 =	vmax.f32 v27, v25;
	v25 =	vld.idx.msk [tilespmem:v20+s2+$0x0], $0xffff  }
0xf6: {  	v26 =	vor.u32 $0x7, v24;
	v28 =	vor.u32 $0x8, v24;
	v1 =	vsel vm0, v1, v2;
	v2 =	vld.idx.msk [tilespmem:v21+s2+$0x0], $0xffff  }
0xf7: {  	v27 =	vld.idx.msk [tilespmem:v22+s2+$0x0], $0xffff;
	v29 =	vor.u32 $0xE, v24;
	v30 =	vor.u32 $0xF, v24;
	v32 =	vor.u32 $0x9, v24  }
0xf8: {  	v31 =	vld.idx.msk [tilespmem:v19+s2+$0x0], $0xffff;
	v33 =	vor.u32 $0xC, v24;
	v34 =	vor.u32 $0xD, v24;
	v36 =	vor.u32 $0xA, v24  }
0xf9: {  	v35 =	vld.idx.msk [tilespmem:v13+s2+$0x0], $0xffff;
	v37 =	vor.u32 $0xB, v24;
	vm1 =	vgt.f32 v23, v3;
	v3 =	vmax.f32 v3, v23  }
0xfa: {  	v23 =	vld.idx.msk [tilespmem:v17+s2+$0x0], $0xffff;
	v1 =	vsel vm1, v24, v1;
	vm0 =	vgt.f32 v25, v3;
	v3 =	vmax.f32 v3, v25  }
0xfb: {  	v24 =	vld.idx.msk [tilespmem:v26+s2+$0x0], $0xffff;
	v1 =	vsel vm0, v20, v1;
	vm0 =	vgt.f32 v2, v3;
	v2 =	vmax.f32 v3, v2  }
0xfc: {  	v3 =	vld.idx.msk [tilespmem:v28+s2+$0x0], $0xffff;
	v1 =	vsel vm0, v21, v1;
	vm0 =	vgt.f32 v27, v2;
	v2 =	vmax.f32 v2, v27  }
0xfd: {  	v20 =	vld.idx.msk [tilespmem:v32+s2+$0x0], $0xffff;
	v1 =	vsel vm0, v22, v1;
	vm0 =	vgt.f32 v31, v2;
	v2 =	vmax.f32 v2, v31  }
0xfe: {  	v21 =	vld.idx.msk [tilespmem:v36+s2+$0x0], $0xffff;
	v1 =	vsel vm0, v19, v1;
	vm0 =	vgt.f32 v35, v2;
	v2 =	vmax.f32 v2, v35  }
0xff: {  	v19 =	vld.idx.msk [tilespmem:v37+s2+$0x0], $0xffff;
	v1 =	vsel vm0, v13, v1;
	vm0 =	vgt.f32 v23, v2;
	v2 =	vmax.f32 v2, v23  }
0x100: {  	v13 =	vld.idx.msk [tilespmem:v33+s2+$0x0], $0xffff;
	v1 =	vsel vm0, v17, v1;
	vm0 =	vgt.f32 v24, v2;
	v2 =	vmax.f32 v2, v24  }
0x101: {  	v17 =	vld.idx.msk [tilespmem:v34+s2+$0x0], $0xffff;
	v1 =	vsel vm0, v26, v1;
	vm0 =	vgt.f32 v3, v2;
	v2 =	vmax.f32 v2, v3  }
0x102: {  	v3 =	vld.idx.msk [tilespmem:v29+s2+$0x0], $0xffff;
	v1 =	vsel vm0, v28, v1;
	vm0 =	vgt.f32 v20, v2;
	v2 =	vmax.f32 v2, v20  }
0x103: {  	v20 =	vld.idx.msk [tilespmem:v30+s2+$0x0], $0xffff;
	v1 =	vsel vm0, v32, v1;
	vm0 =	vgt.f32 v21, v2;
	v2 =	vmax.f32 v2, v21  }
0x104: {  	v1 =	vsel vm0, v36, v1;
	vm0 =	vgt.f32 v19, v2;
	v2 =	vmax.f32 v2, v19  }
0x105: {  	v1 =	vsel vm0, v37, v1;
	vm0 =	vgt.f32 v13, v2;
	v2 =	vmax.f32 v2, v13  }
0x106: {  	v1 =	vsel vm0, v33, v1;
	vm0 =	vgt.f32 v17, v2;
	v2 =	vmax.f32 v2, v17  }
0x107: {  	v1 =	vsel vm0, v34, v1;
	vm0 =	vgt.f32 v3, v2;
	v2 =	vmax.f32 v2, v3  }
0x108: {  	v1 =	vsel vm0, v29, v1;
	vm0 =	vgt.f32 v20, v2  }
0x109: {  	v1 =	vsel vm0, v30, v1  }
0x10a: {  	v1 =	vand.u32 $0x1FF, v1  }
0x10b: {  	s19 =	sor.u32 $0x20, s18;
	v1 =	vmul.u32 $0x3, v1  }
0x10c: {  	v2 =	vmov s19  }
0x10d: {  	v2 =	vmul.u32 $0x3, v2;
	_ =	sdelay $0x1  }
0x10e: {  	v2 =	vbroadcast v2, $0x0;
	_ =	sdelay $0x1  }
0x10f: {  	v3 =	vadd.s32 v54, v2;
	v13 =	vld.idx.msk [tilespmem:v1+s10+$0x0], $0xffff  }
0x110: {  	v17 =	vadd.s32 $0x1, v1;
	_ =	sdelay $0x3  }
0x111: {  	[tilespmem:v3+s14+$0x0] =	vst.idx.msk $0xffff, v13  }
0x112: {  	v13 =	vadd.s32 v55, v2;
	v3 =	vld.idx.msk [tilespmem:v17+s10+$0x0], $0xffff  }
0x113: {  	v1 =	vadd.s32 $0x2, v1;
	_ =	sdelay $0x3  }
0x114: {  	[tilespmem:v13+s14+$0x0] =	vst.idx.msk $0xffff, v3  }
0x115: {  	v2 =	vadd.s32 v56, v2;
	v1 =	vld.idx.msk [tilespmem:v1+s10+$0x0], $0xffff  }
0x116: {  	v28 =	vor.u32 $0x6000, v0  }
0x117: {  	v27 =	vor.u32 $0x1, v28  }
0x118: {  	v26 =	vor.u32 $0x2, v28  }
0x119: {  	v25 =	vor.u32 $0x3, v28  }
0x11a: {  	v24 =	vor.u32 $0x4, v28;
	[tilespmem:v2+s14+$0x0] =	vst.idx.msk $0xffff, v1  }
0x11b: {  	v23 =	vor.u32 $0x5, v28;
	v13 =	vld.idx.msk [tilespmem:v28+s2+$0x0], $0xffff  }
0x11c: {  	v39 =	vadd.s32 $0x10, v28;
	v21 =	vor.u32 $0x7, v28;
	v3 =	vor.u32 $0x6, v28;
	v20 =	vld.idx.msk [tilespmem:v27+s2+$0x0], $0xffff  }
0x11d: {  	v31 =	vor.u32 $0xE, v28;
	v40 =	vor.u32 $0xC, v28;
	v41 =	vor.u32 $0xD, v28;
	v51 =	vld.idx.msk [tilespmem:v26+s2+$0x0], $0xffff  }
0x11e: {  	v22 =	vor.u32 $0xA, v28;
	v63 =	vor.u32 $0xB, v28;
	v1 =	vor.u32 $0x8, v28;
	v52 =	vld.idx.msk [tilespmem:v25+s2+$0x0], $0xffff  }
0x11f: {  	v58 =	vmovc v54;
	v59 =	vmovc v55;
	v19 =	vimm.s32 $0x0;
	v17 =	vimm.f32 $-Inf;
	v2 =	vor.u32 $0x9, v28;
	v53 =	vld.idx.msk [tilespmem:v24+s2+$0x0], $0xffff  }
0x120: {  	v60 =	vmovc v56;
	v29 =	vor.u32 $0xF, v28;
	v38 =	vld.idx.msk [tilespmem:v23+s2+$0x0], $0xffff;
	vm0 =	vgt.f32 v13, v17;
	v13 =	vmax.f32 v17, v13  }
0x121: {  	v17 =	vld.idx.msk [tilespmem:v3+s2+$0x0], $0xffff;
	v19 =	vsel vm0, v28, v19;
	vm0 =	vgt.f32 v20, v13;
	v13 =	vmax.f32 v13, v20  }
0x122: {  	v20 =	vld.idx.msk [tilespmem:v21+s2+$0x0], $0xffff;
	v19 =	vsel vm0, v27, v19;
	vm0 =	vgt.f32 v51, v13;
	v13 =	vmax.f32 v13, v51  }
0x123: {  	v54 =	vld.idx.msk [tilespmem:v1+s2+$0x0], $0xffff;
	v19 =	vsel vm0, v26, v19;
	vm0 =	vgt.f32 v52, v13;
	v13 =	vmax.f32 v13, v52  }
0x124: {  	v55 =	vld.idx.msk [tilespmem:v2+s2+$0x0], $0xffff;
	v19 =	vsel vm0, v25, v19;
	vm0 =	vgt.f32 v53, v13;
	v13 =	vmax.f32 v13, v53  }
0x125: {  	v56 =	vld.idx.msk [tilespmem:v22+s2+$0x0], $0xffff;
	v19 =	vsel vm0, v24, v19;
	vm0 =	vgt.f32 v38, v13;
	v13 =	vmax.f32 v13, v38  }
0x126: {  	v57 =	vld.idx.msk [tilespmem:v63+s2+$0x0], $0xffff;
	v19 =	vsel vm0, v23, v19;
	vm0 =	vgt.f32 v17, v13;
	v13 =	vmax.f32 v13, v17  }
0x127: {  	v17 =	vld.idx.msk [tilespmem:v40+s2+$0x0], $0xffff;
	v19 =	vsel vm0, v3, v19;
	vm0 =	vgt.f32 v20, v13;
	v13 =	vmax.f32 v13, v20  }
0x128: {  	v19 =	vsel vm0, v21, v19;
	vm0 =	vgt.f32 v54, v13;
	v13 =	vmax.f32 v13, v54  }
0x129: {  	v20 =	vld.idx.msk [tilespmem:v41+s2+$0x0], $0xffff;
	v19 =	vsel vm0, v1, v19;
	vm0 =	vgt.f32 v55, v13;
	v13 =	vmax.f32 v13, v55  }
0x12a: {  	v19 =	vsel vm0, v2, v19;
	vm0 =	vgt.f32 v56, v13;
	v13 =	vmax.f32 v13, v56  }
0x12b: {  	v19 =	vsel vm0, v22, v19;
	vm0 =	vgt.f32 v57, v13;
	v13 =	vmax.f32 v13, v57  }
0x12c: {  	v42 =	vld.idx.msk [tilespmem:v31+s2+$0x0], $0xffff;
	v19 =	vsel vm0, v63, v19;
	vm0 =	vgt.f32 v17, v13  }
0x12d: {  	v32 =	vor.u32 $0x5, v39;
	[tilespmem:$0x1FD80] =	vst v40;
	v13 =	vmax.f32 v13, v17;
	v17 =	vsel vm0, v40, v19;
	v40 =	vld.idx.msk [tilespmem:v29+s2+$0x0], $0xffff  }
0x12e: {  	v35 =	vor.u32 $0x1, v39;
	v38 =	vld.idx.msk [tilespmem:v39+s2+$0x0], $0xffff;
	vm0 =	vgt.f32 v20, v13;
	v13 =	vmax.f32 v13, v20  }
0x12f: {  	v36 =	vor.u32 $0x2, v39;
	v37 =	vor.u32 $0x3, v39;
	v33 =	vor.u32 $0x6, v39  }
0x130: {  	[tilespmem:$0x1FD90] =	vst v41;
	v34 =	vor.u32 $0x4, v39;
	v30 =	vadd.s32 $0x10, v39;
	v20 =	vmovc v39;
	v41 =	vsel vm0, v41, v17  }
0x131: {  	s19 =	simm.s32 $0x1E;
	vm0 =	vgt.f32 v42, v13;
	v42 =	vmax.f32 v13, v42;
	v19 =	vmovc v34;
	v13 =	vmovc v32;
	v17 =	vmov v33  }
.LBB2_9:
0x132: {  	p0 =	sne.s32 s19, $0x1;
	s19 =	sadd.s32 $0xFFFFFFFF, s19;
	v31 =	vsel vm0, v31, v41;
	vm0 =	vgt.f32 v40, v42;
	v40 =	vmax.f32 v42, v40;
	v41 =	vmovc v30  }
0x133: {  	v42 =	vor.u32 $0x5, v30;
	vm1 =	vgt.f32 v38, v40;
	v43 =	vld.idx.msk [tilespmem:v35+s2+$0x0], $0xffff;
	v44 =	vsel vm0, v29, v31  }
0x134: {  	v46 =	vor.u32 $0x7, v20;
	v45 =	vld.idx.msk [tilespmem:v36+s2+$0x0], $0xffff  }
0x135: {  	v48 =	vor.u32 $0x8, v20;
	v31 =	vor.u32 $0xE, v20;
	v29 =	vor.u32 $0xF, v20;
	v47 =	vld.idx.msk [tilespmem:v37+s2+$0x0], $0xffff  }
0x136: {  	v50 =	vor.u32 $0x9, v20;
	v51 =	vor.u32 $0xC, v20;
	v52 =	vor.u32 $0xD, v20;
	v49 =	vld.idx.msk [tilespmem:v19+s2+$0x0], $0xffff  }
0x137: {  	v30 =	vadd.s32 $0x10, v30;
	v54 =	vor.u32 $0xA, v20;
	v55 =	vor.u32 $0xB, v20;
	v53 =	vld.idx.msk [tilespmem:v13+s2+$0x0], $0xffff  }
0x138: {  	v56 =	vor.u32 $0x4, v41;
	v57 =	vor.u32 $0x6, v41;
	v38 =	vmax.f32 v40, v38;
	v40 =	vld.idx.msk [tilespmem:v17+s2+$0x0], $0xffff  }
0x139: {  	v20 =	vsel vm1, v20, v44;
	vm0 =	vgt.f32 v43, v38;
	v38 =	vmax.f32 v38, v43;
	v43 =	vld.idx.msk [tilespmem:v46+s2+$0x0], $0xffff  }
0x13a: {  	v20 =	vsel vm0, v35, v20;
	vm0 =	vgt.f32 v45, v38;
	v35 =	vmax.f32 v38, v45;
	v38 =	vld.idx.msk [tilespmem:v48+s2+$0x0], $0xffff  }
0x13b: {  	v20 =	vsel vm0, v36, v20;
	vm0 =	vgt.f32 v47, v35;
	v35 =	vmax.f32 v35, v47;
	v36 =	vld.idx.msk [tilespmem:v50+s2+$0x0], $0xffff  }
0x13c: {  	v20 =	vsel vm0, v37, v20;
	vm0 =	vgt.f32 v49, v35;
	v35 =	vmax.f32 v35, v49;
	v37 =	vld.idx.msk [tilespmem:v54+s2+$0x0], $0xffff  }
0x13d: {  	v19 =	vsel vm0, v19, v20;
	vm0 =	vgt.f32 v53, v35;
	v20 =	vmax.f32 v35, v53;
	v35 =	vld.idx.msk [tilespmem:v55+s2+$0x0], $0xffff  }
0x13e: {  	v13 =	vsel vm0, v13, v19;
	vm0 =	vgt.f32 v40, v20;
	v19 =	vmax.f32 v20, v40;
	v44 =	vld.idx.msk [tilespmem:v51+s2+$0x0], $0xffff  }
0x13f: {  	v13 =	vsel vm0, v17, v13;
	vm0 =	vgt.f32 v43, v19;
	v17 =	vmax.f32 v19, v43;
	v43 =	vld.idx.msk [tilespmem:v52+s2+$0x0], $0xffff  }
0x140: {  	v46 =	vsel vm0, v46, v13;
	vm0 =	vgt.f32 v38, v17;
	v17 =	vmax.f32 v17, v38;
	v45 =	vld.idx.msk [tilespmem:v31+s2+$0x0], $0xffff  }
0x141: {  	v20 =	vsel vm0, v48, v46;
	vm0 =	vgt.f32 v36, v17;
	v17 =	vmax.f32 v17, v36;
	v40 =	vld.idx.msk [tilespmem:v29+s2+$0x0], $0xffff  }
0x142: {  	v47 =	vsel vm0, v50, v20;
	vm0 =	vgt.f32 v37, v17;
	v17 =	vmax.f32 v17, v37;
	v13 =	vmovc v42  }
.Ltmp5:
0x143: {  	v36 =	vsel vm0, v54, v47;
	vm0 =	vgt.f32 v35, v17;
	v46 =	vmax.f32 v17, v35;
	v38 =	vld.idx.msk [tilespmem:v41+s2+$0x0], $0xffff;
	(pc) =	sbr.rel @p0 .LBB2_9-.Ltmp5, $4  }
0x144: {  	v19 =	vmovc v56;
	v35 =	vor.u32 $0x1, v41;
	v37 =	vsel vm0, v55, v36;
	vm0 =	vgt.f32 v44, v46;
	v20 =	vmovc v41  }
0x145: {  	v41 =	vmax.f32 v46, v44;
	v36 =	vor.u32 $0x2, v20;
	v42 =	vsel vm0, v51, v37;
	v17 =	vmovc v57  }
0x146: {  	v37 =	vor.u32 $0x3, v20;
	vm0 =	vgt.f32 v43, v41;
	v43 =	vmax.f32 v41, v43  }
0x147: {  	v41 =	vsel vm0, v52, v42;
	vm0 =	vgt.f32 v45, v43;
	v42 =	vmax.f32 v43, v45  }
0x148: {  	_ =	sdelay $0x3  }
0x149: {  	v30 =	vsel vm0, v31, v41;
	vm0 =	vgt.f32 v40, v42;
	v31 =	vmax.f32 v42, v40;
	v56 =	vld.idx.msk [tilespmem:v35+s2+$0x0], $0xffff  }
0x14a: {  	v41 =	vor.u32 $0x7, v20;
	v43 =	vor.u32 $0x8, v20;
	v29 =	vsel vm0, v29, v30;
	v30 =	vld.idx.msk [tilespmem:v36+s2+$0x0], $0xffff  }
0x14b: {  	v57 =	vld.idx.msk [tilespmem:v37+s2+$0x0], $0xffff;
	v44 =	vor.u32 $0xE, v20;
	v45 =	vor.u32 $0xF, v20;
	v47 =	vor.u32 $0x9, v20  }
0x14c: {  	v46 =	vld.idx.msk [tilespmem:v19+s2+$0x0], $0xffff;
	v48 =	vor.u32 $0xC, v20;
	v49 =	vor.u32 $0xD, v20;
	v51 =	vor.u32 $0xA, v20  }
0x14d: {  	v50 =	vld.idx.msk [tilespmem:v13+s2+$0x0], $0xffff;
	v52 =	vor.u32 $0xB, v20;
	vm1 =	vgt.f32 v38, v31;
	v31 =	vmax.f32 v31, v38  }
0x14e: {  	v55 =	vld.idx.msk [tilespmem:v17+s2+$0x0], $0xffff;
	v20 =	vsel vm1, v20, v29;
	vm0 =	vgt.f32 v56, v31;
	v29 =	vmax.f32 v31, v56  }
0x14f: {  	v31 =	vld.idx.msk [tilespmem:v41+s2+$0x0], $0xffff;
	v20 =	vsel vm0, v35, v20;
	vm0 =	vgt.f32 v30, v29;
	v29 =	vmax.f32 v29, v30  }
0x150: {  	v30 =	vld.idx.msk [tilespmem:v43+s2+$0x0], $0xffff;
	v20 =	vsel vm0, v36, v20;
	vm0 =	vgt.f32 v57, v29;
	v29 =	vmax.f32 v29, v57  }
0x151: {  	v56 =	vld.idx.msk [tilespmem:v47+s2+$0x0], $0xffff;
	v20 =	vsel vm0, v37, v20;
	vm0 =	vgt.f32 v46, v29;
	v29 =	vmax.f32 v29, v46  }
0x152: {  	v57 =	vld.idx.msk [tilespmem:v51+s2+$0x0], $0xffff;
	v19 =	vsel vm0, v19, v20;
	vm0 =	vgt.f32 v50, v29;
	v20 =	vmax.f32 v29, v50  }
0x153: {  	v29 =	vld.idx.msk [tilespmem:v52+s2+$0x0], $0xffff;
	v13 =	vsel vm0, v13, v19;
	vm0 =	vgt.f32 v55, v20;
	v19 =	vmax.f32 v20, v55  }
0x154: {  	v20 =	vld.idx.msk [tilespmem:v48+s2+$0x0], $0xffff;
	v13 =	vsel vm0, v17, v13;
	vm0 =	vgt.f32 v31, v19;
	v17 =	vmax.f32 v19, v31  }
0x155: {  	v19 =	vld.idx.msk [tilespmem:v49+s2+$0x0], $0xffff;
	v13 =	vsel vm0, v41, v13;
	vm0 =	vgt.f32 v30, v17;
	v17 =	vmax.f32 v17, v30  }
0x156: {  	v30 =	vld.idx.msk [tilespmem:v44+s2+$0x0], $0xffff;
	v13 =	vsel vm0, v43, v13;
	vm0 =	vgt.f32 v56, v17;
	v17 =	vmax.f32 v17, v56  }
0x157: {  	v31 =	vld.idx.msk [tilespmem:v45+s2+$0x0], $0xffff;
	v13 =	vsel vm0, v47, v13;
	vm0 =	vgt.f32 v57, v17;
	v17 =	vmax.f32 v17, v57  }
0x158: {  	v13 =	vsel vm0, v51, v13;
	vm0 =	vgt.f32 v29, v17;
	v17 =	vmax.f32 v17, v29  }
0x159: {  	v13 =	vsel vm0, v52, v13;
	vm0 =	vgt.f32 v20, v17;
	v17 =	vmax.f32 v17, v20  }
0x15a: {  	v13 =	vsel vm0, v48, v13;
	vm0 =	vgt.f32 v19, v17;
	v17 =	vmax.f32 v17, v19  }
0x15b: {  	v13 =	vsel vm0, v49, v13;
	vm0 =	vgt.f32 v30, v17;
	v17 =	vmax.f32 v17, v30  }
0x15c: {  	v13 =	vsel vm0, v44, v13;
	vm0 =	vgt.f32 v31, v17  }
0x15d: {  	v13 =	vsel vm0, v45, v13  }
0x15e: {  	v13 =	vand.u32 $0x1FF, v13  }
0x15f: {  	s19 =	sor.u32 $0x30, s18;
	v13 =	vmul.u32 $0x3, v13  }
0x160: {  	v17 =	vmov s19  }
0x161: {  	v17 =	vmul.u32 $0x3, v17;
	_ =	sdelay $0x1  }
0x162: {  	v17 =	vbroadcast v17, $0x0;
	_ =	sdelay $0x1  }
0x163: {  	v19 =	vadd.s32 v58, v17;
	v20 =	vld.idx.msk [tilespmem:v13+s10+$0x0], $0xffff  }
0x164: {  	v29 =	vadd.s32 $0x1, v13;
	_ =	sdelay $0x3  }
0x165: {  	[tilespmem:v19+s14+$0x0] =	vst.idx.msk $0xffff, v20  }
0x166: {  	v20 =	vadd.s32 v59, v17;
	v19 =	vld.idx.msk [tilespmem:v29+s10+$0x0], $0xffff  }
0x167: {  	v13 =	vadd.s32 $0x2, v13;
	_ =	sdelay $0x3  }
0x168: {  	[tilespmem:v20+s14+$0x0] =	vst.idx.msk $0xffff, v19  }
0x169: {  	v17 =	vadd.s32 v60, v17;
	v13 =	vld.idx.msk [tilespmem:v13+s10+$0x0], $0xffff;
	_ =	sdelay $0x3  }
0x16a: {  	p0 =	seq.s32 s17, $0x3F;
	s19 =	sshll.u32 s17, $0xD  }
0x16b: {  	s21 =	simm.s32 @!p0 $0x0;
	s20 =	sadd.s32 @!p0 s19, s6;
	[tilespmem:v17+s14+$0x0] =	vst.idx.msk $0xffff, v13  }
0x16c: {  	[tilespmem:s21], [sflag:$0x1] =	stream.linear.gather @!p0 [hbm4b:s20+s21], $0x8000, $0x38;
	[tilespmem:$0x16600] =	vst v63  }
0x16d: {  	_ =	swait.ge [sflag:s15], $0x8000  }
0x16e: {  	v54 =	vmov v58;
	v58 =	vld [tilespmem:$0x1FF30]  }
0x16f: {  	v55 =	vmov v59;
	v59 =	vld [tilespmem:$0x1FF40]  }
0x170: {  	v46 =	vld [tilespmem:$0x1FF50]  }
0x171: {  	v49 =	vld [tilespmem:$0x1FF60]  }
0x172: {  	v42 =	vld [tilespmem:$0x1FF70]  }
0x173: {  	[sflag:s15] =	ssyncset.done $0x0;
	v52 =	vld [tilespmem:$0x1FF80]  }
0x174: {  	v53 =	vld [tilespmem:$0x1FF90];
	[sflag:s15] =	ssyncadd.s32 $0xFFFF8000  }
0x175: {  	v13 =	vld.idx.msk [tilespmem:v0+s12+$0x0], $0xffff  }
0x176: {  	v17 =	vld.idx.msk [tilespmem:v58+s12+$0x0], $0xffff  }
0x177: {  	v19 =	vld.idx.msk [tilespmem:v59+s12+$0x0], $0xffff  }
0x178: {  	v56 =	vmov v60;
	v60 =	vld.idx.msk [tilespmem:v46+s12+$0x0], $0xffff  }
0x179: {  	v20 =	vimm.f32 $-Inf;
	v50 =	vld.idx.msk [tilespmem:v49+s12+$0x0], $0xffff  }
0x17a: {  	v48 =	vimm.s32 $0x0;
	v57 =	vld [tilespmem:$0x1FFA0];
	vm0 =	vgt.f32 v13, v20;
	v13 =	vmax.f32 v20, v13  }
0x17b: {  	v51 =	vld.idx.msk [tilespmem:v42+s12+$0x0], $0xffff;
	v36 =	vsel vm0, v0, v48;
	vm0 =	vgt.f32 v17, v13;
	v13 =	vmax.f32 v13, v17  }
0x17c: {  	v20 =	vld.idx.msk [tilespmem:v52+s12+$0x0], $0xffff;
	v36 =	vsel vm0, v58, v36;
	vm0 =	vgt.f32 v19, v13;
	v13 =	vmax.f32 v13, v19  }
0x17d: {  	v58 =	vld [tilespmem:$0x1FFB0];
	v36 =	vsel vm0, v59, v36;
	vm0 =	vgt.f32 v60, v13;
	v13 =	vmax.f32 v13, v60  }
0x17e: {  	v60 =	vld [tilespmem:$0x1FFC0];
	v36 =	vsel vm0, v46, v36;
	vm0 =	vgt.f32 v50, v13  }
0x17f: {  	v13 =	vmax.f32 v13, v50;
	v36 =	vsel vm0, v49, v36;
	v49 =	vld [tilespmem:$0x1FFD0]  }
0x180: {  	vm0 =	vgt.f32 v51, v13;
	v13 =	vmax.f32 v13, v51;
	v51 =	vld [tilespmem:$0x1FFE0];
	_ =	sdelay $0x1  }
0x181: {  	v17 =	vld.idx.msk [tilespmem:v53+s12+$0x0], $0xffff;
	v36 =	vsel vm0, v42, v36;
	vm0 =	vgt.f32 v20, v13  }
0x182: {  	v36 =	vsel vm0, v52, v36;
	v52 =	vld [tilespmem:$0x1FFF0]  }
0x183: {  	v19 =	vld.idx.msk [tilespmem:v57+s12+$0x0], $0xffff  }
0x184: {  	v59 =	vld.idx.msk [tilespmem:v58+s12+$0x0], $0xffff  }
0x185: {  	v48 =	vld.idx.msk [tilespmem:v60+s12+$0x0], $0xffff  }
0x186: {  	v31 =	vor.u32 $0xE, v0;
	v13 =	vmax.f32 v13, v20;
	v50 =	vld.idx.msk [tilespmem:v49+s12+$0x0], $0xffff  }
0x187: {  	v30 =	vor.u32 $0xF, v0;
	vm0 =	vgt.f32 v17, v13;
	v13 =	vmax.f32 v13, v17;
	v20 =	vld.idx.msk [tilespmem:v51+s12+$0x0], $0xffff  }
0x188: {  	v17 =	vsel vm0, v53, v36;
	vm0 =	vgt.f32 v19, v13;
	v13 =	vmax.f32 v13, v19  }
0x189: {  	v17 =	vsel vm0, v57, v17;
	vm0 =	vgt.f32 v59, v13;
	v13 =	vmax.f32 v13, v59  }
0x18a: {  	v53 =	vld.idx.msk [tilespmem:v52+s12+$0x0], $0xffff;
	v17 =	vsel vm0, v58, v17;
	vm0 =	vgt.f32 v48, v13;
	v13 =	vmax.f32 v13, v48  }
0x18b: {  	v57 =	vld.idx.msk [tilespmem:v31+s12+$0x0], $0xffff;
	v17 =	vsel vm0, v60, v17;
	vm0 =	vgt.f32 v50, v13;
	v19 =	vmax.f32 v13, v50  }
0x18c: {  	v58 =	vsel vm0, v49, v17;
	vm0 =	vgt.f32 v20, v19;
	v59 =	vmax.f32 v19, v20;
	v20 =	vld.idx.msk [tilespmem:v30+s12+$0x0], $0xffff  }
0x18d: {  	v35 =	vld.idx.msk [tilespmem:v11+s12+$0x0], $0xffff;
	v13 =	vor.u32 $0x1, v11  }
0x18e: {  	v29 =	vadd.s32 $0x10, v11;
	v17 =	vor.u32 $0x2, v11;
	v19 =	vor.u32 $0x3, v11  }
0x18f: {  	v60 =	vsel vm0, v51, v58;
	vm0 =	vgt.f32 v53, v59;
	v37 =	vmax.f32 v59, v53  }
0x190: {  	s20 =	simm.s32 $0x1E;
	v36 =	vsel vm0, v52, v60;
	vm0 =	vgt.f32 v57, v37;
	v37 =	vmax.f32 v37, v57  }
.LBB2_11:
0x191: {  	p1 =	sne.s32 s20, $0x1;
	s20 =	sadd.s32 $0xFFFFFFFF, s20;
	v31 =	vsel vm0, v31, v36;
	vm0 =	vgt.f32 v20, v37;
	v20 =	vmax.f32 v37, v20;
	v36 =	vmovc v29  }
0x192: {  	v37 =	vor.u32 $0x5, v29;
	vm1 =	vgt.f32 v35, v20;
	v38 =	vld.idx.msk [tilespmem:v13+s12+$0x0], $0xffff;
	v40 =	vsel vm0, v30, v31  }
0x193: {  	v42 =	vor.u32 $0x7, v11;
	v41 =	vld.idx.msk [tilespmem:v17+s12+$0x0], $0xffff  }
0x194: {  	v44 =	vor.u32 $0x8, v11;
	v31 =	vor.u32 $0xE, v11;
	v30 =	vor.u32 $0xF, v11;
	v43 =	vld.idx.msk [tilespmem:v19+s12+$0x0], $0xffff  }
0x195: {  	v46 =	vor.u32 $0x9, v11;
	v47 =	vor.u32 $0xC, v11;
	v48 =	vor.u32 $0xD, v11;
	v45 =	vld.idx.msk [tilespmem:v8+s12+$0x0], $0xffff  }
0x196: {  	v29 =	vadd.s32 $0x10, v29;
	v50 =	vor.u32 $0xA, v11;
	v51 =	vor.u32 $0xB, v11;
	v49 =	vld.idx.msk [tilespmem:v5+s12+$0x0], $0xffff  }
0x197: {  	v52 =	vor.u32 $0x4, v36;
	v53 =	vor.u32 $0x6, v36;
	v20 =	vmax.f32 v20, v35;
	v35 =	vld.idx.msk [tilespmem:v7+s12+$0x0], $0xffff  }
0x198: {  	v11 =	vsel vm1, v11, v40;
	vm0 =	vgt.f32 v38, v20;
	v20 =	vmax.f32 v20, v38;
	v38 =	vld.idx.msk [tilespmem:v42+s12+$0x0], $0xffff  }
0x199: {  	v11 =	vsel vm0, v13, v11;
	vm0 =	vgt.f32 v41, v20;
	v13 =	vmax.f32 v20, v41;
	v20 =	vld.idx.msk [tilespmem:v44+s12+$0x0], $0xffff  }
0x19a: {  	v11 =	vsel vm0, v17, v11;
	vm0 =	vgt.f32 v43, v13;
	v13 =	vmax.f32 v13, v43;
	v17 =	vld.idx.msk [tilespmem:v46+s12+$0x0], $0xffff  }
0x19b: {  	v11 =	vsel vm0, v19, v11;
	vm0 =	vgt.f32 v45, v13;
	v13 =	vmax.f32 v13, v45;
	v19 =	vld.idx.msk [tilespmem:v50+s12+$0x0], $0xffff  }
0x19c: {  	v8 =	vsel vm0, v8, v11;
	vm0 =	vgt.f32 v49, v13;
	v11 =	vmax.f32 v13, v49;
	v13 =	vld.idx.msk [tilespmem:v51+s12+$0x0], $0xffff  }
0x19d: {  	v5 =	vsel vm0, v5, v8;
	vm0 =	vgt.f32 v35, v11;
	v8 =	vmax.f32 v11, v35;
	v40 =	vld.idx.msk [tilespmem:v47+s12+$0x0], $0xffff  }
0x19e: {  	v5 =	vsel vm0, v7, v5;
	vm0 =	vgt.f32 v38, v8;
	v7 =	vmax.f32 v8, v38;
	v38 =	vld.idx.msk [tilespmem:v48+s12+$0x0], $0xffff  }
0x19f: {  	v35 =	vsel vm0, v42, v5;
	vm0 =	vgt.f32 v20, v7;
	v7 =	vmax.f32 v7, v20;
	v41 =	vld.idx.msk [tilespmem:v31+s12+$0x0], $0xffff  }
0x1a0: {  	v11 =	vsel vm0, v44, v35;
	vm0 =	vgt.f32 v17, v7;
	v7 =	vmax.f32 v7, v17;
	v20 =	vld.idx.msk [tilespmem:v30+s12+$0x0], $0xffff  }
0x1a1: {  	v43 =	vsel vm0, v46, v11;
	vm0 =	vgt.f32 v19, v7;
	v7 =	vmax.f32 v7, v19;
	v5 =	vmovc v37  }
.Ltmp6:
0x1a2: {  	v17 =	vsel vm0, v50, v43;
	vm0 =	vgt.f32 v13, v7;
	v42 =	vmax.f32 v7, v13;
	v35 =	vld.idx.msk [tilespmem:v36+s12+$0x0], $0xffff;
	(pc) =	sbr.rel @p1 .LBB2_11-.Ltmp6, $4  }
0x1a3: {  	v8 =	vmovc v52;
	v13 =	vor.u32 $0x1, v36;
	v19 =	vsel vm0, v51, v17;
	vm0 =	vgt.f32 v40, v42;
	v11 =	vmovc v36  }
0x1a4: {  	v36 =	vmax.f32 v42, v40;
	v17 =	vor.u32 $0x2, v11;
	v37 =	vsel vm0, v47, v19;
	v7 =	vmovc v53  }
0x1a5: {  	v19 =	vor.u32 $0x3, v11;
	vm0 =	vgt.f32 v38, v36;
	v38 =	vmax.f32 v36, v38  }
0x1a6: {  	v36 =	vsel vm0, v48, v37;
	vm0 =	vgt.f32 v41, v38;
	v37 =	vmax.f32 v38, v41  }
0x1a7: {  	_ =	sdelay $0x3  }
0x1a8: {  	v29 =	vsel vm0, v31, v36;
	vm0 =	vgt.f32 v20, v37;
	v20 =	vmax.f32 v37, v20;
	v31 =	vld.idx.msk [tilespmem:v13+s12+$0x0], $0xffff  }
0x1a9: {  	v57 =	vor.u32 $0x7, v11;
	v38 =	vor.u32 $0x8, v11;
	v29 =	vsel vm0, v30, v29;
	v30 =	vld.idx.msk [tilespmem:v17+s12+$0x0], $0xffff  }
0x1aa: {  	v58 =	vld.idx.msk [tilespmem:v19+s12+$0x0], $0xffff;
	v40 =	vor.u32 $0xE, v11;
	v41 =	vor.u32 $0xF, v11;
	v43 =	vor.u32 $0x9, v11  }
0x1ab: {  	v42 =	vld.idx.msk [tilespmem:v8+s12+$0x0], $0xffff;
	v44 =	vor.u32 $0xC, v11;
	v45 =	vor.u32 $0xD, v11;
	v47 =	vor.u32 $0xA, v11  }
0x1ac: {  	v46 =	vld.idx.msk [tilespmem:v5+s12+$0x0], $0xffff;
	v48 =	vor.u32 $0xB, v11;
	vm1 =	vgt.f32 v35, v20;
	v20 =	vmax.f32 v20, v35  }
0x1ad: {  	v59 =	vld.idx.msk [tilespmem:v7+s12+$0x0], $0xffff;
	v11 =	vsel vm1, v11, v29;
	vm0 =	vgt.f32 v31, v20;
	v20 =	vmax.f32 v20, v31  }
0x1ae: {  	v29 =	vld.idx.msk [tilespmem:v57+s12+$0x0], $0xffff;
	v11 =	vsel vm0, v13, v11;
	vm0 =	vgt.f32 v30, v20;
	v13 =	vmax.f32 v20, v30  }
0x1af: {  	v20 =	vld.idx.msk [tilespmem:v38+s12+$0x0], $0xffff;
	v11 =	vsel vm0, v17, v11;
	vm0 =	vgt.f32 v58, v13;
	v13 =	vmax.f32 v13, v58  }
0x1b0: {  	v17 =	vld.idx.msk [tilespmem:v43+s12+$0x0], $0xffff;
	v11 =	vsel vm0, v19, v11;
	vm0 =	vgt.f32 v42, v13;
	v13 =	vmax.f32 v13, v42  }
0x1b1: {  	v19 =	vld.idx.msk [tilespmem:v47+s12+$0x0], $0xffff;
	v8 =	vsel vm0, v8, v11;
	vm0 =	vgt.f32 v46, v13;
	v11 =	vmax.f32 v13, v46  }
0x1b2: {  	v13 =	vld.idx.msk [tilespmem:v48+s12+$0x0], $0xffff;
	v5 =	vsel vm0, v5, v8;
	vm0 =	vgt.f32 v59, v11;
	v8 =	vmax.f32 v11, v59  }
0x1b3: {  	v11 =	vld.idx.msk [tilespmem:v44+s12+$0x0], $0xffff;
	v5 =	vsel vm0, v7, v5;
	vm0 =	vgt.f32 v29, v8;
	v7 =	vmax.f32 v8, v29  }
0x1b4: {  	v8 =	vld.idx.msk [tilespmem:v45+s12+$0x0], $0xffff;
	v5 =	vsel vm0, v57, v5;
	vm0 =	vgt.f32 v20, v7;
	v7 =	vmax.f32 v7, v20  }
0x1b5: {  	v20 =	vld.idx.msk [tilespmem:v40+s12+$0x0], $0xffff;
	v5 =	vsel vm0, v38, v5;
	vm0 =	vgt.f32 v17, v7;
	v7 =	vmax.f32 v7, v17  }
0x1b6: {  	v17 =	vld.idx.msk [tilespmem:v41+s12+$0x0], $0xffff;
	v5 =	vsel vm0, v43, v5;
	vm0 =	vgt.f32 v19, v7;
	v7 =	vmax.f32 v7, v19  }
0x1b7: {  	v5 =	vsel vm0, v47, v5;
	vm0 =	vgt.f32 v13, v7;
	v7 =	vmax.f32 v7, v13  }
0x1b8: {  	v5 =	vsel vm0, v48, v5;
	vm0 =	vgt.f32 v11, v7;
	v7 =	vmax.f32 v7, v11  }
0x1b9: {  	v5 =	vsel vm0, v44, v5;
	vm0 =	vgt.f32 v8, v7;
	v7 =	vmax.f32 v7, v8  }
0x1ba: {  	v5 =	vsel vm0, v45, v5;
	vm0 =	vgt.f32 v20, v7;
	v7 =	vmax.f32 v7, v20  }
0x1bb: {  	v5 =	vsel vm0, v40, v5;
	vm0 =	vgt.f32 v17, v7  }
0x1bc: {  	v5 =	vsel vm0, v41, v5  }
0x1bd: {  	v5 =	vand.u32 $0x1FF, v5  }
0x1be: {  	s20 =	sor.u32 $0x40, s18;
	v5 =	vmul.u32 $0x3, v5  }
0x1bf: {  	v7 =	vmov s20  }
0x1c0: {  	v7 =	vmul.u32 $0x3, v7;
	_ =	sdelay $0x1  }
0x1c1: {  	v7 =	vbroadcast v7, $0x0;
	_ =	sdelay $0x1  }
0x1c2: {  	v11 =	vor.u32 v54, v7;
	v8 =	vld.idx.msk [tilespmem:v5+s10+$0x0], $0xffff  }
0x1c3: {  	v13 =	vadd.s32 $0x1, v5;
	_ =	sdelay $0x1  }
0x1c4: {  	v60 =	vld [tilespmem:$0x1FE60]  }
0x1c5: {  	v49 =	vld [tilespmem:$0x1FEB0]  }
0x1c6: {  	v50 =	vld [tilespmem:$0x1FEC0];
	[tilespmem:v11+s14+$0x0] =	vst.idx.msk $0xffff, v8  }
0x1c7: {  	v11 =	vor.u32 v55, v7;
	v8 =	vld.idx.msk [tilespmem:v13+s10+$0x0], $0xffff  }
0x1c8: {  	v51 =	vld [tilespmem:$0x1FED0];
	v5 =	vadd.s32 $0x2, v5  }
0x1c9: {  	v52 =	vld [tilespmem:$0x1FEE0]  }
0x1ca: {  	v53 =	vld [tilespmem:$0x1FEF0]  }
0x1cb: {  	v58 =	vld [tilespmem:$0x1FF10]  }
0x1cc: {  	v45 =	vld [tilespmem:$0x1FE70];
	[tilespmem:v11+s14+$0x0] =	vst.idx.msk $0xffff, v8  }
0x1cd: {  	v7 =	vor.u32 v56, v7;
	v5 =	vld.idx.msk [tilespmem:v5+s10+$0x0], $0xffff  }
0x1ce: {  	v46 =	vld [tilespmem:$0x1FE80]  }
0x1cf: {  	v47 =	vld [tilespmem:$0x1FE90]  }
0x1d0: {  	v48 =	vld [tilespmem:$0x1FEA0]  }
0x1d1: {  	v59 =	vld [tilespmem:$0x1FF20]  }
0x1d2: {  	v57 =	vld [tilespmem:$0x1FF00];
	[tilespmem:v7+s14+$0x0] =	vst.idx.msk $0xffff, v5  }
0x1d3: {  	v11 =	vld.idx.msk [tilespmem:v4+s12+$0x0], $0xffff  }
0x1d4: {  	v13 =	vld.idx.msk [tilespmem:v60+s12+$0x0], $0xffff  }
0x1d5: {  	v17 =	vld.idx.msk [tilespmem:v45+s12+$0x0], $0xffff  }
0x1d6: {  	v20 =	vld.idx.msk [tilespmem:v46+s12+$0x0], $0xffff  }
0x1d7: {  	v29 =	vimm.s32 $0x0;
	v19 =	vimm.f32 $-Inf;
	v8 =	vor.u32 $0xE, v4;
	v30 =	vld.idx.msk [tilespmem:v47+s12+$0x0], $0xffff  }
0x1d8: {  	v7 =	vor.u32 $0xF, v4;
	v31 =	vld.idx.msk [tilespmem:v48+s12+$0x0], $0xffff;
	vm0 =	vgt.f32 v11, v19;
	v11 =	vmax.f32 v19, v11  }
0x1d9: {  	v19 =	vld.idx.msk [tilespmem:v49+s12+$0x0], $0xffff;
	v29 =	vsel vm0, v4, v29;
	vm0 =	vgt.f32 v13, v11;
	v11 =	vmax.f32 v11, v13  }
0x1da: {  	v13 =	vld.idx.msk [tilespmem:v50+s12+$0x0], $0xffff;
	v29 =	vsel vm0, v60, v29;
	vm0 =	vgt.f32 v17, v11;
	v11 =	vmax.f32 v11, v17  }
0x1db: {  	v17 =	vld.idx.msk [tilespmem:v51+s12+$0x0], $0xffff;
	v29 =	vsel vm0, v45, v29;
	vm0 =	vgt.f32 v20, v11;
	v11 =	vmax.f32 v11, v20  }
0x1dc: {  	v20 =	vld.idx.msk [tilespmem:v52+s12+$0x0], $0xffff;
	v29 =	vsel vm0, v46, v29;
	vm0 =	vgt.f32 v30, v11;
	v11 =	vmax.f32 v11, v30  }
0x1dd: {  	v30 =	vld.idx.msk [tilespmem:v53+s12+$0x0], $0xffff;
	v29 =	vsel vm0, v47, v29;
	vm0 =	vgt.f32 v31, v11;
	v11 =	vmax.f32 v11, v31  }
0x1de: {  	v31 =	vld.idx.msk [tilespmem:v57+s12+$0x0], $0xffff;
	v29 =	vsel vm0, v48, v29;
	vm0 =	vgt.f32 v19, v11;
	v11 =	vmax.f32 v11, v19  }
0x1df: {  	v19 =	vld.idx.msk [tilespmem:v58+s12+$0x0], $0xffff;
	v29 =	vsel vm0, v49, v29;
	vm0 =	vgt.f32 v13, v11;
	v11 =	vmax.f32 v11, v13  }
0x1e0: {  	v13 =	vsel vm0, v50, v29;
	vm0 =	vgt.f32 v17, v11;
	v11 =	vmax.f32 v11, v17  }
0x1e1: {  	v29 =	vld.idx.msk [tilespmem:v59+s12+$0x0], $0xffff;
	v13 =	vsel vm0, v51, v13;
	vm0 =	vgt.f32 v20, v11;
	v11 =	vmax.f32 v11, v20  }
0x1e2: {  	v13 =	vsel vm0, v52, v13;
	vm0 =	vgt.f32 v30, v11;
	v11 =	vmax.f32 v11, v30  }
0x1e3: {  	v13 =	vsel vm0, v53, v13;
	vm0 =	vgt.f32 v31, v11;
	v17 =	vmax.f32 v11, v31  }
0x1e4: {  	v60 =	vld.idx.msk [tilespmem:v8+s12+$0x0], $0xffff;
	v20 =	vsel vm0, v57, v13;
	vm0 =	vgt.f32 v19, v17  }
0x1e5: {  	v19 =	vmax.f32 v17, v19;
	v30 =	vsel vm0, v58, v20;
	v20 =	vld.idx.msk [tilespmem:v7+s12+$0x0], $0xffff  }
0x1e6: {  	v11 =	vor.u32 $0x1, v15;
	vm0 =	vgt.f32 v29, v19;
	v31 =	vmax.f32 v19, v29;
	v19 =	vld.idx.msk [tilespmem:v15+s12+$0x0], $0xffff  }
0x1e7: {  	v13 =	vor.u32 $0x2, v15  }
0x1e8: {  	v5 =	vadd.s32 $0x10, v15;
	v17 =	vor.u32 $0x3, v15  }
0x1e9: {  	s20 =	simm.s32 $0x1E;
	v29 =	vsel vm0, v59, v30;
	vm0 =	vgt.f32 v60, v31;
	v30 =	vmax.f32 v31, v60  }
.LBB2_13:
0x1ea: {  	p1 =	sne.s32 s20, $0x1;
	s20 =	sadd.s32 $0xFFFFFFFF, s20;
	v8 =	vsel vm0, v8, v29;
	vm0 =	vgt.f32 v20, v30;
	v20 =	vmax.f32 v30, v20;
	v29 =	vmovc v5  }
0x1eb: {  	v30 =	vor.u32 $0x5, v5;
	vm1 =	vgt.f32 v19, v20;
	v31 =	vld.idx.msk [tilespmem:v11+s12+$0x0], $0xffff;
	v35 =	vsel vm0, v7, v8  }
0x1ec: {  	v37 =	vor.u32 $0x7, v15;
	v36 =	vld.idx.msk [tilespmem:v13+s12+$0x0], $0xffff  }
0x1ed: {  	v40 =	vor.u32 $0x8, v15;
	v8 =	vor.u32 $0xE, v15;
	v7 =	vor.u32 $0xF, v15;
	v38 =	vld.idx.msk [tilespmem:v17+s12+$0x0], $0xffff  }
0x1ee: {  	v42 =	vor.u32 $0x9, v15;
	v43 =	vor.u32 $0xC, v15;
	v44 =	vor.u32 $0xD, v15;
	v41 =	vld.idx.msk [tilespmem:v12+s12+$0x0], $0xffff  }
0x1ef: {  	v5 =	vadd.s32 $0x10, v5;
	v46 =	vor.u32 $0xA, v15;
	v47 =	vor.u32 $0xB, v15;
	v45 =	vld.idx.msk [tilespmem:v6+s12+$0x0], $0xffff  }
0x1f0: {  	v48 =	vor.u32 $0x4, v29;
	v49 =	vor.u32 $0x6, v29;
	v19 =	vmax.f32 v20, v19;
	v20 =	vld.idx.msk [tilespmem:v10+s12+$0x0], $0xffff  }
0x1f1: {  	v15 =	vsel vm1, v15, v35;
	vm0 =	vgt.f32 v31, v19;
	v19 =	vmax.f32 v19, v31;
	v31 =	vld.idx.msk [tilespmem:v37+s12+$0x0], $0xffff  }
0x1f2: {  	v11 =	vsel vm0, v11, v15;
	vm0 =	vgt.f32 v36, v19;
	v15 =	vmax.f32 v19, v36;
	v19 =	vld.idx.msk [tilespmem:v40+s12+$0x0], $0xffff  }
0x1f3: {  	v11 =	vsel vm0, v13, v11;
	vm0 =	vgt.f32 v38, v15;
	v13 =	vmax.f32 v15, v38;
	v15 =	vld.idx.msk [tilespmem:v42+s12+$0x0], $0xffff  }
0x1f4: {  	v11 =	vsel vm0, v17, v11;
	vm0 =	vgt.f32 v41, v13;
	v13 =	vmax.f32 v13, v41;
	v17 =	vld.idx.msk [tilespmem:v46+s12+$0x0], $0xffff  }
0x1f5: {  	v11 =	vsel vm0, v12, v11;
	vm0 =	vgt.f32 v45, v13;
	v12 =	vmax.f32 v13, v45;
	v13 =	vld.idx.msk [tilespmem:v47+s12+$0x0], $0xffff  }
0x1f6: {  	v6 =	vsel vm0, v6, v11;
	vm0 =	vgt.f32 v20, v12;
	v11 =	vmax.f32 v12, v20;
	v35 =	vld.idx.msk [tilespmem:v43+s12+$0x0], $0xffff  }
0x1f7: {  	v6 =	vsel vm0, v10, v6;
	vm0 =	vgt.f32 v31, v11;
	v10 =	vmax.f32 v11, v31;
	v31 =	vld.idx.msk [tilespmem:v44+s12+$0x0], $0xffff  }
0x1f8: {  	v37 =	vsel vm0, v37, v6;
	vm0 =	vgt.f32 v19, v10;
	v10 =	vmax.f32 v10, v19;
	v36 =	vld.idx.msk [tilespmem:v8+s12+$0x0], $0xffff  }
0x1f9: {  	v12 =	vsel vm0, v40, v37;
	vm0 =	vgt.f32 v15, v10;
	v10 =	vmax.f32 v10, v15;
	v20 =	vld.idx.msk [tilespmem:v7+s12+$0x0], $0xffff  }
0x1fa: {  	v11 =	vsel vm0, v42, v12;
	vm0 =	vgt.f32 v17, v10;
	v10 =	vmax.f32 v10, v17;
	v6 =	vmovc v30  }
.Ltmp7:
0x1fb: {  	v30 =	vsel vm0, v46, v11;
	vm0 =	vgt.f32 v13, v10;
	v37 =	vmax.f32 v10, v13;
	v19 =	vld.idx.msk [tilespmem:v29+s12+$0x0], $0xffff;
	(pc) =	sbr.rel @p1 .LBB2_13-.Ltmp7, $4  }
0x1fc: {  	v15 =	vmovc v29;
	v11 =	vor.u32 $0x1, v29;
	v17 =	vsel vm0, v47, v30;
	vm0 =	vgt.f32 v35, v37;
	v12 =	vmovc v48  }
0x1fd: {  	v13 =	vor.u32 $0x2, v15;
	v29 =	vmax.f32 v37, v35;
	v30 =	vsel vm0, v43, v17;
	v10 =	vmovc v49  }
0x1fe: {  	v17 =	vor.u32 $0x3, v15;
	vm0 =	vgt.f32 v31, v29;
	v31 =	vmax.f32 v29, v31  }
0x1ff: {  	v29 =	vsel vm0, v44, v30;
	vm0 =	vgt.f32 v36, v31;
	v30 =	vmax.f32 v31, v36  }
0x200: {  	_ =	sdelay $0x3  }
0x201: {  	v5 =	vsel vm0, v8, v29;
	vm0 =	vgt.f32 v20, v30;
	v8 =	vmax.f32 v30, v20;
	v20 =	vld.idx.msk [tilespmem:v11+s12+$0x0], $0xffff  }
0x202: {  	v29 =	vor.u32 $0x7, v15;
	v31 =	vor.u32 $0x8, v15;
	v5 =	vsel vm0, v7, v5;
	v7 =	vld.idx.msk [tilespmem:v13+s12+$0x0], $0xffff  }
0x203: {  	v30 =	vld.idx.msk [tilespmem:v17+s12+$0x0], $0xffff;
	v35 =	vor.u32 $0xE, v15;
	v36 =	vor.u32 $0xF, v15;
	v38 =	vor.u32 $0x9, v15  }
0x204: {  	v37 =	vld.idx.msk [tilespmem:v12+s12+$0x0], $0xffff;
	v40 =	vor.u32 $0xC, v15;
	v41 =	vor.u32 $0xD, v15;
	v43 =	vor.u32 $0xA, v15  }
0x205: {  	v42 =	vld.idx.msk [tilespmem:v6+s12+$0x0], $0xffff;
	v44 =	vor.u32 $0xB, v15;
	vm1 =	vgt.f32 v19, v8;
	v8 =	vmax.f32 v8, v19  }
0x206: {  	v19 =	vld.idx.msk [tilespmem:v10+s12+$0x0], $0xffff;
	v5 =	vsel vm1, v15, v5;
	vm0 =	vgt.f32 v20, v8;
	v8 =	vmax.f32 v8, v20  }
0x207: {  	v15 =	vld.idx.msk [tilespmem:v29+s12+$0x0], $0xffff;
	v5 =	vsel vm0, v11, v5;
	vm0 =	vgt.f32 v7, v8;
	v7 =	vmax.f32 v8, v7  }
0x208: {  	v8 =	vld.idx.msk [tilespmem:v31+s12+$0x0], $0xffff;
	v5 =	vsel vm0, v13, v5;
	vm0 =	vgt.f32 v30, v7;
	v7 =	vmax.f32 v7, v30  }
0x209: {  	v11 =	vld.idx.msk [tilespmem:v38+s12+$0x0], $0xffff;
	v5 =	vsel vm0, v17, v5;
	vm0 =	vgt.f32 v37, v7;
	v7 =	vmax.f32 v7, v37  }
0x20a: {  	v13 =	vld.idx.msk [tilespmem:v43+s12+$0x0], $0xffff;
	v5 =	vsel vm0, v12, v5;
	vm0 =	vgt.f32 v42, v7;
	v7 =	vmax.f32 v7, v42  }
0x20b: {  	v12 =	vld.idx.msk [tilespmem:v44+s12+$0x0], $0xffff;
	v5 =	vsel vm0, v6, v5;
	vm0 =	vgt.f32 v19, v7;
	v6 =	vmax.f32 v7, v19  }
0x20c: {  	v7 =	vld.idx.msk [tilespmem:v40+s12+$0x0], $0xffff;
	v5 =	vsel vm0, v10, v5;
	vm0 =	vgt.f32 v15, v6;
	v6 =	vmax.f32 v6, v15  }
0x20d: {  	v10 =	vld.idx.msk [tilespmem:v41+s12+$0x0], $0xffff;
	v5 =	vsel vm0, v29, v5;
	vm0 =	vgt.f32 v8, v6;
	v6 =	vmax.f32 v6, v8  }
0x20e: {  	v8 =	vld.idx.msk [tilespmem:v35+s12+$0x0], $0xffff;
	v5 =	vsel vm0, v31, v5;
	vm0 =	vgt.f32 v11, v6;
	v6 =	vmax.f32 v6, v11  }
0x20f: {  	v11 =	vld.idx.msk [tilespmem:v36+s12+$0x0], $0xffff;
	v5 =	vsel vm0, v38, v5;
	vm0 =	vgt.f32 v13, v6;
	v6 =	vmax.f32 v6, v13  }
0x210: {  	v5 =	vsel vm0, v43, v5;
	vm0 =	vgt.f32 v12, v6;
	v6 =	vmax.f32 v6, v12  }
0x211: {  	v5 =	vsel vm0, v44, v5;
	vm0 =	vgt.f32 v7, v6;
	v6 =	vmax.f32 v6, v7  }
0x212: {  	v5 =	vsel vm0, v40, v5;
	vm0 =	vgt.f32 v10, v6;
	v6 =	vmax.f32 v6, v10  }
0x213: {  	v5 =	vsel vm0, v41, v5;
	vm0 =	vgt.f32 v8, v6;
	v6 =	vmax.f32 v6, v8  }
0x214: {  	v5 =	vsel vm0, v35, v5;
	vm0 =	vgt.f32 v11, v6  }
0x215: {  	v5 =	vsel vm0, v36, v5  }
0x216: {  	v5 =	vand.u32 $0x1FF, v5  }
0x217: {  	s20 =	sor.u32 $0x50, s18;
	v5 =	vmul.u32 $0x3, v5  }
0x218: {  	v6 =	vmov s20  }
0x219: {  	v6 =	vmul.u32 $0x3, v6;
	_ =	sdelay $0x1  }
0x21a: {  	v6 =	vbroadcast v6, $0x0;
	_ =	sdelay $0x1  }
0x21b: {  	v7 =	vadd.s32 v54, v6;
	v8 =	vld.idx.msk [tilespmem:v5+s10+$0x0], $0xffff  }
0x21c: {  	v10 =	vadd.s32 $0x1, v5;
	_ =	sdelay $0x3  }
0x21d: {  	[tilespmem:v7+s14+$0x0] =	vst.idx.msk $0xffff, v8  }
0x21e: {  	v8 =	vadd.s32 v55, v6;
	v7 =	vld.idx.msk [tilespmem:v10+s10+$0x0], $0xffff  }
0x21f: {  	v5 =	vadd.s32 $0x2, v5;
	_ =	sdelay $0x3  }
0x220: {  	v58 =	vld [tilespmem:$0x1FDA0];
	[tilespmem:v8+s14+$0x0] =	vst.idx.msk $0xffff, v7  }
0x221: {  	v6 =	vadd.s32 v56, v6;
	v5 =	vld.idx.msk [tilespmem:v5+s10+$0x0], $0xffff  }
0x222: {  	v59 =	vld [tilespmem:$0x1FDB0]  }
0x223: {  	v31 =	vld [tilespmem:$0x1FDC0]  }
0x224: {  	v30 =	vld [tilespmem:$0x1FDD0]  }
0x225: {  	v60 =	vld [tilespmem:$0x1FDF0]  }
0x226: {  	v29 =	vld [tilespmem:$0x1FDE0];
	[tilespmem:v6+s14+$0x0] =	vst.idx.msk $0xffff, v5  }
0x227: {  	v8 =	vld.idx.msk [tilespmem:v62+s12+$0x0], $0xffff  }
0x228: {  	v10 =	vld.idx.msk [tilespmem:v61+s12+$0x0], $0xffff  }
0x229: {  	v11 =	vld.idx.msk [tilespmem:v58+s12+$0x0], $0xffff  }
0x22a: {  	v13 =	vld.idx.msk [tilespmem:v59+s12+$0x0], $0xffff  }
0x22b: {  	v15 =	vimm.s32 $0x0;
	v12 =	vimm.f32 $-Inf;
	v7 =	vor.u32 $0xE, v62;
	v17 =	vld.idx.msk [tilespmem:v31+s12+$0x0], $0xffff  }
0x22c: {  	v6 =	vor.u32 $0xF, v62;
	v19 =	vld.idx.msk [tilespmem:v30+s12+$0x0], $0xffff;
	vm0 =	vgt.f32 v8, v12;
	v8 =	vmax.f32 v12, v8  }
0x22d: {  	v20 =	vld [tilespmem:$0x1FE00];
	v15 =	vsel vm0, v62, v15;
	vm0 =	vgt.f32 v10, v8;
	v8 =	vmax.f32 v8, v10  }
0x22e: {  	v12 =	vld.idx.msk [tilespmem:v29+s12+$0x0], $0xffff;
	v15 =	vsel vm0, v61, v15;
	vm0 =	vgt.f32 v11, v8;
	v8 =	vmax.f32 v8, v11  }
0x22f: {  	v61 =	vld [tilespmem:$0x1FE10];
	v15 =	vsel vm0, v58, v15;
	vm0 =	vgt.f32 v13, v8;
	v8 =	vmax.f32 v8, v13  }
0x230: {  	v62 =	vld [tilespmem:$0x1FE20];
	v15 =	vsel vm0, v59, v15;
	vm0 =	vgt.f32 v17, v8;
	v8 =	vmax.f32 v8, v17  }
0x231: {  	v15 =	vsel vm0, v31, v15;
	vm0 =	vgt.f32 v19, v8;
	v31 =	vld [tilespmem:$0x1FE30]  }
0x232: {  	v8 =	vmax.f32 v8, v19;
	v15 =	vsel vm0, v30, v15;
	v30 =	vld [tilespmem:$0x1FE40]  }
0x233: {  	vm0 =	vgt.f32 v12, v8  }
0x234: {  	v15 =	vsel vm0, v29, v15;
	v29 =	vld [tilespmem:$0x1FE50]  }
0x235: {  	v10 =	vld.idx.msk [tilespmem:v60+s12+$0x0], $0xffff  }
0x236: {  	v11 =	vld.idx.msk [tilespmem:v20+s12+$0x0], $0xffff  }
0x237: {  	v13 =	vld.idx.msk [tilespmem:v61+s12+$0x0], $0xffff  }
0x238: {  	v17 =	vld.idx.msk [tilespmem:v62+s12+$0x0], $0xffff  }
0x239: {  	v8 =	vmax.f32 v8, v12;
	v19 =	vld.idx.msk [tilespmem:v31+s12+$0x0], $0xffff  }
0x23a: {  	vm0 =	vgt.f32 v10, v8;
	v8 =	vmax.f32 v8, v10;
	v12 =	vld.idx.msk [tilespmem:v30+s12+$0x0], $0xffff  }
0x23b: {  	v10 =	vsel vm0, v60, v15;
	vm0 =	vgt.f32 v11, v8;
	v8 =	vmax.f32 v8, v11  }
0x23c: {  	v10 =	vsel vm0, v20, v10;
	v15 =	vld.idx.msk [tilespmem:v29+s12+$0x0], $0xffff;
	vm0 =	vgt.f32 v13, v8;
	v8 =	vmax.f32 v8, v13  }
0x23d: {  	v10 =	vsel vm0, v61, v10;
	vm0 =	vgt.f32 v17, v8;
	v8 =	vmax.f32 v8, v17  }
0x23e: {  	v10 =	vsel vm0, v62, v10;
	vm0 =	vgt.f32 v19, v8;
	v11 =	vmax.f32 v8, v19  }
0x23f: {  	v20 =	vld.idx.msk [tilespmem:v7+s12+$0x0], $0xffff;
	v13 =	vsel vm0, v31, v10;
	vm0 =	vgt.f32 v12, v11  }
0x240: {  	v12 =	vmax.f32 v11, v12;
	v17 =	vsel vm0, v30, v13;
	v13 =	vld.idx.msk [tilespmem:v6+s12+$0x0], $0xffff  }
0x241: {  	v8 =	vor.u32 $0x1, v18;
	vm0 =	vgt.f32 v15, v12;
	v19 =	vmax.f32 v12, v15;
	v12 =	vld.idx.msk [tilespmem:v18+s12+$0x0], $0xffff  }
0x242: {  	v10 =	vor.u32 $0x2, v18  }
0x243: {  	v5 =	vadd.s32 $0x10, v18;
	v11 =	vor.u32 $0x3, v18  }
0x244: {  	s20 =	simm.s32 $0x1E;
	v15 =	vsel vm0, v29, v17;
	vm0 =	vgt.f32 v20, v19;
	v17 =	vmax.f32 v19, v20  }
.LBB2_15:
0x245: {  	p1 =	sne.s32 s20, $0x1;
	s20 =	sadd.s32 $0xFFFFFFFF, s20;
	v7 =	vsel vm0, v7, v15;
	vm0 =	vgt.f32 v13, v17;
	v13 =	vmax.f32 v17, v13;
	v15 =	vmovc v5  }
0x246: {  	v17 =	vor.u32 $0x5, v5;
	vm1 =	vgt.f32 v12, v13;
	v19 =	vld.idx.msk [tilespmem:v8+s12+$0x0], $0xffff;
	v20 =	vsel vm0, v6, v7  }
0x247: {  	v30 =	vor.u32 $0x7, v18;
	v29 =	vld.idx.msk [tilespmem:v10+s12+$0x0], $0xffff  }
0x248: {  	v35 =	vor.u32 $0x8, v18;
	v7 =	vor.u32 $0xE, v18;
	v6 =	vor.u32 $0xF, v18;
	v31 =	vld.idx.msk [tilespmem:v11+s12+$0x0], $0xffff  }
0x249: {  	v37 =	vor.u32 $0x9, v18;
	v38 =	vor.u32 $0xC, v18;
	v40 =	vor.u32 $0xD, v18;
	v36 =	vld.idx.msk [tilespmem:v16+s12+$0x0], $0xffff  }
0x24a: {  	v5 =	vadd.s32 $0x10, v5;
	v42 =	vor.u32 $0xA, v18;
	v43 =	vor.u32 $0xB, v18;
	v41 =	vld.idx.msk [tilespmem:v9+s12+$0x0], $0xffff  }
0x24b: {  	v44 =	vor.u32 $0x4, v15;
	v45 =	vor.u32 $0x6, v15;
	v12 =	vmax.f32 v13, v12;
	v13 =	vld.idx.msk [tilespmem:v14+s12+$0x0], $0xffff  }
0x24c: {  	v18 =	vsel vm1, v18, v20;
	vm0 =	vgt.f32 v19, v12;
	v12 =	vmax.f32 v12, v19;
	v19 =	vld.idx.msk [tilespmem:v30+s12+$0x0], $0xffff  }
0x24d: {  	v8 =	vsel vm0, v8, v18;
	vm0 =	vgt.f32 v29, v12;
	v12 =	vmax.f32 v12, v29;
	v18 =	vld.idx.msk [tilespmem:v35+s12+$0x0], $0xffff  }
0x24e: {  	v8 =	vsel vm0, v10, v8;
	vm0 =	vgt.f32 v31, v12;
	v10 =	vmax.f32 v12, v31;
	v12 =	vld.idx.msk [tilespmem:v37+s12+$0x0], $0xffff  }
0x24f: {  	v8 =	vsel vm0, v11, v8;
	vm0 =	vgt.f32 v36, v10;
	v10 =	vmax.f32 v10, v36;
	v11 =	vld.idx.msk [tilespmem:v42+s12+$0x0], $0xffff  }
0x250: {  	v8 =	vsel vm0, v16, v8;
	vm0 =	vgt.f32 v41, v10;
	v10 =	vmax.f32 v10, v41;
	v16 =	vld.idx.msk [tilespmem:v43+s12+$0x0], $0xffff  }
0x251: {  	v8 =	vsel vm0, v9, v8;
	vm0 =	vgt.f32 v13, v10;
	v9 =	vmax.f32 v10, v13;
	v20 =	vld.idx.msk [tilespmem:v38+s12+$0x0], $0xffff  }
0x252: {  	v8 =	vsel vm0, v14, v8;
	vm0 =	vgt.f32 v19, v9;
	v9 =	vmax.f32 v9, v19;
	v19 =	vld.idx.msk [tilespmem:v40+s12+$0x0], $0xffff  }
0x253: {  	v8 =	vsel vm0, v30, v8;
	vm0 =	vgt.f32 v18, v9;
	v14 =	vmax.f32 v9, v18;
	v29 =	vld.idx.msk [tilespmem:v7+s12+$0x0], $0xffff  }
0x254: {  	v8 =	vsel vm0, v35, v8;
	vm0 =	vgt.f32 v12, v14;
	v12 =	vmax.f32 v14, v12;
	v13 =	vld.idx.msk [tilespmem:v6+s12+$0x0], $0xffff  }
0x255: {  	v8 =	vsel vm0, v37, v8;
	vm0 =	vgt.f32 v11, v12;
	v10 =	vmax.f32 v12, v11;
	v9 =	vmovc v17  }
.Ltmp8:
0x256: {  	v11 =	vsel vm0, v42, v8;
	vm0 =	vgt.f32 v16, v10;
	v30 =	vmax.f32 v10, v16;
	v12 =	vld.idx.msk [tilespmem:v15+s12+$0x0], $0xffff;
	(pc) =	sbr.rel @p1 .LBB2_15-.Ltmp8, $4  }
0x257: {  	v18 =	vmovc v15;
	v8 =	vor.u32 $0x1, v15;
	v16 =	vmovc v44;
	v11 =	vsel vm0, v43, v11;
	vm0 =	vgt.f32 v20, v30  }
0x258: {  	v10 =	vor.u32 $0x2, v18;
	v14 =	vmovc v45;
	v15 =	vmax.f32 v30, v20;
	v17 =	vsel vm0, v38, v11  }
0x259: {  	v11 =	vor.u32 $0x3, v18;
	vm0 =	vgt.f32 v19, v15;
	v19 =	vmax.f32 v15, v19  }
0x25a: {  	v15 =	vsel vm0, v40, v17;
	vm0 =	vgt.f32 v29, v19;
	v17 =	vmax.f32 v19, v29  }
0x25b: {  	_ =	sdelay $0x3  }
0x25c: {  	v5 =	vsel vm0, v7, v15;
	vm0 =	vgt.f32 v13, v17;
	v7 =	vmax.f32 v17, v13;
	v44 =	vld.idx.msk [tilespmem:v8+s12+$0x0], $0xffff  }
0x25d: {  	v45 =	vor.u32 $0x7, v18;
	v19 =	vor.u32 $0x8, v18;
	v5 =	vsel vm0, v6, v5;
	v6 =	vld.idx.msk [tilespmem:v10+s12+$0x0], $0xffff  }
0x25e: {  	v46 =	vld.idx.msk [tilespmem:v11+s12+$0x0], $0xffff;
	v20 =	vor.u32 $0xE, v18;
	v29 =	vor.u32 $0xF, v18;
	v31 =	vor.u32 $0x9, v18  }
0x25f: {  	v30 =	vld.idx.msk [tilespmem:v16+s12+$0x0], $0xffff;
	v35 =	vor.u32 $0xC, v18;
	v36 =	vor.u32 $0xD, v18;
	v38 =	vor.u32 $0xA, v18  }
0x260: {  	v37 =	vld.idx.msk [tilespmem:v9+s12+$0x0], $0xffff;
	v40 =	vor.u32 $0xB, v18;
	vm1 =	vgt.f32 v12, v7;
	v7 =	vmax.f32 v7, v12  }
0x261: {  	v47 =	vld.idx.msk [tilespmem:v14+s12+$0x0], $0xffff;
	v5 =	vsel vm1, v18, v5;
	vm0 =	vgt.f32 v44, v7;
	v7 =	vmax.f32 v7, v44  }
0x262: {  	v48 =	vld.idx.msk [tilespmem:v45+s12+$0x0], $0xffff;
	v5 =	vsel vm0, v8, v5;
	vm0 =	vgt.f32 v6, v7;
	v6 =	vmax.f32 v7, v6  }
0x263: {  	v7 =	vld.idx.msk [tilespmem:v19+s12+$0x0], $0xffff;
	v5 =	vsel vm0, v10, v5;
	vm0 =	vgt.f32 v46, v6;
	v6 =	vmax.f32 v6, v46  }
0x264: {  	v8 =	vld.idx.msk [tilespmem:v31+s12+$0x0], $0xffff;
	v5 =	vsel vm0, v11, v5;
	vm0 =	vgt.f32 v30, v6;
	v6 =	vmax.f32 v6, v30  }
0x265: {  	v10 =	vld.idx.msk [tilespmem:v38+s12+$0x0], $0xffff;
	v5 =	vsel vm0, v16, v5;
	vm0 =	vgt.f32 v37, v6;
	v6 =	vmax.f32 v6, v37  }
0x266: {  	v11 =	vld.idx.msk [tilespmem:v40+s12+$0x0], $0xffff;
	v5 =	vsel vm0, v9, v5;
	vm0 =	vgt.f32 v47, v6;
	v6 =	vmax.f32 v6, v47  }
0x267: {  	v9 =	vld.idx.msk [tilespmem:v35+s12+$0x0], $0xffff;
	v5 =	vsel vm0, v14, v5;
	vm0 =	vgt.f32 v48, v6;
	v6 =	vmax.f32 v6, v48  }
0x268: {  	v49 =	vld.idx.msk [tilespmem:v36+s12+$0x0], $0xffff;
	v5 =	vsel vm0, v45, v5;
	vm0 =	vgt.f32 v7, v6;
	v6 =	vmax.f32 v6, v7  }
0x269: {  	v7 =	vld.idx.msk [tilespmem:v20+s12+$0x0], $0xffff;
	v5 =	vsel vm0, v19, v5;
	vm0 =	vgt.f32 v8, v6;
	v6 =	vmax.f32 v6, v8  }
0x26a: {  	v8 =	vld.idx.msk [tilespmem:v29+s12+$0x0], $0xffff;
	v5 =	vsel vm0, v31, v5;
	vm0 =	vgt.f32 v10, v6;
	v6 =	vmax.f32 v6, v10  }
0x26b: {  	v5 =	vsel vm0, v38, v5;
	vm0 =	vgt.f32 v11, v6;
	v6 =	vmax.f32 v6, v11  }
0x26c: {  	v5 =	vsel vm0, v40, v5;
	vm0 =	vgt.f32 v9, v6;
	v6 =	vmax.f32 v6, v9  }
0x26d: {  	v5 =	vsel vm0, v35, v5;
	vm0 =	vgt.f32 v49, v6;
	v6 =	vmax.f32 v6, v49  }
0x26e: {  	v5 =	vsel vm0, v36, v5;
	vm0 =	vgt.f32 v7, v6;
	v6 =	vmax.f32 v6, v7  }
0x26f: {  	v5 =	vsel vm0, v20, v5;
	vm0 =	vgt.f32 v8, v6  }
0x270: {  	v5 =	vsel vm0, v29, v5  }
0x271: {  	v5 =	vand.u32 $0x1FF, v5  }
0x272: {  	s20 =	sor.u32 $0x60, s18;
	v5 =	vmul.u32 $0x3, v5  }
0x273: {  	v6 =	vmov s20  }
0x274: {  	v6 =	vmul.u32 $0x3, v6;
	_ =	sdelay $0x1  }
0x275: {  	v6 =	vbroadcast v6, $0x0;
	_ =	sdelay $0x1  }
0x276: {  	v7 =	vadd.s32 v54, v6;
	v8 =	vld.idx.msk [tilespmem:v5+s10+$0x0], $0xffff  }
0x277: {  	v9 =	vadd.s32 $0x1, v5;
	_ =	sdelay $0x3  }
0x278: {  	[tilespmem:v7+s14+$0x0] =	vst.idx.msk $0xffff, v8  }
0x279: {  	v8 =	vadd.s32 v55, v6;
	v7 =	vld.idx.msk [tilespmem:v9+s10+$0x0], $0xffff  }
0x27a: {  	v5 =	vadd.s32 $0x2, v5;
	_ =	sdelay $0x3  }
0x27b: {  	[tilespmem:v8+s14+$0x0] =	vst.idx.msk $0xffff, v7  }
0x27c: {  	v6 =	vadd.s32 v56, v6;
	v5 =	vld.idx.msk [tilespmem:v5+s10+$0x0], $0xffff;
	_ =	sdelay $0x3  }
0x27d: {  	v60 =	vld [tilespmem:$0x1FD80]  }
0x27e: {  	v61 =	vld [tilespmem:$0x1FD90];
	[tilespmem:v6+s14+$0x0] =	vst.idx.msk $0xffff, v5  }
0x27f: {  	v8 =	vld.idx.msk [tilespmem:v28+s12+$0x0], $0xffff  }
0x280: {  	v9 =	vld.idx.msk [tilespmem:v27+s12+$0x0], $0xffff  }
0x281: {  	v10 =	vld.idx.msk [tilespmem:v26+s12+$0x0], $0xffff  }
0x282: {  	v50 =	vld.idx.msk [tilespmem:v25+s12+$0x0], $0xffff  }
0x283: {  	v51 =	vimm.s32 $0x0;
	v11 =	vimm.f32 $-Inf;
	v7 =	vor.u32 $0xE, v28;
	v52 =	vld.idx.msk [tilespmem:v24+s12+$0x0], $0xffff  }
0x284: {  	v6 =	vor.u32 $0xF, v28;
	v53 =	vld.idx.msk [tilespmem:v23+s12+$0x0], $0xffff;
	vm0 =	vgt.f32 v8, v11;
	v8 =	vmax.f32 v11, v8  }
0x285: {  	v11 =	vld.idx.msk [tilespmem:v3+s12+$0x0], $0xffff;
	v13 =	vsel vm0, v28, v51;
	vm0 =	vgt.f32 v9, v8;
	v8 =	vmax.f32 v8, v9  }
0x286: {  	v9 =	vld.idx.msk [tilespmem:v21+s12+$0x0], $0xffff;
	v13 =	vsel vm0, v27, v13;
	vm0 =	vgt.f32 v10, v8;
	v8 =	vmax.f32 v8, v10  }
0x287: {  	v10 =	vld.idx.msk [tilespmem:v1+s12+$0x0], $0xffff;
	v13 =	vsel vm0, v26, v13;
	vm0 =	vgt.f32 v50, v8;
	v8 =	vmax.f32 v8, v50  }
0x288: {  	v57 =	vld.idx.msk [tilespmem:v2+s12+$0x0], $0xffff;
	v13 =	vsel vm0, v25, v13;
	vm0 =	vgt.f32 v52, v8;
	v8 =	vmax.f32 v8, v52  }
0x289: {  	v58 =	vld.idx.msk [tilespmem:v22+s12+$0x0], $0xffff;
	v13 =	vsel vm0, v24, v13;
	vm0 =	vgt.f32 v53, v8;
	v8 =	vmax.f32 v8, v53  }
0x28a: {  	v13 =	vsel vm0, v23, v13;
	vm0 =	vgt.f32 v11, v8;
	v8 =	vmax.f32 v8, v11  }
0x28b: {  	v59 =	vld.idx.msk [tilespmem:v63+s12+$0x0], $0xffff;
	v3 =	vsel vm0, v3, v13;
	vm0 =	vgt.f32 v9, v8;
	v8 =	vmax.f32 v8, v9  }
0x28c: {  	v11 =	vld.idx.msk [tilespmem:v60+s12+$0x0], $0xffff;
	v3 =	vsel vm0, v21, v3;
	vm0 =	vgt.f32 v10, v8;
	v8 =	vmax.f32 v8, v10  }
0x28d: {  	v10 =	vld.idx.msk [tilespmem:v61+s12+$0x0], $0xffff;
	v1 =	vsel vm0, v1, v3;
	vm0 =	vgt.f32 v57, v8;
	v3 =	vmax.f32 v8, v57  }
0x28e: {  	v1 =	vsel vm0, v2, v1;
	vm0 =	vgt.f32 v58, v3  }
0x28f: {  	v2 =	vmax.f32 v3, v58;
	v3 =	vsel vm0, v22, v1  }
0x290: {  	v62 =	vld.idx.msk [tilespmem:v7+s12+$0x0], $0xffff;
	vm0 =	vgt.f32 v59, v2;
	v8 =	vmax.f32 v2, v59;
	v1 =	vor.u32 $0x1, v39  }
0x291: {  	v9 =	vld.idx.msk [tilespmem:v6+s12+$0x0], $0xffff;
	v3 =	vsel vm0, v63, v3;
	vm0 =	vgt.f32 v11, v8;
	v8 =	vmax.f32 v8, v11  }
0x292: {  	v11 =	vsel vm0, v60, v3;
	vm0 =	vgt.f32 v10, v8;
	v63 =	vmax.f32 v8, v10;
	v8 =	vld.idx.msk [tilespmem:v39+s12+$0x0], $0xffff  }
0x293: {  	v2 =	vor.u32 $0x2, v39  }
0x294: {  	v5 =	vadd.s32 $0x10, v39;
	v3 =	vor.u32 $0x3, v39  }
0x295: {  	s20 =	simm.s32 $0x1E;
	v10 =	vsel vm0, v61, v11;
	vm0 =	vgt.f32 v62, v63;
	v11 =	vmax.f32 v63, v62  }
.LBB2_17:
0x296: {  	p1 =	sne.s32 s20, $0x1;
	s20 =	sadd.s32 $0xFFFFFFFF, s20;
	v7 =	vsel vm0, v7, v10;
	vm0 =	vgt.f32 v9, v11;
	v9 =	vmax.f32 v11, v9;
	v10 =	vmovc v5  }
0x297: {  	v11 =	vor.u32 $0x5, v5;
	vm1 =	vgt.f32 v8, v9;
	v12 =	vld.idx.msk [tilespmem:v1+s12+$0x0], $0xffff;
	v13 =	vsel vm0, v6, v7  }
0x298: {  	v15 =	vor.u32 $0x7, v39;
	v14 =	vld.idx.msk [tilespmem:v2+s12+$0x0], $0xffff  }
0x299: {  	v17 =	vor.u32 $0x8, v39;
	v7 =	vor.u32 $0xE, v39;
	v6 =	vor.u32 $0xF, v39;
	v16 =	vld.idx.msk [tilespmem:v3+s12+$0x0], $0xffff  }
0x29a: {  	v19 =	vor.u32 $0x9, v39;
	v20 =	vor.u32 $0xC, v39;
	v21 =	vor.u32 $0xD, v39;
	v18 =	vld.idx.msk [tilespmem:v34+s12+$0x0], $0xffff  }
0x29b: {  	v5 =	vadd.s32 $0x10, v5;
	v23 =	vor.u32 $0xA, v39;
	v24 =	vor.u32 $0xB, v39;
	v22 =	vld.idx.msk [tilespmem:v32+s12+$0x0], $0xffff  }
0x29c: {  	v25 =	vor.u32 $0x4, v10;
	v26 =	vor.u32 $0x6, v10;
	v8 =	vmax.f32 v9, v8;
	v9 =	vld.idx.msk [tilespmem:v33+s12+$0x0], $0xffff  }
0x29d: {  	v13 =	vsel vm1, v39, v13;
	vm0 =	vgt.f32 v12, v8;
	v8 =	vmax.f32 v8, v12;
	v12 =	vld.idx.msk [tilespmem:v15+s12+$0x0], $0xffff  }
0x29e: {  	v1 =	vsel vm0, v1, v13;
	vm0 =	vgt.f32 v14, v8;
	v8 =	vmax.f32 v8, v14;
	v13 =	vld.idx.msk [tilespmem:v17+s12+$0x0], $0xffff  }
0x29f: {  	v1 =	vsel vm0, v2, v1;
	vm0 =	vgt.f32 v16, v8;
	v2 =	vmax.f32 v8, v16;
	v8 =	vld.idx.msk [tilespmem:v19+s12+$0x0], $0xffff  }
0x2a0: {  	v1 =	vsel vm0, v3, v1;
	vm0 =	vgt.f32 v18, v2;
	v2 =	vmax.f32 v2, v18;
	v3 =	vld.idx.msk [tilespmem:v23+s12+$0x0], $0xffff  }
0x2a1: {  	v1 =	vsel vm0, v34, v1;
	vm0 =	vgt.f32 v22, v2;
	v2 =	vmax.f32 v2, v22;
	v14 =	vld.idx.msk [tilespmem:v24+s12+$0x0], $0xffff  }
0x2a2: {  	v1 =	vsel vm0, v32, v1;
	vm0 =	vgt.f32 v9, v2;
	v2 =	vmax.f32 v2, v9;
	v16 =	vld.idx.msk [tilespmem:v20+s12+$0x0], $0xffff  }
0x2a3: {  	v1 =	vsel vm0, v33, v1;
	vm0 =	vgt.f32 v12, v2;
	v2 =	vmax.f32 v2, v12;
	v12 =	vld.idx.msk [tilespmem:v21+s12+$0x0], $0xffff  }
0x2a4: {  	v1 =	vsel vm0, v15, v1;
	vm0 =	vgt.f32 v13, v2;
	v2 =	vmax.f32 v2, v13;
	v13 =	vld.idx.msk [tilespmem:v7+s12+$0x0], $0xffff  }
0x2a5: {  	v1 =	vsel vm0, v17, v1;
	vm0 =	vgt.f32 v8, v2;
	v2 =	vmax.f32 v2, v8;
	v9 =	vld.idx.msk [tilespmem:v6+s12+$0x0], $0xffff  }
0x2a6: {  	v32 =	vmovc v11;
	v1 =	vsel vm0, v19, v1;
	vm0 =	vgt.f32 v3, v2;
	v2 =	vmax.f32 v2, v3  }
.Ltmp9:
0x2a7: {  	v3 =	vsel vm0, v23, v1;
	vm0 =	vgt.f32 v14, v2;
	v11 =	vmax.f32 v2, v14;
	v8 =	vld.idx.msk [tilespmem:v10+s12+$0x0], $0xffff;
	(pc) =	sbr.rel @p1 .LBB2_17-.Ltmp9, $4  }
0x2a8: {  	v39 =	vmovc v10;
	v34 =	vmovc v25;
	v1 =	vor.u32 $0x1, v10;
	v3 =	vsel vm0, v24, v3;
	vm0 =	vgt.f32 v16, v11  }
0x2a9: {  	v33 =	vmovc v26;
	v2 =	vor.u32 $0x2, v39;
	v10 =	vmax.f32 v11, v16;
	v11 =	vsel vm0, v20, v3  }
0x2aa: {  	v3 =	vor.u32 $0x3, v39;
	vm0 =	vgt.f32 v12, v10;
	v12 =	vmax.f32 v10, v12  }
0x2ab: {  	v10 =	vsel vm0, v21, v11;
	vm0 =	vgt.f32 v13, v12;
	v11 =	vmax.f32 v12, v13  }
0x2ac: {  	_ =	sdelay $0x3  }
0x2ad: {  	v5 =	vsel vm0, v7, v10;
	vm12 =	vgt.f32 v9, v11;
	v7 =	vmax.f32 v11, v9;
	v57 =	vld.idx.msk [tilespmem:v1+s12+$0x0], $0xffff  }
0x2ae: {  	v58 =	vor.u32 $0x7, v39;
	v12 =	vor.u32 $0x8, v39;
	v5 =	vsel vm12, v6, v5;
	v6 =	vld.idx.msk [tilespmem:v2+s12+$0x0], $0xffff  }
0x2af: {  	v59 =	vld.idx.msk [tilespmem:v3+s12+$0x0], $0xffff;
	v13 =	vor.u32 $0xE, v39;
	v14 =	vor.u32 $0xF, v39;
	v16 =	vor.u32 $0x9, v39  }
0x2b0: {  	v15 =	vld.idx.msk [tilespmem:v34+s12+$0x0], $0xffff;
	v17 =	vor.u32 $0xC, v39;
	v18 =	vor.u32 $0xD, v39;
	v20 =	vor.u32 $0xA, v39  }
0x2b1: {  	v19 =	vld.idx.msk [tilespmem:v32+s12+$0x0], $0xffff;
	v21 =	vor.u32 $0xB, v39;
	vm1 =	vgt.f32 v8, v7;
	v7 =	vmax.f32 v7, v8  }
0x2b2: {  	v60 =	vld.idx.msk [tilespmem:v33+s12+$0x0], $0xffff;
	v5 =	vsel vm1, v39, v5;
	vm13 =	vgt.f32 v57, v7;
	v7 =	vmax.f32 v7, v57  }
0x2b3: {  	v61 =	vld.idx.msk [tilespmem:v58+s12+$0x0], $0xffff;
	v1 =	vsel vm13, v1, v5;
	vm14 =	vgt.f32 v6, v7;
	v5 =	vmax.f32 v7, v6  }
0x2b4: {  	v6 =	vld.idx.msk [tilespmem:v12+s12+$0x0], $0xffff;
	v1 =	vsel vm14, v2, v1;
	vm15 =	vgt.f32 v59, v5;
	v2 =	vmax.f32 v5, v59  }
0x2b5: {  	v5 =	vld.idx.msk [tilespmem:v16+s12+$0x0], $0xffff;
	v1 =	vsel vm15, v3, v1;
	vm4 =	vgt.f32 v15, v2;
	v2 =	vmax.f32 v2, v15  }
0x2b6: {  	v3 =	vld.idx.msk [tilespmem:v20+s12+$0x0], $0xffff;
	v1 =	vsel vm4, v34, v1;
	vm5 =	vgt.f32 v19, v2;
	v2 =	vmax.f32 v2, v19  }
0x2b7: {  	v7 =	vld.idx.msk [tilespmem:v21+s12+$0x0], $0xffff;
	v1 =	vsel vm5, v32, v1;
	vm6 =	vgt.f32 v60, v2;
	v2 =	vmax.f32 v2, v60  }
0x2b8: {  	v62 =	vld.idx.msk [tilespmem:v17+s12+$0x0], $0xffff;
	v1 =	vsel vm6, v33, v1;
	vm7 =	vgt.f32 v61, v2;
	v2 =	vmax.f32 v2, v61  }
0x2b9: {  	v63 =	vld.idx.msk [tilespmem:v18+s12+$0x0], $0xffff;
	v1 =	vsel vm7, v58, v1;
	vm8 =	vgt.f32 v6, v2;
	v2 =	vmax.f32 v2, v6  }
0x2ba: {  	v6 =	vld.idx.msk [tilespmem:v13+s12+$0x0], $0xffff;
	v1 =	vsel vm8, v12, v1;
	vm9 =	vgt.f32 v5, v2;
	v2 =	vmax.f32 v2, v5  }
0x2bb: {  	v5 =	vld.idx.msk [tilespmem:v14+s12+$0x0], $0xffff;
	v1 =	vsel vm9, v16, v1;
	vm10 =	vgt.f32 v3, v2;
	v2 =	vmax.f32 v2, v3  }
0x2bc: {  	v1 =	vsel vm10, v20, v1;
	vm11 =	vgt.f32 v7, v2;
	v2 =	vmax.f32 v2, v7  }
0x2bd: {  	v1 =	vsel vm11, v21, v1;
	vm12 =	vgt.f32 v62, v2;
	v2 =	vmax.f32 v2, v62  }
0x2be: {  	v1 =	vsel vm12, v17, v1;
	vm13 =	vgt.f32 v63, v2;
	v2 =	vmax.f32 v2, v63  }
0x2bf: {  	v1 =	vsel vm13, v18, v1;
	vm14 =	vgt.f32 v6, v2;
	v2 =	vmax.f32 v2, v6  }
0x2c0: {  	v1 =	vsel vm14, v13, v1;
	vm15 =	vgt.f32 v5, v2  }
0x2c1: {  	v1 =	vsel vm15, v14, v1  }
0x2c2: {  	v1 =	vand.u32 $0x1FF, v1  }
0x2c3: {  	s18 =	sor.u32 $0x70, s18;
	v1 =	vmul.u32 $0x3, v1  }
0x2c4: {  	v2 =	vmov s18  }
0x2c5: {  	v2 =	vmul.u32 $0x3, v2;
	_ =	sdelay $0x1  }
0x2c6: {  	v2 =	vbroadcast v2, $0x0;
	_ =	sdelay $0x1  }
0x2c7: {  	v3 =	vadd.s32 v54, v2;
	v5 =	vld.idx.msk [tilespmem:v1+s10+$0x0], $0xffff  }
0x2c8: {  	v6 =	vadd.s32 $0x1, v1;
	_ =	sdelay $0x3  }
0x2c9: {  	[tilespmem:v3+s14+$0x0] =	vst.idx.msk $0xffff, v5  }
0x2ca: {  	v5 =	vadd.s32 v55, v2;
	v3 =	vld.idx.msk [tilespmem:v6+s10+$0x0], $0xffff  }
0x2cb: {  	v1 =	vadd.s32 $0x2, v1;
	_ =	sdelay $0x3  }
0x2cc: {  	[tilespmem:v5+s14+$0x0] =	vst.idx.msk $0xffff, v3  }
0x2cd: {  	v2 =	vadd.s32 v56, v2;
	v1 =	vld.idx.msk [tilespmem:v1+s10+$0x0], $0xffff  }
.Ltmp10:
0x2ce: {  	_ = 	snop;
	(pc) =	sbr.rel @p0 .LBB2_20-.Ltmp10, $2  }
0x2cf: {  	_ =	sdelay $0x2  }
0x2d0: {  	[tilespmem:v2+s14+$0x0] =	vst.idx.msk $0xffff, v1  }
.Ltmp11:
0x2d1: {  	(pc) =	sbr.rel .LBB2_2-.Ltmp11, $3  }
0x2d2: {  	_ =	sdelay $0x1  }
0x2d3: {  	s18 =	sadd.s32 s19, s7;
	s17 =	sadd.s32 $0x1, s17  }
0x2d4: {  	[tilespmem:s12], [sflag:$0x2] =	stream.linear.gather [hbm4b:s18+s2], $0x8000, $0x38;
	[tilespmem:$0x16600] =	vst v63  }
.LBB2_21:
0x2d5: {  	_ =	sfence.sel $0x180000  }
0x2d6: {  	[bflag:$0x0] =	sbarrier.arrive $0xFFFF  }
0x2d7: {  	p0 =	sne.s32 s1, $0x0;
	_ =	strace $0x9000004A  }
0x2d8: {  	s0 =	sadd.s32 @!p0 $0x100000, s0;
	[bflag:$0x2] =	sbarrier.arrive $0xFFFF  }
0x2d9: {  	[sflag:s0] =	ssyncadd.tile.s32 @!p0 $0x1;
	_ =	shalt  }
.Lfunc_end2:
_tile_overlayer_lowered:
.L_overlay_start_2:
0x2da: {  	(tag) =	ssettag $0x2  }
0x2db: {  	s0 =	rddreg [dreg:$0x0];
	s2 =	stileid.u32  }
0x2dc: {  	s1 =	rddreg [dreg:$0x1];
	p0 =	sne.s32 s2, $0x0  }
0x2dd: {  	s3 =	rddreg [dreg:$0x2];
	[bflag:$0x3] =	sbarrier.arrive $0xFFFF;
	s2 =	simm.s32 @!p0 $0x1C03  }
0x2de: {  	[timem:s3], [sflag:s2] =	dma.local @!p0 [hbm:s0], s1  }
0x2df: {  	s0 =	simm.s32 @!p0 $0x3  }
0x2e0: {  	_ =	swait.ge @!p0 [sflag:s0], s1  }
0x2e1: {  	s1 =	ssub.s32 @!p0 $0x0, s1;
	[sflag:s0] =	ssyncset.done @!p0 $0x0  }
0x2e2: {  	[sflag:s0] =	ssyncadd.s32 @!p0 s1  }
0x2e3: {  	[bflag:$0x3] =	sbarrier.arrive $0xFFFF  }
0x2e4: {  	_ =	shalt  }

// kernel: sparse-core-data-format-call.cloned.1.call-start
scs
called_computation_lowered:
.L_overlay_start_0:
0x0: {  	s2 =	sld [smem:$0x3FD9]  }
0x1: {  	s3 =	sld [smem:$0x3FFE];
	_ =	sdelay $0x1  }
0x2: {  	s1 =	srdreg.scid  }
0x3: {  	s0 =	sand.u32 $0x1, s1  }
0x4: {  	s18 =	sshll.u32 s0, $0xA;
	s2 =	sadd.s32 s3, s2  }
0x5: {  	s2 =	sadd.s32 s2, s18  }
0x6: {  	[smem:$0x3FC6] =	sst s2  }
0x7: {  	_ = 	snop  }
0x8: {  	s2 =	sld [smem:$0x3FC9];
	(tm) =	ssettm $0x1  }
0x9: {  	s19 =	sld [smem:$0x3FFB];
	_ =	sdelay $0x3  }
0xa: {  	_ =	strace s19  }
0xb: {  	s3 =	sld [smem:$0x3FFC];
	_ =	sdelay $0x3  }
0xc: {  	_ =	strace s3  }
0xd: {  	s3 =	sld [smem:$0x3FFD];
	_ =	sdelay $0x3  }
0xe: {  	_ =	strace s3  }
0xf: {  	_ =	strace $0x8FFFFFFF  }
0x10: {  	s20 =	sld [smem:$0x3FDB];
	_ =	sdelay $0x1  }
0x11: {  	s4 =	simm.s32 $_scs_section_size  }
0x12: {  	s5 =	simm.s32 $_size__tile_overlayer_lowered;
	s6 =	simm.s32 $_tile_overlayer_lowered  }
0x13: {  	s23 =	simm.s32 $0x1BFF;
	s22 =	sshll.u32 s6, $0x1;
	s3 =	sadd.s32 s4, s20  }
0x14: {  	s7 =	simm.s32 $0x0;
	s21 =	sshll.u32 s5, $0x1;
	s5 =	sadd.s32 s22, s3  }
0x15: {  	[timem:s7], [sflag:s23] =	dma.local [hbm:s5], s21  }
0x16: {  	_ =	swait.ge [sflag:s23], s21  }
0x17: {  	s4 =	ssub.s32 $0x0, s21;
	[sflag:s23] =	ssyncset.done $0x0  }
0x18: {  	[sflag:s23] =	ssyncadd.s32 s4;
	_ =	sdelay $0x1  }
0x19: {  	s24 =	simm.s32 $0x1B8B  }
0x1a: {  	_ =	swait.ge [sflag:s24], $0x1  }
0x1b: {  	[sflag:s24] =	ssyncset.done $0x0  }
0x1c: {  	s26 =	simm.s32 $0x1B8E;
	s25 =	sld [smem:$0x3FFE];
	[sflag:s24] =	ssyncadd.s32 $0xFFFFFFFF  }
0x1d: {  	s27 =	simm.s32 $execute0_lowered;
	[smem:$0x3FD2] =	sst s26  }
0x1e: {  	s5 =	sshll.u32 s27, $0x1;
	_ =	strace $0x80000046;
	[dreg:$0x1] =	wrdreg $0xFFFFFFFF  }
0x1f: {  	s28 =	simm.s32 $_size_execute0_lowered;
	s3 =	sadd.s32 s3, s5;
	[dreg:$0x0] =	wrdreg $0x0  }
0x20: {  	s5 =	sshll.u32 s28, $0x1;
	[dreg:$0x2] =	wrdreg s3  }
0x21: {  	[dreg:$0x3] =	wrdreg s5  }
0x22: {  	[dreg:$0x4] =	wrdreg $0xC0  }
0x23: {  	_ =	task [dreg:s7], $0x5FFFF  }
0x24: {  	[dreg:$0x1] =	wrdreg $0xFFFFFFFF  }
0x25: {  	[dreg:$0x0] =	wrdreg $0x60  }
0x26: {  	[dreg:$0x2] =	wrdreg s2  }
0x27: {  	[dreg:$0x3] =	wrdreg s25  }
0x28: {  	[dreg:$0x4] =	wrdreg $0x9  }
0x29: {  	_ =	task.clear_ibuf [dreg:s7], $0x5FFFF;
	_ =	strace $0x90000046  }
0x2a: {  	s29 =	simm.s32 $0x9;
	_ =	strace $0x80000048  }
0x2b: {  	_ =	swait.ge [sflag:s29], $0x1  }
0x2c: {  	[sflag:s29] =	ssyncadd.s32 $0xFFFFFFFF  }
0x2d: {  	_ =	strace $0x90000048  }
0x2e: {  	_ =	sfence  }
0x2f: {  	s30 =	sld [smem:$0x0];
	_ =	sdelay $0x2  }
0x30: {  	s31 =	sshll.u32 s1, $0xD;
	s1 =	sshrl.u32 s1, $0x2  }
0x31: {  	s3 =	sand.u32 $0x4000, s31;
	s1 =	sadd.s32 s1, s30  }
0x32: {  	s0 =	sor.u32 s3, s0;
	s1 =	sshll.u32 s1, $0x11  }
0x33: {  	s0 =	sor.u32 s1, s0  }
0x34: {  	s0 =	sadd.s32 $0x8F2B, s0  }
0x35: {  	[sflag:s0] =	ssyncadd.remote.s32 $0x1  }
0x36: {  	_ =	sfence.sel $0xFFFF  }
0x37: {  	[dreg:$0x0] =	wrdreg $0xFFFFFFFF;
	(pc) =	sbr.abs _section_cstart, $3  }
0x38: {  	[dreg:$0x1] =	wrdreg $0xFFFFFFFF  }
0x39: {  	_ =	task.clear_ibuf [dreg:s7], $0x2FFFF;
	_ =	strace $0x9FFFFFFF  }
0x3a: {  	(tm) =	ssettm $0x7FFFFFFF  }
0x3b: {  	_ =	shalt  }
tec
execute0_lowered:
.L_overlay_start_1:
0x0: {  	(tag) =	ssettag $0x1  }
0x1: {  	s0 =	srdreg.scid  }
0x2: {  	s1 =	sshll.u32 s0, $0x4  }
0x3: {  	s2 =	rddreg [dreg:$0x0];
	s0 =	stileid.u32;
	s1 =	sand.u32 $0x10, s1  }
0x4: {  	s4 =	rddreg [dreg:$0x1];
	s7 =	simm.s32 $0x1;
	s1 =	sor.u32 s0, s1  }
0x5: {  	s8 =	simm.s32 $0x2;
	s9 =	simm.s32 $0x0;
	s3 =	sshll.u32 s1, $0x2  }
0x6: {  	s12 =	simm.s32 $0x0;
	s11 =	simm.s32 $0x0;
	s6 =	ssub.s32 $0x8000, s3  }
.Ltmp0:
0x7: {  	s4 =	sadd.s32 $0xA00, s4;
	s5 =	sand.u32 $0x7C, s6;
	(pc) =	sbr.rel .LBB1_1-.Ltmp0, $4  }
0x8: {  	s1 =	rddreg [dreg:$0x2];
	_ =	strace $0x80000047;
	p0 =	sne.s32 s5, $0x0  }
0x9: {  	s6 =	sshrl.u32 s6, $0x7;
	s5 =	simm.s32 $0x1;
	s7 =	simm.s32 @!p0 $0x0  }
0xa: {  	s10 =	smov.u32 s3;
	[sflag:s5] =	ssyncpa.u1 $0x0;
	s6 =	sadd.s32 s7, s6  }
0xb: {  	[sflag:s8] =	ssyncpa.u1 $0x0;
	s8 =	simm.s32 $0x0;
	s7 =	sadd.s32 $0x1, s6  }
.LBB1_9:
0xc: {  	s14 =	sadd.s32 $0x80, s10  }
0xd: {  	p1 =	sgt.s32 s14, $0x7FFF  }
0xe: {  	s14 =	smov.u32 @p1 s3;
	p1 =	sne.s32 s11, s7  }
.Ltmp1:
0xf: {  	p0 =	slt.u32 s11, $0x2;
	(pc) =	sbr.rel @!p1 .LBB1_10-.Ltmp1, $4  }
0x10: {  	s13 =	simm.s32 @!p0 $0x2  }
0x11: {  	s15 =	sadd.s32 $0x1, s11;
	_ =	swait.ge @!p0 [sflag:s13], $0x4000  }
0x12: {  	s12 =	smov.u32 s10;
	s9 =	sadd.s32 $0x4000, s9;
	[sflag:s13] =	ssyncset.done @!p0 $0x0  }
0x13: {  	s11 =	smov.u32 s15;
	s10 =	smov.u32 s14;
	[sflag:s13] =	ssyncadd.s32 @!p0 $0xFFFFC000  }
.LBB1_1:
0x14: {  	p0 =	sge.u32 s11, s6  }
0x15: {  	s13 =	sxor.u32 @!p0 $0xFFFFFFFF, s11  }
0x16: {  	s31 =	sadd.s32 $0xFFFFFFFF, s11;
	s14 =	sshll.u32 @!p0 s10, $0x9;
	s13 =	sshll.u32 @!p0 s13, $0xE  }
0x17: {  	s15 =	simm.s32 @!p0 $0x0;
	s14 =	sadd.s32 @!p0 s2, s14;
	s13 =	sand.u32 @!p0 $0x4000, s13  }
0x18: {  	[tilespmem:s13], [sflag:$0x1] =	stream.linear.gather @!p0 [hbm4b:s14+s15], $0x4000, $0x38;
	[tilespmem:$0x10000] =	vst v63  }
0x19: {  	p0 =	sge.u32 s31, s6  }
.Ltmp2:
0x1a: {  	_ = 	snop;
	(pc) =	sbr.rel @p0 .LBB1_9-.Ltmp2, $1  }
0x1b: {  	_ =	sdelay $0x3  }
0x1c: {  	s14 =	sand.u32 $0x4000, s9  }
0x1d: {  	_ =	swait.ge [sflag:s5], $0x4000;
	s15 =	sshll.u32 s11, $0xE;
	s16 =	simm.s32 $0x0  }
0x1e: {  	s13 =	sor.u32 $0x40, s14;
	[sflag:s5] =	ssyncset.done $0x0;
	s15 =	sand.u32 $0x4000, s15  }
0x1f: {  	s14 =	sor.u32 $0x8040, s14;
	[sflag:s5] =	ssyncadd.s32 $0xFFFFC000;
	s15 =	sor.u32 $0x8000, s15  }
.LBB1_3:
0x20: {  	s17 =	smov.u32 s14;
	s18 =	smov.u32 s13;
	s19 =	simm.s32 $0x0  }
.LBB1_4:
0x21: {  	v0 =	vmov s17;
	v2 =	vld [tilespmem:s18+$0x30]  }
0x22: {  	v4 =	vld [tilespmem:s18+$0xFFFFFFD0]  }
0x23: {  	v6 =	vld [tilespmem:s18+$0xFFFFFFE0]  }
0x24: {  	v7 =	vld [tilespmem:s18+$0xFFFFFFF0]  }
0x25: {  	s20 =	simm.s32 $0x0;
	v1 =	vld [tilespmem:s18+$0x0]  }
0x26: {  	v3 =	vld [tilespmem:s18+$0x10];
	[tilespmem:v0+s20+$0x30 ss:$0x1] =	vst.idx.msk $0xffff, v2  }
0x27: {  	v5 =	vld [tilespmem:s18+$0x20];
	[tilespmem:v0+s20+$0xFFFFFFD0 ss:$0x1] =	vst.idx.msk $0xffff, v4  }
0x28: {  	s21 =	sadd.s32 $0x80, s18;
	v2 =	vld [tilespmem:s18+$0xFFFFFFC0];
	[tilespmem:v0+s20+$0xFFFFFFE0 ss:$0x1] =	vst.idx.msk $0xffff, v6  }
0x29: {  	s22 =	simm.s32 $0x800;
	s23 =	simm.s32 $0x1000;
	v4 =	vld [tilespmem:s21+$0x30];
	[tilespmem:v0+s20+$0xFFFFFFF0 ss:$0x1] =	vst.idx.msk $0xffff, v7  }
.LBB1_5:
0x2a: {  	p0 =	sne.s32 s23, $0x3800;
	v6 =	vld [tilespmem:s21+$0xFFFFFFD0];
	[tilespmem:v0+s20+$0x0 ss:$0x1] =	vst.idx.msk $0xffff, v1  }
0x2b: {  	v7 =	vld [tilespmem:s21+$0xFFFFFFE0];
	[tilespmem:v0+s20+$0x10 ss:$0x1] =	vst.idx.msk $0xffff, v3  }
0x2c: {  	v8 =	vld [tilespmem:s21+$0xFFFFFFF0];
	[tilespmem:v0+s20+$0x20 ss:$0x1] =	vst.idx.msk $0xffff, v5  }
.Ltmp3:
0x2d: {  	v1 =	vld [tilespmem:s21+$0x0];
	[tilespmem:v0+s20+$0xFFFFFFC0 ss:$0x1] =	vst.idx.msk $0xffff, v2;
	s20 =	sshra.s32 s22, $0x2;
	s22 =	smov.u32 s23;
	(pc) =	sbr.rel @p0 .LBB1_5-.Ltmp3, $4  }
0x2e: {  	v3 =	vld [tilespmem:s21+$0x10];
	[tilespmem:v0+s20+$0x30 ss:$0x1] =	vst.idx.msk $0xffff, v4  }
0x2f: {  	[tilespmem:v0+s20+$0xFFFFFFD0 ss:$0x1] =	vst.idx.msk $0xffff, v6;
	v5 =	vld [tilespmem:s21+$0x20]  }
0x30: {  	v2 =	vld [tilespmem:s21+$0xFFFFFFC0];
	[tilespmem:v0+s20+$0xFFFFFFE0 ss:$0x1] =	vst.idx.msk $0xffff, v7;
	s21 =	sadd.s32 $0x80, s21  }
0x31: {  	s23 =	sadd.s32 $0x800, s23;
	v4 =	vld [tilespmem:s21+$0x30];
	[tilespmem:v0+s20+$0xFFFFFFF0 ss:$0x1] =	vst.idx.msk $0xffff, v8  }
0x32: {  	_ =	sdelay $0x3  }
0x33: {  	v6 =	vld [tilespmem:s21+$0xFFFFFFD0];
	[tilespmem:v0+s20+$0x0 ss:$0x1] =	vst.idx.msk $0xffff, v1  }
0x34: {  	v58 =	vld [tilespmem:s21+$0xFFFFFFE0];
	[tilespmem:v0+s20+$0x10 ss:$0x1] =	vst.idx.msk $0xffff, v3  }
0x35: {  	v59 =	vld [tilespmem:s21+$0xFFFFFFF0];
	[tilespmem:v0+s20+$0x20 ss:$0x1] =	vst.idx.msk $0xffff, v5  }
0x36: {  	s22 =	sshra.s32 s22, $0x2;
	v60 =	vld [tilespmem:s21+$0x0];
	[tilespmem:v0+s20+$0xFFFFFFC0 ss:$0x1] =	vst.idx.msk $0xffff, v2  }
0x37: {  	v61 =	vld [tilespmem:s21+$0x10];
	[tilespmem:v0+s22+$0x30 ss:$0x1] =	vst.idx.msk $0xffff, v4  }
0x38: {  	v62 =	vld [tilespmem:s21+$0x20];
	s19 =	sadd.s32 $0x1, s19;
	[tilespmem:v0+s22+$0xFFFFFFD0 ss:$0x1] =	vst.idx.msk $0xffff, v6  }
0x39: {  	v63 =	vld [tilespmem:s21+$0xFFFFFFC0];
	p0 =	sne.s32 s19, $0x4;
	[tilespmem:v0+s22+$0xFFFFFFE0 ss:$0x1] =	vst.idx.msk $0xffff, v58  }
.Ltmp4:
0x3a: {  	[tilespmem:v0+s22+$0xFFFFFFF0 ss:$0x1] =	vst.idx.msk $0xffff, v59;
	(pc) =	sbr.rel @p0 .LBB1_4-.Ltmp4, $4  }
0x3b: {  	[tilespmem:v0+s22+$0x0 ss:$0x1] =	vst.idx.msk $0xffff, v60  }
0x3c: {  	[tilespmem:v0+s22+$0x10 ss:$0x1] =	vst.idx.msk $0xffff, v61  }
0x3d: {  	[tilespmem:v0+s22+$0x20 ss:$0x1] =	vst.idx.msk $0xffff, v62  }
0x3e: {  	s18 =	sadd.s32 $0x400, s18;
	s17 =	sadd.s32 $0x80, s17;
	[tilespmem:v0+s22+$0xFFFFFFC0 ss:$0x1] =	vst.idx.msk $0xffff, v63  }
0x3f: {  	s16 =	sadd.s32 $0x1, s16  }
0x40: {  	p0 =	sne.s32 s16, $0x4  }
.Ltmp5:
0x41: {  	_ = 	snop;
	(pc) =	sbr.rel @p0 .LBB1_3-.Ltmp5, $2  }
0x42: {  	_ =	sdelay $0x2  }
0x43: {  	s13 =	sadd.s32 $0x1000, s13;
	s14 =	sadd.s32 $0x1000, s14  }
.Ltmp6:
0x44: {  	(pc) =	sbr.rel .LBB1_9-.Ltmp6, $4  }
0x45: {  	_ = 	snop  }
0x46: {  	s12 =	sshll.u32 s12, $0x9  }
0x47: {  	s12 =	sadd.s32 s4, s12  }
0x48: {  	[hbm4b:s12+s8] =	stream.linear.scatter [tilespmem:s15], [sflag:$0x2], $0x4000, $0x38;
	[tilespmem:$0x10000] =	vst v63  }
.LBB1_10:
0x49: {  	_ =	sfence.sel $0x180000  }
0x4a: {  	s2 =	simm.s32 $0x1;
	[bflag:$0x0] =	sbarrier.arrive $0xFFFF  }
0x4b: {  	s31 =	simm.s32 $0x2;
	[sflag:s2] =	ssyncpa.u1 $0x1  }
0x4c: {  	[sflag:s31] =	ssyncpa.u1 $0x1  }
0x4d: {  	p0 =	sne.s32 s0, $0x0;
	_ =	strace $0x90000047  }
0x4e: {  	s0 =	sadd.s32 @!p0 $0x100000, s1;
	[bflag:$0x2] =	sbarrier.arrive $0xFFFF  }
0x4f: {  	[sflag:s0] =	ssyncadd.tile.s32 @!p0 $0x1;
	_ =	shalt  }
.Lfunc_end1:
_tile_overlayer_lowered:
.L_overlay_start_2:
0x50: {  	(tag) =	ssettag $0x2  }
0x51: {  	s0 =	rddreg [dreg:$0x0];
	s2 =	stileid.u32  }
0x52: {  	s1 =	rddreg [dreg:$0x1];
	p0 =	sne.s32 s2, $0x0  }
0x53: {  	s3 =	rddreg [dreg:$0x2];
	[bflag:$0x3] =	sbarrier.arrive $0xFFFF;
	s2 =	simm.s32 @!p0 $0x1C01  }
0x54: {  	[timem:s3], [sflag:s2] =	dma.local @!p0 [hbm:s0], s1  }
0x55: {  	s0 =	simm.s32 @!p0 $0x1  }
0x56: {  	_ =	swait.ge @!p0 [sflag:s0], s1  }
0x57: {  	s1 =	ssub.s32 @!p0 $0x0, s1;
	[sflag:s0] =	ssyncset.done @!p0 $0x0  }
0x58: {  	[sflag:s0] =	ssyncadd.s32 @!p0 s1  }
0x59: {  	[bflag:$0x3] =	sbarrier.arrive $0xFFFF  }
0x5a: {  	_ =	shalt  }

</sc_bundles>
